<compile_context>
chip_gen: v7x
topology: tpu7x:2x2x1
jax: 0.10.2.dev20260603
libtpu: 0.0.44.dev20260713+nightly
codegen_flags: <defaults>
</compile_context>

<pallas_src>
import jax
import jax.numpy as jnp
from jax import lax
from jax.experimental import pallas as pl
from jax.experimental.pallas import tpu as pltpu

B = 16
N = 4096
C = 64
NODES = 64
NSAMP = 64
RAD2 = 0.3 ** 2
MTOT = float(B * N)
NEGBIG = -3.0e38
POSBIG = 3.0e38


def _bi(shape, dim):
    return lax.broadcasted_iota(jnp.int32, shape, dim)


def _eye64():
    return (_bi((64, 64), 0) == _bi((64, 64), 1)).astype(jnp.float32)


def _col(row, eye):
    return lax.dot_general(eye, row, (((1,), (1,)), ((), ())),
                           preferred_element_type=jnp.float32, precision=lax.Precision.HIGHEST)


def _row(colv, eye):
    return lax.dot_general(colv, eye, (((0,), (0,)), ((), ())),
                           preferred_element_type=jnp.float32, precision=lax.Precision.HIGHEST)


def _sqdist(nx, ny, nz, lxr, lyr, lzr):
    bf = jnp.bfloat16
    f32 = jnp.float32
    p0 = nx.astype(bf).astype(f32) * lxr.astype(bf).astype(f32)
    p1 = ny.astype(bf).astype(f32) * lyr.astype(bf).astype(f32)
    p2 = nz.astype(bf).astype(f32) * lzr.astype(bf).astype(f32)
    ab = (p0 + p1) + p2
    n2 = nx * nx + ny * ny + nz * nz
    l2 = lxr * lxr + lyr * lyr + lzr * lzr
    return (-2.0 * ab + n2) + l2



def _k1a_body(loc_ref, fea_ref, woff_ref, fpl_ref, bmat_ref, a_ref,
              s1_ref, s2_ref):
    woff = woff_ref[...]
    s1 = jnp.zeros((C, 1), jnp.float32)
    s2 = jnp.zeros((C, C), jnp.float32)
    for b in range(B):
        fea_b = fea_ref[b]
        a_ref[b] = jnp.dot(woff, fea_b, preferred_element_type=jnp.float32, precision=lax.Precision.HIGHEST)
        s1 = s1 + jnp.sum(fea_b, axis=1, keepdims=True)
        s2 = s2 + lax.dot_general(fea_b, fea_b, (((1,), (1,)), ((), ())),
                                  preferred_element_type=jnp.float32, precision=lax.Precision.HIGHEST)
    s1_ref[...] = s1
    s2_ref[...] = s2

    lx = loc_ref[:, 0, :]
    ly = loc_ref[:, 1, :]
    lz = loc_ref[:, 2, :]
    a0 = a_ref[:, 0, :]
    a1 = a_ref[:, 1, :]
    a2 = a_ref[:, 2, :]
    iota_l = _bi((B, N), 1)
    iota_s = _bi((B, NODES), 1)

    def step(t, carry):
        distance, far, fx, fy, fz, g0, g1, g2 = carry
        onehot = (iota_l == far).astype(jnp.float32)
        cx = jnp.sum(lx * onehot, axis=1, keepdims=True)
        cy = jnp.sum(ly * onehot, axis=1, keepdims=True)
        cz = jnp.sum(lz * onehot, axis=1, keepdims=True)
        b0 = jnp.sum(a0 * onehot, axis=1, keepdims=True)
        b1 = jnp.sum(a1 * onehot, axis=1, keepdims=True)
        b2 = jnp.sum(a2 * onehot, axis=1, keepdims=True)
        sel = (iota_s == t)
        fx = jnp.where(sel, cx, fx)
        fy = jnp.where(sel, cy, fy)
        fz = jnp.where(sel, cz, fz)
        g0 = jnp.where(sel, b0, g0)
        g1 = jnp.where(sel, b1, g1)
        g2 = jnp.where(sel, b2, g2)
        dx = lx - cx
        dy = ly - cy
        dz = lz - cz
        dist = (dx * dx + dy * dy) + dz * dz
        distance = jnp.minimum(distance, dist)
        m = jnp.max(distance, axis=1, keepdims=True)
        far = jnp.min(jnp.where(distance == m, iota_l, N), axis=1,
                      keepdims=True)
        return distance, far, fx, fy, fz, g0, g1, g2

    z = jnp.zeros((B, NODES), jnp.float32)
    carry = (jnp.full((B, N), 1.0e10, jnp.float32),
             jnp.zeros((B, 1), jnp.int32), z, z, z, z, z, z)
    _, _, fx, fy, fz, g0, g1, g2 = lax.fori_loop(0, NODES, step, carry)
    fpl_ref[:, 0, :] = fx
    fpl_ref[:, 1, :] = fy
    fpl_ref[:, 2, :] = fz
    bmat_ref[:, 0, :] = g0
    bmat_ref[:, 1, :] = g1
    bmat_ref[:, 2, :] = g2



def _k1b_body(loc_ref, a_ref, fpl_ref, bmat_ref, nloc_ref, noff_ref):
    eye = _eye64()
    lxr = loc_ref[0, 0:1, :]
    lyr = loc_ref[0, 1:2, :]
    lzr = loc_ref[0, 2:3, :]
    nx = _col(fpl_ref[0, 0:1, :], eye)
    ny = _col(fpl_ref[0, 1:2, :], eye)
    nz = _col(fpl_ref[0, 2:3, :], eye)
    sqr = _sqdist(nx, ny, nz, lxr, lyr, lzr)

    mask = sqr <= RAD2
    iota_l = _bi((NODES, N), 1)
    cnt = jnp.sum(mask.astype(jnp.int32), axis=1, keepdims=True)
    i0 = jnp.min(jnp.where(mask, iota_l, N), axis=1, keepdims=True)

    lo = jnp.full((NODES, 1), -1, jnp.int32)
    hi = jnp.full((NODES, 1), N - 1, jnp.int32)
    for _ in range(12):
        mid = lo + jnp.right_shift(hi - lo, 1)
        c = jnp.sum((mask & (iota_l <= mid)).astype(jnp.int32), axis=1,
                    keepdims=True)
        ge = c >= NSAMP
        hi = jnp.where(ge, mid, hi)
        lo = jnp.where(ge, lo, mid)
    cap = jnp.where(cnt >= NSAMP, hi, N - 1)
    selected = mask & (iota_l <= cap)
    pad = (NSAMP - jnp.minimum(cnt, NSAMP)).astype(jnp.float32)
    w = selected.astype(jnp.float32) + pad * (iota_l == i0).astype(
        jnp.float32)

    bm0 = _col(bmat_ref[0, 0:1, :], eye)
    bm1 = _col(bmat_ref[0, 1:2, :], eye)
    bm2 = _col(bmat_ref[0, 2:3, :], eye)
    a0 = a_ref[0, 0:1, :]
    a1 = a_ref[0, 1:2, :]
    a2 = a_ref[0, 2:3, :]
    inv = 1.0 / float(NSAMP)
    off0 = jnp.sum(w * (jnp.tanh(a0 - bm0) * (lxr - nx)), axis=1,
                   keepdims=True) * inv
    off1 = jnp.sum(w * (jnp.tanh(a1 - bm1) * (lyr - ny)), axis=1,
                   keepdims=True) * inv
    off2 = jnp.sum(w * (jnp.tanh(a2 - bm2) * (lzr - nz)), axis=1,
                   keepdims=True) * inv
    noff_ref[:, 0, :] = _row(off0, eye)
    noff_ref[:, 1, :] = _row(off1, eye)
    noff_ref[:, 2, :] = _row(off2, eye)
    nloc_ref[:, 0, :] = _row(nx + off0, eye)
    nloc_ref[:, 1, :] = _row(ny + off1, eye)
    nloc_ref[:, 2, :] = _row(nz + off2, eye)



def _k2_body(loc_ref, fea_ref, nloc_ref, w_ref, b_ref, gam_ref, bet_ref,
             s1_ref, s2_ref, interp_ref, nfea_ref):
    eye = _eye64()
    W = w_ref[...]
    ws1 = jnp.dot(W, s1_ref[...], preferred_element_type=jnp.float32, precision=lax.Precision.HIGHEST)
    ws2 = jnp.dot(W, s2_ref[...], preferred_element_type=jnp.float32, precision=lax.Precision.HIGHEST)
    diagq = jnp.sum(ws2 * W, axis=1, keepdims=True)
    mean_wx = ws1 / MTOT
    var = diagq / MTOT - mean_wx * mean_wx
    scale = gam_ref[...] / jnp.sqrt(var + 1.0e-5)
    Wh = scale * W
    bh = bet_ref[...] - scale * mean_wx

    fea = fea_ref[0]
    resid = jnp.maximum(
        jnp.dot(Wh, fea, preferred_element_type=jnp.float32, precision=lax.Precision.HIGHEST) + bh, 0.0)

    lxr = loc_ref[0, 0:1, :]
    lyr = loc_ref[0, 1:2, :]
    lzr = loc_ref[0, 2:3, :]
    nx = _col(nloc_ref[0, 0:1, :], eye)
    ny = _col(nloc_ref[0, 1:2, :], eye)
    nz = _col(nloc_ref[0, 2:3, :], eye)
    sqr = _sqdist(nx, ny, nz, lxr, lyr, lzr)

    k = lax.bitcast_convert_type(sqr, jnp.int32)
    k2 = jnp.where(k < 0, k ^ jnp.int32(0x7FFFFFFF), k)
    iota_l = _bi((NODES, N), 1)

    lo = jnp.full((NODES, 1), -980000000, jnp.int32)
    hi = jnp.full((NODES, 1), 1090519040, jnp.int32)
    for _ in range(31):
        mid = lo + jnp.right_shift(hi - lo, 1)
        c = jnp.sum((k2 <= mid).astype(jnp.int32), axis=1, keepdims=True)
        ge = c >= NSAMP
        hi = jnp.where(ge, mid, hi)
        lo = jnp.where(ge, lo, mid)
    T = hi
    ltm = k2 < T
    eqm = k2 == T
    nlt = jnp.sum(ltm.astype(jnp.int32), axis=1, keepdims=True)
    lo2 = jnp.full((NODES, 1), -1, jnp.int32)
    hi2 = jnp.full((NODES, 1), N - 1, jnp.int32)
    for _ in range(12):
        mid = lo2 + jnp.right_shift(hi2 - lo2, 1)
        c = nlt + jnp.sum((eqm & (iota_l <= mid)).astype(jnp.int32),
                          axis=1, keepdims=True)
        ge = c >= NSAMP
        hi2 = jnp.where(ge, mid, hi2)
        lo2 = jnp.where(ge, lo2, mid)
    mask2 = ltm | (eqm & (iota_l <= hi2))

    iota_cl = _bi((NODES, C), 1)
    nfT = jnp.zeros((NODES, C), jnp.float32)
    for c in range(C):
        v = jnp.where(mask2, resid[c:c + 1, :], NEGBIG)
        mx = jnp.max(v, axis=1, keepdims=True)
        nfT = jnp.where(iota_cl == c, mx, nfT)
    nf = lax.dot_general(nfT, eye, (((0,), (0,)), ((), ())),
                         preferred_element_type=jnp.float32, precision=lax.Precision.HIGHEST)
    nfea_ref[0] = nf

    iota_s = _bi((NODES, N), 0)
    d = sqr
    wmT = jnp.zeros((NODES, N), jnp.float32)
    wsum = jnp.zeros((1, N), jnp.float32)
    for _ in range(3):
        m1 = jnp.min(d, axis=0, keepdims=True)
        selidx = jnp.min(jnp.where(d == m1, iota_s, NODES), axis=0,
                         keepdims=True)
        fm = iota_s == selidx
        wk = 1.0 / jnp.maximum(m1, 1.0e-10)
        wmT = wmT + wk * fm.astype(jnp.float32)
        wsum = wsum + wk
        d = jnp.where(fm, POSBIG, d)
    wmT = wmT / wsum
    interp_ref[0] = jnp.dot(nf, wmT, preferred_element_type=jnp.float32, precision=lax.Precision.HIGHEST)



def kernel(input_fea, input_loc, W_res, b_res, gamma_res, beta_res, W_off):
    fea3 = jnp.squeeze(input_fea, 3)

    fpl, bmat, A, s1, s2 = pl.pallas_call(
        _k1a_body,
        out_shape=[
            jax.ShapeDtypeStruct((B, 3, NODES), jnp.float32),
            jax.ShapeDtypeStruct((B, 3, NODES), jnp.float32),
            jax.ShapeDtypeStruct((B, 3, N), jnp.float32),
            jax.ShapeDtypeStruct((C, 1), jnp.float32),
            jax.ShapeDtypeStruct((C, C), jnp.float32),
        ],
    )(input_loc, fea3, W_off)

    node_loc, node_offset = pl.pallas_call(
        _k1b_body,
        grid=(B,),
        in_specs=[
            pl.BlockSpec((1, 3, N), lambda b: (b, 0, 0)),
            pl.BlockSpec((1, 3, N), lambda b: (b, 0, 0)),
            pl.BlockSpec((1, 3, NODES), lambda b: (b, 0, 0)),
            pl.BlockSpec((1, 3, NODES), lambda b: (b, 0, 0)),
        ],
        out_specs=[
            pl.BlockSpec((1, 3, NODES), lambda b: (b, 0, 0)),
            pl.BlockSpec((1, 3, NODES), lambda b: (b, 0, 0)),
        ],
        out_shape=[
            jax.ShapeDtypeStruct((B, 3, NODES), jnp.float32),
            jax.ShapeDtypeStruct((B, 3, NODES), jnp.float32),
        ],
        compiler_params=pltpu.CompilerParams(
            dimension_semantics=("parallel",)),
    )(input_loc, A, fpl, bmat)

    interp, nfea = pl.pallas_call(
        _k2_body,
        grid=(B,),
        in_specs=[
            pl.BlockSpec((1, 3, N), lambda b: (b, 0, 0)),
            pl.BlockSpec((1, C, N), lambda b: (b, 0, 0)),
            pl.BlockSpec((1, 3, NODES), lambda b: (b, 0, 0)),
            pl.BlockSpec((C, C), lambda b: (0, 0)),
            pl.BlockSpec((C, 1), lambda b: (0, 0)),
            pl.BlockSpec((C, 1), lambda b: (0, 0)),
            pl.BlockSpec((C, 1), lambda b: (0, 0)),
            pl.BlockSpec((C, 1), lambda b: (0, 0)),
            pl.BlockSpec((C, C), lambda b: (0, 0)),
        ],
        out_specs=[
            pl.BlockSpec((1, C, N), lambda b: (b, 0, 0)),
            pl.BlockSpec((1, C, NODES), lambda b: (b, 0, 0)),
        ],
        out_shape=[
            jax.ShapeDtypeStruct((B, C, N), jnp.float32),
            jax.ShapeDtypeStruct((B, C, NODES), jnp.float32),
        ],
        compiler_params=pltpu.CompilerParams(
            dimension_semantics=("parallel",)),
    )(input_loc, fea3, node_loc, W_res, b_res.reshape(C, 1),
      gamma_res.reshape(C, 1), beta_res.reshape(C, 1), s1, s2)

    output_fea = jnp.concatenate([fea3, interp], axis=1)[..., None]
    return output_fea, nfea[..., None], node_offset

# --- scband reference (transcript-rebuilt; emitter-appended) ---
"""Pipeline reference for scband-adapt-layer-off-39943195853000 (READ-ONLY COPY).

The authoritative reference and input builder live on the scoring server;
editing this copy changes nothing except your own understanding.
"""

import jax, jax.numpy as jnp
import numpy as np

NUM_NODE = 64
NSAMPLE = 64


def square_distance(src, dst):
    B, _, N = src.shape
    M = dst.shape[2]
    dist = -2.0 * jnp.matmul(src.transpose(0, 2, 1), dst)
    dist = dist + jnp.sum(src ** 2, axis=1).reshape(B, N, 1)
    dist = dist + jnp.sum(dst ** 2, axis=1).reshape(B, 1, M)
    return dist


def index_points(points, idx):
    # points: [B, C, N] or [B, C, N, 1]; idx: [B, S] or [B, S, K]
    if points.ndim == 4:
        points = jnp.squeeze(points, axis=3)
    pts = points.transpose(0, 2, 1)  # [B, N, C]
    gathered = jax.vmap(lambda p, i: p[i])(pts, idx)  # [B, *idx.shape[1:], C]
    if gathered.ndim == 3:
        return gathered.transpose(0, 2, 1)  # [B, C, S]
    else:
        return gathered.transpose(0, 3, 1, 2)  # [B, C, S, K]


def farthest_point_sample(xyz, npoint):
    # deterministic variant: initial farthest index is 0 (torch original uses randint)
    B, C, N = xyz.shape
    distance = jnp.full((B, N), 1e10, dtype=xyz.dtype)
    farthest = jnp.zeros((B,), dtype=jnp.int32)
    batch_indices = jnp.arange(B)
    cents = []
    for _ in range(npoint):
        cents.append(farthest)
        centroid = xyz[batch_indices, :, farthest].reshape(B, C, 1)
        dist = jnp.sum((xyz - centroid) ** 2, axis=1)
        distance = jnp.minimum(distance, dist)
        farthest = jnp.argmax(distance, axis=-1).astype(jnp.int32)
    return jnp.stack(cents, axis=1)  # [B, npoint]


def query_ball_point(radius, nsample, xyz, new_xyz):
    B, C, N = xyz.shape
    S = new_xyz.shape[2]
    sqrdists = square_distance(new_xyz, xyz)  # [B, S, N]
    if radius is not None:
        group_idx = jnp.broadcast_to(jnp.arange(N, dtype=jnp.int32).reshape(1, 1, N), (B, S, N))
        group_idx = jnp.where(sqrdists > radius ** 2, N, group_idx)
        group_idx = jnp.sort(group_idx, axis=-1)[:, :, :nsample]
        group_first = jnp.broadcast_to(group_idx[:, :, 0:1], group_idx.shape)
        group_idx = jnp.where(group_idx == N, group_first, group_idx)
    else:
        group_idx = jnp.argsort(sqrdists, axis=-1)[:, :, :nsample].astype(jnp.int32)
    return group_idx


def upsample_inter(xyz1, xyz2, points1, points2, k):
    if points1 is not None and points1.ndim == 4:
        points1 = jnp.squeeze(points1, axis=3)
    if points2.ndim == 4:
        points2 = jnp.squeeze(points2, axis=3)
    B, C, N = xyz1.shape
    dists = square_distance(xyz1, xyz2)  # [B, N, S]
    idx = jnp.argsort(dists, axis=-1)[:, :, :k]
    d = jnp.take_along_axis(dists, idx, axis=-1)
    d = jnp.maximum(d, 1e-10)
    weight = 1.0 / d
    weight = weight / jnp.sum(weight, axis=-1, keepdims=True)
    interpolated = jnp.sum(index_points(points2, idx) * weight.reshape(B, 1, N, k), axis=3)
    if points1 is not None:
        return jnp.concatenate([points1, interpolated], axis=1)
    return interpolated


def conv_bn_relu(x, W, b, gamma, beta):
    # 1x1 Conv2d + BatchNorm2d (training-mode batch stats) + ReLU
    y = jnp.einsum('oc,bchw->bohw', W, x) + b.reshape(1, -1, 1, 1)
    mean = jnp.mean(y, axis=(0, 2, 3), keepdims=True)
    var = jnp.var(y, axis=(0, 2, 3), keepdims=True)
    y = gamma.reshape(1, -1, 1, 1) * (y - mean) / jnp.sqrt(var + 1e-5) + beta.reshape(1, -1, 1, 1)
    return jax.nn.relu(y)


def setup_inputs(seed: int = 0):
    key = jax.random.key(seed)
    k1, k2, k3, k4 = jax.random.split(key, 4)
    input_fea = jax.random.normal(k1, (16, 64, 4096, 1), dtype=jnp.float32)
    input_loc = jax.random.uniform(k2, (16, 3, 4096), dtype=jnp.float32)
    W_res = jax.random.normal(k3, (64, 64), dtype=jnp.float32) * 0.1
    b_res = jnp.zeros((64,), dtype=jnp.float32)
    gamma_res = jnp.ones((64,), dtype=jnp.float32)
    beta_res = jnp.zeros((64,), dtype=jnp.float32)
    W_off = jax.random.normal(k4, (3, 64), dtype=jnp.float32) * 0.1
    return {"input_fea": input_fea, "input_loc": input_loc, "W_res": W_res, "b_res": b_res,
            "gamma_res": gamma_res, "beta_res": beta_res, "W_off": W_off}


def reference(input_fea, input_loc, W_res, b_res, gamma_res, beta_res, W_off):
    fpoint_idx = farthest_point_sample(input_loc, NUM_NODE)           # [B, 64]
    fpoint_loc = index_points(input_loc, fpoint_idx)                  # [B, 3, 64]
    fpoint_fea = index_points(input_fea, fpoint_idx)                  # [B, 64, 64]
    group_idx = query_ball_point(0.3, NSAMPLE, input_loc, fpoint_loc) # [B, 64, 64]
    group_fea = index_points(input_fea, group_idx)                    # [B, 64, 64, 64]
    group_fea = group_fea - fpoint_fea[:, :, :, None]
    seman_trans = jnp.tanh(jnp.einsum('oc,bchw->bohw', W_off, group_fea))  # [B, 3, 64, 64]
    group_loc = index_points(input_loc, group_idx)                    # [B, 3, 64, 64]
    group_loc = group_loc - fpoint_loc[:, :, :, None]
    node_offset = jnp.mean(seman_trans * group_loc, axis=-1)          # [B, 3, 64]
    node_loc = fpoint_loc + node_offset                               # [B, 3, 64]
    group_idx2 = query_ball_point(None, NSAMPLE, input_loc, node_loc) # [B, 64, 64]
    residual_fea = conv_bn_relu(input_fea, W_res, b_res, gamma_res, beta_res)  # [B, 64, N, 1]
    group_fea2 = index_points(residual_fea, group_idx2)               # [B, 64, 64, 64]
    node_fea = jnp.max(group_fea2, axis=-1, keepdims=True)            # [B, 64, 64, 1]
    output_fea = upsample_inter(input_loc, node_loc, input_fea, node_fea, 3)[:, :, :, None]
    return output_fea, node_fea, node_offset

if __name__ == "__main__":
    import jax
    _d = setup_inputs()
    print(jax.jit(kernel)(*tuple(_d.values())))

</pallas_src>

<mosaic_0001>
module attributes {stable_mosaic.version = 14 : i64} {
  func.func @_k1a_body(%arg0: memref<16x3x4096xf32, #tpu.memory_space<vmem>>, %arg1: memref<16x64x4096xf32, #tpu.memory_space<vmem>>, %arg2: memref<3x64xf32, #tpu.memory_space<vmem>>, %arg3: memref<16x3x64xf32, #tpu.memory_space<vmem>>, %arg4: memref<16x3x64xf32, #tpu.memory_space<vmem>>, %arg5: memref<16x3x4096xf32, #tpu.memory_space<vmem>>, %arg6: memref<64x1xf32, #tpu.memory_space<vmem>>, %arg7: memref<64x64xf32, #tpu.memory_space<vmem>>) attributes {dimension_semantics = [], scalar_prefetch = 0 : i64, scratch_operands = 0 : i64, tpu.core_type = #tpu.core_type<tc>} {
    %get3A = arith.constant 0 : index
    %get3A_0 = arith.constant 0 : index
    %get3A_1 = vector.load %arg2[%get3A, %get3A_0] : memref<3x64xf32, #tpu.memory_space<vmem>>, vector<3x64xf32>
    %broadcast_in_dim3A = arith.constant 0.000000e+00 : f32
    %broadcast_in_dim3A_2 = vector.broadcast %broadcast_in_dim3A : f32 to vector<64x1xf32>
    %broadcast_in_dim3A_3 = arith.constant 0.000000e+00 : f32
    %broadcast_in_dim3A_4 = vector.broadcast %broadcast_in_dim3A_3 : f32 to vector<64x64xf32>
    %get3A_5 = arith.constant 0 : index
    %get3A_6 = arith.constant 0 : index
    %get3A_7 = arith.constant 0 : index
    %get3A_8 = vector.load %arg1[%get3A_5, %get3A_6, %get3A_7] : memref<16x64x4096xf32, #tpu.memory_space<vmem>>, vector<1x64x4096xf32>
    %get3A_9 = vector.shape_cast %get3A_8 : vector<1x64x4096xf32> to vector<64x4096xf32>
    %dot_general3A = arith.constant dense<0.000000e+00> : vector<3x4096xf32>
    %dot_general3A_10 = tpu.matmul %get3A_1, %get3A_9, %dot_general3A {dimension_numbers = #tpu.dot_dimension_numbers<[1], [0], [0], [1], [0, 0, 1, 1], [], []>, precision = #tpu.contract_precision<fp32>, transpose_lhs_hint = false} : vector<3x64xf32>, vector<64x4096xf32>, vector<3x4096xf32> -> vector<3x4096xf32>
    %swap3A = arith.constant 0 : index
    %swap3A_11 = arith.constant 0 : index
    %swap3A_12 = arith.constant 0 : index
    %swap3A_13 = vector.load %arg5[%swap3A, %swap3A_11, %swap3A_12] : memref<16x3x4096xf32, #tpu.memory_space<vmem>>, vector<1x3x4096xf32>
    %swap3A_14 = vector.shape_cast %swap3A_13 : vector<1x3x4096xf32> to vector<3x4096xf32>
    %swap3A_15 = vector.shape_cast %dot_general3A_10 : vector<3x4096xf32> to vector<1x3x4096xf32>
    tpu.vector_store %arg5[%swap3A, %swap3A_11, %swap3A_12], %swap3A_15 {strides = array<i32>} : memref<16x3x4096xf32, #tpu.memory_space<vmem>>, vector<1x3x4096xf32>,
    %reduce_sum3A = arith.constant dense<0.000000e+00> : vector<64xf32>
    %reduce_sum3A_16 = vector.multi_reduction <add>, %get3A_9, %reduce_sum3A [1] : vector<64x4096xf32> to vector<64xf32>
    %broadcast_in_dim3A_17 = vector.shape_cast %reduce_sum3A_16 : vector<64xf32> to vector<64x1xf32>
    %add3A = arith.addf %broadcast_in_dim3A_2, %broadcast_in_dim3A_17 : vector<64x1xf32>
    %dot_general3A_18 = arith.constant dense<0.000000e+00> : vector<64x64xf32>
    %dot_general3A_19 = tpu.matmul %get3A_9, %get3A_9, %dot_general3A_18 {dimension_numbers = #tpu.dot_dimension_numbers<[1], [1], [0], [0], [0, 0, 1, 0], [], []>, precision = #tpu.contract_precision<fp32>, transpose_lhs_hint = false} : vector<64x4096xf32>, vector<64x4096xf32>, vector<64x64xf32> -> vector<64x64xf32>
    %add3A_20 = arith.addf %broadcast_in_dim3A_4, %dot_general3A_19 : vector<64x64xf32>
    %get3A_21 = arith.constant 1 : index
    %get3A_22 = arith.constant 0 : index
    %get3A_23 = arith.constant 0 : index
    %get3A_24 = vector.load %arg1[%get3A_21, %get3A_22, %get3A_23] : memref<16x64x4096xf32, #tpu.memory_space<vmem>>, vector<1x64x4096xf32>
    %get3A_25 = vector.shape_cast %get3A_24 : vector<1x64x4096xf32> to vector<64x4096xf32>
    %dot_general3A_26 = arith.constant dense<0.000000e+00> : vector<3x4096xf32>
    %dot_general3A_27 = tpu.matmul %get3A_1, %get3A_25, %dot_general3A_26 {dimension_numbers = #tpu.dot_dimension_numbers<[1], [0], [0], [1], [0, 0, 1, 1], [], []>, precision = #tpu.contract_precision<fp32>, transpose_lhs_hint = false} : vector<3x64xf32>, vector<64x4096xf32>, vector<3x4096xf32> -> vector<3x4096xf32>
    %swap3A_28 = arith.constant 1 : index
    %swap3A_29 = arith.constant 0 : index
    %swap3A_30 = arith.constant 0 : index
    %swap3A_31 = vector.load %arg5[%swap3A_28, %swap3A_29, %swap3A_30] : memref<16x3x4096xf32, #tpu.memory_space<vmem>>, vector<1x3x4096xf32>
    %swap3A_32 = vector.shape_cast %swap3A_31 : vector<1x3x4096xf32> to vector<3x4096xf32>
    %swap3A_33 = vector.shape_cast %dot_general3A_27 : vector<3x4096xf32> to vector<1x3x4096xf32>
    tpu.vector_store %arg5[%swap3A_28, %swap3A_29, %swap3A_30], %swap3A_33 {strides = array<i32>} : memref<16x3x4096xf32, #tpu.memory_space<vmem>>, vector<1x3x4096xf32>,
    %reduce_sum3A_34 = arith.constant dense<0.000000e+00> : vector<64xf32>
    %reduce_sum3A_35 = vector.multi_reduction <add>, %get3A_25, %reduce_sum3A_34 [1] : vector<64x4096xf32> to vector<64xf32>
    %broadcast_in_dim3A_36 = vector.shape_cast %reduce_sum3A_35 : vector<64xf32> to vector<64x1xf32>
    %add3A_37 = arith.addf %add3A, %broadcast_in_dim3A_36 : vector<64x1xf32>
    %dot_general3A_38 = arith.constant dense<0.000000e+00> : vector<64x64xf32>
    %dot_general3A_39 = tpu.matmul %get3A_25, %get3A_25, %dot_general3A_38 {dimension_numbers = #tpu.dot_dimension_numbers<[1], [1], [0], [0], [0, 0, 1, 0], [], []>, precision = #tpu.contract_precision<fp32>, transpose_lhs_hint = false} : vector<64x4096xf32>, vector<64x4096xf32>, vector<64x64xf32> -> vector<64x64xf32>
    %add3A_40 = arith.addf %add3A_20, %dot_general3A_39 : vector<64x64xf32>
    %get3A_41 = arith.constant 2 : index
    %get3A_42 = arith.constant 0 : index
    %get3A_43 = arith.constant 0 : index
    %get3A_44 = vector.load %arg1[%get3A_41, %get3A_42, %get3A_43] : memref<16x64x4096xf32, #tpu.memory_space<vmem>>, vector<1x64x4096xf32>
    %get3A_45 = vector.shape_cast %get3A_44 : vector<1x64x4096xf32> to vector<64x4096xf32>
    %dot_general3A_46 = arith.constant dense<0.000000e+00> : vector<3x4096xf32>
    %dot_general3A_47 = tpu.matmul %get3A_1, %get3A_45, %dot_general3A_46 {dimension_numbers = #tpu.dot_dimension_numbers<[1], [0], [0], [1], [0, 0, 1, 1], [], []>, precision = #tpu.contract_precision<fp32>, transpose_lhs_hint = false} : vector<3x64xf32>, vector<64x4096xf32>, vector<3x4096xf32> -> vector<3x4096xf32>
    %swap3A_48 = arith.constant 2 : index
    %swap3A_49 = arith.constant 0 : index
    %swap3A_50 = arith.constant 0 : index
    %swap3A_51 = vector.load %arg5[%swap3A_48, %swap3A_49, %swap3A_50] : memref<16x3x4096xf32, #tpu.memory_space<vmem>>, vector<1x3x4096xf32>
    %swap3A_52 = vector.shape_cast %swap3A_51 : vector<1x3x4096xf32> to vector<3x4096xf32>
    %swap3A_53 = vector.shape_cast %dot_general3A_47 : vector<3x4096xf32> to vector<1x3x4096xf32>
    tpu.vector_store %arg5[%swap3A_48, %swap3A_49, %swap3A_50], %swap3A_53 {strides = array<i32>} : memref<16x3x4096xf32, #tpu.memory_space<vmem>>, vector<1x3x4096xf32>,
    %reduce_sum3A_54 = arith.constant dense<0.000000e+00> : vector<64xf32>
    %reduce_sum3A_55 = vector.multi_reduction <add>, %get3A_45, %reduce_sum3A_54 [1] : vector<64x4096xf32> to vector<64xf32>
    %broadcast_in_dim3A_56 = vector.shape_cast %reduce_sum3A_55 : vector<64xf32> to vector<64x1xf32>
    %add3A_57 = arith.addf %add3A_37, %broadcast_in_dim3A_56 : vector<64x1xf32>
    %dot_general3A_58 = arith.constant dense<0.000000e+00> : vector<64x64xf32>
    %dot_general3A_59 = tpu.matmul %get3A_45, %get3A_45, %dot_general3A_58 {dimension_numbers = #tpu.dot_dimension_numbers<[1], [1], [0], [0], [0, 0, 1, 0], [], []>, precision = #tpu.contract_precision<fp32>, transpose_lhs_hint = false} : vector<64x4096xf32>, vector<64x4096xf32>, vector<64x64xf32> -> vector<64x64xf32>
    %add3A_60 = arith.addf %add3A_40, %dot_general3A_59 : vector<64x64xf32>
    %get3A_61 = arith.constant 3 : index
    %get3A_62 = arith.constant 0 : index
    %get3A_63 = arith.constant 0 : index
    %get3A_64 = vector.load %arg1[%get3A_61, %get3A_62, %get3A_63] : memref<16x64x4096xf32, #tpu.memory_space<vmem>>, vector<1x64x4096xf32>
    %get3A_65 = vector.shape_cast %get3A_64 : vector<1x64x4096xf32> to vector<64x4096xf32>
    %dot_general3A_66 = arith.constant dense<0.000000e+00> : vector<3x4096xf32>
    %dot_general3A_67 = tpu.matmul %get3A_1, %get3A_65, %dot_general3A_66 {dimension_numbers = #tpu.dot_dimension_numbers<[1], [0], [0], [1], [0, 0, 1, 1], [], []>, precision = #tpu.contract_precision<fp32>, transpose_lhs_hint = false} : vector<3x64xf32>, vector<64x4096xf32>, vector<3x4096xf32> -> vector<3x4096xf32>
    %swap3A_68 = arith.constant 3 : index
    %swap3A_69 = arith.constant 0 : index
    %swap3A_70 = arith.constant 0 : index
    %swap3A_71 = vector.load %arg5[%swap3A_68, %swap3A_69, %swap3A_70] : memref<16x3x4096xf32, #tpu.memory_space<vmem>>, vector<1x3x4096xf32>
    %swap3A_72 = vector.shape_cast %swap3A_71 : vector<1x3x4096xf32> to vector<3x4096xf32>
    %swap3A_73 = vector.shape_cast %dot_general3A_67 : vector<3x4096xf32> to vector<1x3x4096xf32>
    tpu.vector_store %arg5[%swap3A_68, %swap3A_69, %swap3A_70], %swap3A_73 {strides = array<i32>} : memref<16x3x4096xf32, #tpu.memory_space<vmem>>, vector<1x3x4096xf32>,
    %reduce_sum3A_74 = arith.constant dense<0.000000e+00> : vector<64xf32>
    %reduce_sum3A_75 = vector.multi_reduction <add>, %get3A_65, %reduce_sum3A_74 [1] : vector<64x4096xf32> to vector<64xf32>
    %broadcast_in_dim3A_76 = vector.shape_cast %reduce_sum3A_75 : vector<64xf32> to vector<64x1xf32>
    %add3A_77 = arith.addf %add3A_57, %broadcast_in_dim3A_76 : vector<64x1xf32>
    %dot_general3A_78 = arith.constant dense<0.000000e+00> : vector<64x64xf32>
    %dot_general3A_79 = tpu.matmul %get3A_65, %get3A_65, %dot_general3A_78 {dimension_numbers = #tpu.dot_dimension_numbers<[1], [1], [0], [0], [0, 0, 1, 0], [], []>, precision = #tpu.contract_precision<fp32>, transpose_lhs_hint = false} : vector<64x4096xf32>, vector<64x4096xf32>, vector<64x64xf32> -> vector<64x64xf32>
    %add3A_80 = arith.addf %add3A_60, %dot_general3A_79 : vector<64x64xf32>
    %get3A_81 = arith.constant 4 : index
    %get3A_82 = arith.constant 0 : index
    %get3A_83 = arith.constant 0 : index
    %get3A_84 = vector.load %arg1[%get3A_81, %get3A_82, %get3A_83] : memref<16x64x4096xf32, #tpu.memory_space<vmem>>, vector<1x64x4096xf32>
    %get3A_85 = vector.shape_cast %get3A_84 : vector<1x64x4096xf32> to vector<64x4096xf32>
    %dot_general3A_86 = arith.constant dense<0.000000e+00> : vector<3x4096xf32>
    %dot_general3A_87 = tpu.matmul %get3A_1, %get3A_85, %dot_general3A_86 {dimension_numbers = #tpu.dot_dimension_numbers<[1], [0], [0], [1], [0, 0, 1, 1], [], []>, precision = #tpu.contract_precision<fp32>, transpose_lhs_hint = false} : vector<3x64xf32>, vector<64x4096xf32>, vector<3x4096xf32> -> vector<3x4096xf32>
    %swap3A_88 = arith.constant 4 : index
    %swap3A_89 = arith.constant 0 : index
    %swap3A_90 = arith.constant 0 : index
    %swap3A_91 = vector.load %arg5[%swap3A_88, %swap3A_89, %swap3A_90] : memref<16x3x4096xf32, #tpu.memory_space<vmem>>, vector<1x3x4096xf32>
    %swap3A_92 = vector.shape_cast %swap3A_91 : vector<1x3x4096xf32> to vector<3x4096xf32>
    %swap3A_93 = vector.shape_cast %dot_general3A_87 : vector<3x4096xf32> to vector<1x3x4096xf32>
    tpu.vector_store %arg5[%swap3A_88, %swap3A_89, %swap3A_90], %swap3A_93 {strides = array<i32>} : memref<16x3x4096xf32, #tpu.memory_space<vmem>>, vector<1x3x4096xf32>,
    %reduce_sum3A_94 = arith.constant dense<0.000000e+00> : vector<64xf32>
    %reduce_sum3A_95 = vector.multi_reduction <add>, %get3A_85, %reduce_sum3A_94 [1] : vector<64x4096xf32> to vector<64xf32>
    %broadcast_in_dim3A_96 = vector.shape_cast %reduce_sum3A_95 : vector<64xf32> to vector<64x1xf32>
    %add3A_97 = arith.addf %add3A_77, %broadcast_in_dim3A_96 : vector<64x1xf32>
    %dot_general3A_98 = arith.constant dense<0.000000e+00> : vector<64x64xf32>
    %dot_general3A_99 = tpu.matmul %get3A_85, %get3A_85, %dot_general3A_98 {dimension_numbers = #tpu.dot_dimension_numbers<[1], [1], [0], [0], [0, 0, 1, 0], [], []>, precision = #tpu.contract_precision<fp32>, transpose_lhs_hint = false} : vector<64x4096xf32>, vector<64x4096xf32>, vector<64x64xf32> -> vector<64x64xf32>
    %add3A_100 = arith.addf %add3A_80, %dot_general3A_99 : vector<64x64xf32>
    %get3A_101 = arith.constant 5 : index
    %get3A_102 = arith.constant 0 : index
    %get3A_103 = arith.constant 0 : index
    %get3A_104 = vector.load %arg1[%get3A_101, %get3A_102, %get3A_103] : memref<16x64x4096xf32, #tpu.memory_space<vmem>>, vector<1x64x4096xf32>
    %get3A_105 = vector.shape_cast %get3A_104 : vector<1x64x4096xf32> to vector<64x4096xf32>
    %dot_general3A_106 = arith.constant dense<0.000000e+00> : vector<3x4096xf32>
    %dot_general3A_107 = tpu.matmul %get3A_1, %get3A_105, %dot_general3A_106 {dimension_numbers = #tpu.dot_dimension_numbers<[1], [0], [0], [1], [0, 0, 1, 1], [], []>, precision = #tpu.contract_precision<fp32>, transpose_lhs_hint = false} : vector<3x64xf32>, vector<64x4096xf32>, vector<3x4096xf32> -> vector<3x4096xf32>
    %swap3A_108 = arith.constant 5 : index
    %swap3A_109 = arith.constant 0 : index
    %swap3A_110 = arith.constant 0 : index
    %swap3A_111 = vector.load %arg5[%swap3A_108, %swap3A_109, %swap3A_110] : memref<16x3x4096xf32, #tpu.memory_space<vmem>>, vector<1x3x4096xf32>
    %swap3A_112 = vector.shape_cast %swap3A_111 : vector<1x3x4096xf32> to vector<3x4096xf32>
    %swap3A_113 = vector.shape_cast %dot_general3A_107 : vector<3x4096xf32> to vector<1x3x4096xf32>
    tpu.vector_store %arg5[%swap3A_108, %swap3A_109, %swap3A_110], %swap3A_113 {strides = array<i32>} : memref<16x3x4096xf32, #tpu.memory_space<vmem>>, vector<1x3x4096xf32>,
    %reduce_sum3A_114 = arith.constant dense<0.000000e+00> : vector<64xf32>
    %reduce_sum3A_115 = vector.multi_reduction <add>, %get3A_105, %reduce_sum3A_114 [1] : vector<64x4096xf32> to vector<64xf32>
    %broadcast_in_dim3A_116 = vector.shape_cast %reduce_sum3A_115 : vector<64xf32> to vector<64x1xf32>
    %add3A_117 = arith.addf %add3A_97, %broadcast_in_dim3A_116 : vector<64x1xf32>
    %dot_general3A_118 = arith.constant dense<0.000000e+00> : vector<64x64xf32>
    %dot_general3A_119 = tpu.matmul %get3A_105, %get3A_105, %dot_general3A_118 {dimension_numbers = #tpu.dot_dimension_numbers<[1], [1], [0], [0], [0, 0, 1, 0], [], []>, precision = #tpu.contract_precision<fp32>, transpose_lhs_hint = false} : vector<64x4096xf32>, vector<64x4096xf32>, vector<64x64xf32> -> vector<64x64xf32>
    %add3A_120 = arith.addf %add3A_100, %dot_general3A_119 : vector<64x64xf32>
    %get3A_121 = arith.constant 6 : index
    %get3A_122 = arith.constant 0 : index
    %get3A_123 = arith.constant 0 : index
    %get3A_124 = vector.load %arg1[%get3A_121, %get3A_122, %get3A_123] : memref<16x64x4096xf32, #tpu.memory_space<vmem>>, vector<1x64x4096xf32>
    %get3A_125 = vector.shape_cast %get3A_124 : vector<1x64x4096xf32> to vector<64x4096xf32>
    %dot_general3A_126 = arith.constant dense<0.000000e+00> : vector<3x4096xf32>
    %dot_general3A_127 = tpu.matmul %get3A_1, %get3A_125, %dot_general3A_126 {dimension_numbers = #tpu.dot_dimension_numbers<[1], [0], [0], [1], [0, 0, 1, 1], [], []>, precision = #tpu.contract_precision<fp32>, transpose_lhs_hint = false} : vector<3x64xf32>, vector<64x4096xf32>, vector<3x4096xf32> -> vector<3x4096xf32>
    %swap3A_128 = arith.constant 6 : index
    %swap3A_129 = arith.constant 0 : index
    %swap3A_130 = arith.constant 0 : index
    %swap3A_131 = vector.load %arg5[%swap3A_128, %swap3A_129, %swap3A_130] : memref<16x3x4096xf32, #tpu.memory_space<vmem>>, vector<1x3x4096xf32>
    %swap3A_132 = vector.shape_cast %swap3A_131 : vector<1x3x4096xf32> to vector<3x4096xf32>
    %swap3A_133 = vector.shape_cast %dot_general3A_127 : vector<3x4096xf32> to vector<1x3x4096xf32>
    tpu.vector_store %arg5[%swap3A_128, %swap3A_129, %swap3A_130], %swap3A_133 {strides = array<i32>} : memref<16x3x4096xf32, #tpu.memory_space<vmem>>, vector<1x3x4096xf32>,
    %reduce_sum3A_134 = arith.constant dense<0.000000e+00> : vector<64xf32>
    %reduce_sum3A_135 = vector.multi_reduction <add>, %get3A_125, %reduce_sum3A_134 [1] : vector<64x4096xf32> to vector<64xf32>
    %broadcast_in_dim3A_136 = vector.shape_cast %reduce_sum3A_135 : vector<64xf32> to vector<64x1xf32>
    %add3A_137 = arith.addf %add3A_117, %broadcast_in_dim3A_136 : vector<64x1xf32>
    %dot_general3A_138 = arith.constant dense<0.000000e+00> : vector<64x64xf32>
    %dot_general3A_139 = tpu.matmul %get3A_125, %get3A_125, %dot_general3A_138 {dimension_numbers = #tpu.dot_dimension_numbers<[1], [1], [0], [0], [0, 0, 1, 0], [], []>, precision = #tpu.contract_precision<fp32>, transpose_lhs_hint = false} : vector<64x4096xf32>, vector<64x4096xf32>, vector<64x64xf32> -> vector<64x64xf32>
    %add3A_140 = arith.addf %add3A_120, %dot_general3A_139 : vector<64x64xf32>
    %get3A_141 = arith.constant 7 : index
    %get3A_142 = arith.constant 0 : index
    %get3A_143 = arith.constant 0 : index
    %get3A_144 = vector.load %arg1[%get3A_141, %get3A_142, %get3A_143] : memref<16x64x4096xf32, #tpu.memory_space<vmem>>, vector<1x64x4096xf32>
    %get3A_145 = vector.shape_cast %get3A_144 : vector<1x64x4096xf32> to vector<64x4096xf32>
    %dot_general3A_146 = arith.constant dense<0.000000e+00> : vector<3x4096xf32>
    %dot_general3A_147 = tpu.matmul %get3A_1, %get3A_145, %dot_general3A_146 {dimension_numbers = #tpu.dot_dimension_numbers<[1], [0], [0], [1], [0, 0, 1, 1], [], []>, precision = #tpu.contract_precision<fp32>, transpose_lhs_hint = false} : vector<3x64xf32>, vector<64x4096xf32>, vector<3x4096xf32> -> vector<3x4096xf32>
    %swap3A_148 = arith.constant 7 : index
    %swap3A_149 = arith.constant 0 : index
    %swap3A_150 = arith.constant 0 : index
    %swap3A_151 = vector.load %arg5[%swap3A_148, %swap3A_149, %swap3A_150] : memref<16x3x4096xf32, #tpu.memory_space<vmem>>, vector<1x3x4096xf32>
    %swap3A_152 = vector.shape_cast %swap3A_151 : vector<1x3x4096xf32> to vector<3x4096xf32>
    %swap3A_153 = vector.shape_cast %dot_general3A_147 : vector<3x4096xf32> to vector<1x3x4096xf32>
    tpu.vector_store %arg5[%swap3A_148, %swap3A_149, %swap3A_150], %swap3A_153 {strides = array<i32>} : memref<16x3x4096xf32, #tpu.memory_space<vmem>>, vector<1x3x4096xf32>,
    %reduce_sum3A_154 = arith.constant dense<0.000000e+00> : vector<64xf32>
    %reduce_sum3A_155 = vector.multi_reduction <add>, %get3A_145, %reduce_sum3A_154 [1] : vector<64x4096xf32> to vector<64xf32>
    %broadcast_in_dim3A_156 = vector.shape_cast %reduce_sum3A_155 : vector<64xf32> to vector<64x1xf32>
    %add3A_157 = arith.addf %add3A_137, %broadcast_in_dim3A_156 : vector<64x1xf32>
    %dot_general3A_158 = arith.constant dense<0.000000e+00> : vector<64x64xf32>
    %dot_general3A_159 = tpu.matmul %get3A_145, %get3A_145, %dot_general3A_158 {dimension_numbers = #tpu.dot_dimension_numbers<[1], [1], [0], [0], [0, 0, 1, 0], [], []>, precision = #tpu.contract_precision<fp32>, transpose_lhs_hint = false} : vector<64x4096xf32>, vector<64x4096xf32>, vector<64x64xf32> -> vector<64x64xf32>
    %add3A_160 = arith.addf %add3A_140, %dot_general3A_159 : vector<64x64xf32>
    %get3A_161 = arith.constant 8 : index
    %get3A_162 = arith.constant 0 : index
    %get3A_163 = arith.constant 0 : index
    %get3A_164 = vector.load %arg1[%get3A_161, %get3A_162, %get3A_163] : memref<16x64x4096xf32, #tpu.memory_space<vmem>>, vector<1x64x4096xf32>
    %get3A_165 = vector.shape_cast %get3A_164 : vector<1x64x4096xf32> to vector<64x4096xf32>
    %dot_general3A_166 = arith.constant dense<0.000000e+00> : vector<3x4096xf32>
    %dot_general3A_167 = tpu.matmul %get3A_1, %get3A_165, %dot_general3A_166 {dimension_numbers = #tpu.dot_dimension_numbers<[1], [0], [0], [1], [0, 0, 1, 1], [], []>, precision = #tpu.contract_precision<fp32>, transpose_lhs_hint = false} : vector<3x64xf32>, vector<64x4096xf32>, vector<3x4096xf32> -> vector<3x4096xf32>
    %swap3A_168 = arith.constant 8 : index
    %swap3A_169 = arith.constant 0 : index
    %swap3A_170 = arith.constant 0 : index
    %swap3A_171 = vector.load %arg5[%swap3A_168, %swap3A_169, %swap3A_170] : memref<16x3x4096xf32, #tpu.memory_space<vmem>>, vector<1x3x4096xf32>
    %swap3A_172 = vector.shape_cast %swap3A_171 : vector<1x3x4096xf32> to vector<3x4096xf32>
    %swap3A_173 = vector.shape_cast %dot_general3A_167 : vector<3x4096xf32> to vector<1x3x4096xf32>
    tpu.vector_store %arg5[%swap3A_168, %swap3A_169, %swap3A_170], %swap3A_173 {strides = array<i32>} : memref<16x3x4096xf32, #tpu.memory_space<vmem>>, vector<1x3x4096xf32>,
    %reduce_sum3A_174 = arith.constant dense<0.000000e+00> : vector<64xf32>
    %reduce_sum3A_175 = vector.multi_reduction <add>, %get3A_165, %reduce_sum3A_174 [1] : vector<64x4096xf32> to vector<64xf32>
    %broadcast_in_dim3A_176 = vector.shape_cast %reduce_sum3A_175 : vector<64xf32> to vector<64x1xf32>
    %add3A_177 = arith.addf %add3A_157, %broadcast_in_dim3A_176 : vector<64x1xf32>
    %dot_general3A_178 = arith.constant dense<0.000000e+00> : vector<64x64xf32>
    %dot_general3A_179 = tpu.matmul %get3A_165, %get3A_165, %dot_general3A_178 {dimension_numbers = #tpu.dot_dimension_numbers<[1], [1], [0], [0], [0, 0, 1, 0], [], []>, precision = #tpu.contract_precision<fp32>, transpose_lhs_hint = false} : vector<64x4096xf32>, vector<64x4096xf32>, vector<64x64xf32> -> vector<64x64xf32>
    %add3A_180 = arith.addf %add3A_160, %dot_general3A_179 : vector<64x64xf32>
    %get3A_181 = arith.constant 9 : index
    %get3A_182 = arith.constant 0 : index
    %get3A_183 = arith.constant 0 : index
    %get3A_184 = vector.load %arg1[%get3A_181, %get3A_182, %get3A_183] : memref<16x64x4096xf32, #tpu.memory_space<vmem>>, vector<1x64x4096xf32>
    %get3A_185 = vector.shape_cast %get3A_184 : vector<1x64x4096xf32> to vector<64x4096xf32>
    %dot_general3A_186 = arith.constant dense<0.000000e+00> : vector<3x4096xf32>
    %dot_general3A_187 = tpu.matmul %get3A_1, %get3A_185, %dot_general3A_186 {dimension_numbers = #tpu.dot_dimension_numbers<[1], [0], [0], [1], [0, 0, 1, 1], [], []>, precision = #tpu.contract_precision<fp32>, transpose_lhs_hint = false} : vector<3x64xf32>, vector<64x4096xf32>, vector<3x4096xf32> -> vector<3x4096xf32>
    %swap3A_188 = arith.constant 9 : index
    %swap3A_189 = arith.constant 0 : index
    %swap3A_190 = arith.constant 0 : index
    %swap3A_191 = vector.load %arg5[%swap3A_188, %swap3A_189, %swap3A_190] : memref<16x3x4096xf32, #tpu.memory_space<vmem>>, vector<1x3x4096xf32>
    %swap3A_192 = vector.shape_cast %swap3A_191 : vector<1x3x4096xf32> to vector<3x4096xf32>
    %swap3A_193 = vector.shape_cast %dot_general3A_187 : vector<3x4096xf32> to vector<1x3x4096xf32>
    tpu.vector_store %arg5[%swap3A_188, %swap3A_189, %swap3A_190], %swap3A_193 {strides = array<i32>} : memref<16x3x4096xf32, #tpu.memory_space<vmem>>, vector<1x3x4096xf32>,
    %reduce_sum3A_194 = arith.constant dense<0.000000e+00> : vector<64xf32>
    %reduce_sum3A_195 = vector.multi_reduction <add>, %get3A_185, %reduce_sum3A_194 [1] : vector<64x4096xf32> to vector<64xf32>
    %broadcast_in_dim3A_196 = vector.shape_cast %reduce_sum3A_195 : vector<64xf32> to vector<64x1xf32>
    %add3A_197 = arith.addf %add3A_177, %broadcast_in_dim3A_196 : vector<64x1xf32>
    %dot_general3A_198 = arith.constant dense<0.000000e+00> : vector<64x64xf32>
    %dot_general3A_199 = tpu.matmul %get3A_185, %get3A_185, %dot_general3A_198 {dimension_numbers = #tpu.dot_dimension_numbers<[1], [1], [0], [0], [0, 0, 1, 0], [], []>, precision = #tpu.contract_precision<fp32>, transpose_lhs_hint = false} : vector<64x4096xf32>, vector<64x4096xf32>, vector<64x64xf32> -> vector<64x64xf32>
    %add3A_200 = arith.addf %add3A_180, %dot_general3A_199 : vector<64x64xf32>
    %get3A_201 = arith.constant 10 : index
    %get3A_202 = arith.constant 0 : index
    %get3A_203 = arith.constant 0 : index
    %get3A_204 = vector.load %arg1[%get3A_201, %get3A_202, %get3A_203] : memref<16x64x4096xf32, #tpu.memory_space<vmem>>, vector<1x64x4096xf32>
    %get3A_205 = vector.shape_cast %get3A_204 : vector<1x64x4096xf32> to vector<64x4096xf32>
    %dot_general3A_206 = arith.constant dense<0.000000e+00> : vector<3x4096xf32>
    %dot_general3A_207 = tpu.matmul %get3A_1, %get3A_205, %dot_general3A_206 {dimension_numbers = #tpu.dot_dimension_numbers<[1], [0], [0], [1], [0, 0, 1, 1], [], []>, precision = #tpu.contract_precision<fp32>, transpose_lhs_hint = false} : vector<3x64xf32>, vector<64x4096xf32>, vector<3x4096xf32> -> vector<3x4096xf32>
    %swap3A_208 = arith.constant 10 : index
    %swap3A_209 = arith.constant 0 : index
    %swap3A_210 = arith.constant 0 : index
    %swap3A_211 = vector.load %arg5[%swap3A_208, %swap3A_209, %swap3A_210] : memref<16x3x4096xf32, #tpu.memory_space<vmem>>, vector<1x3x4096xf32>
    %swap3A_212 = vector.shape_cast %swap3A_211 : vector<1x3x4096xf32> to vector<3x4096xf32>
    %swap3A_213 = vector.shape_cast %dot_general3A_207 : vector<3x4096xf32> to vector<1x3x4096xf32>
    tpu.vector_store %arg5[%swap3A_208, %swap3A_209, %swap3A_210], %swap3A_213 {strides = array<i32>} : memref<16x3x4096xf32, #tpu.memory_space<vmem>>, vector<1x3x4096xf32>,
    %reduce_sum3A_214 = arith.constant dense<0.000000e+00> : vector<64xf32>
    %reduce_sum3A_215 = vector.multi_reduction <add>, %get3A_205, %reduce_sum3A_214 [1] : vector<64x4096xf32> to vector<64xf32>
    %broadcast_in_dim3A_216 = vector.shape_cast %reduce_sum3A_215 : vector<64xf32> to vector<64x1xf32>
    %add3A_217 = arith.addf %add3A_197, %broadcast_in_dim3A_216 : vector<64x1xf32>
    %dot_general3A_218 = arith.constant dense<0.000000e+00> : vector<64x64xf32>
    %dot_general3A_219 = tpu.matmul %get3A_205, %get3A_205, %dot_general3A_218 {dimension_numbers = #tpu.dot_dimension_numbers<[1], [1], [0], [0], [0, 0, 1, 0], [], []>, precision = #tpu.contract_precision<fp32>, transpose_lhs_hint = false} : vector<64x4096xf32>, vector<64x4096xf32>, vector<64x64xf32> -> vector<64x64xf32>
    %add3A_220 = arith.addf %add3A_200, %dot_general3A_219 : vector<64x64xf32>
    %get3A_221 = arith.constant 11 : index
    %get3A_222 = arith.constant 0 : index
    %get3A_223 = arith.constant 0 : index
    %get3A_224 = vector.load %arg1[%get3A_221, %get3A_222, %get3A_223] : memref<16x64x4096xf32, #tpu.memory_space<vmem>>, vector<1x64x4096xf32>
    %get3A_225 = vector.shape_cast %get3A_224 : vector<1x64x4096xf32> to vector<64x4096xf32>
    %dot_general3A_226 = arith.constant dense<0.000000e+00> : vector<3x4096xf32>
    %dot_general3A_227 = tpu.matmul %get3A_1, %get3A_225, %dot_general3A_226 {dimension_numbers = #tpu.dot_dimension_numbers<[1], [0], [0], [1], [0, 0, 1, 1], [], []>, precision = #tpu.contract_precision<fp32>, transpose_lhs_hint = false} : vector<3x64xf32>, vector<64x4096xf32>, vector<3x4096xf32> -> vector<3x4096xf32>
    %swap3A_228 = arith.constant 11 : index
    %swap3A_229 = arith.constant 0 : index
    %swap3A_230 = arith.constant 0 : index
    %swap3A_231 = vector.load %arg5[%swap3A_228, %swap3A_229, %swap3A_230] : memref<16x3x4096xf32, #tpu.memory_space<vmem>>, vector<1x3x4096xf32>
    %swap3A_232 = vector.shape_cast %swap3A_231 : vector<1x3x4096xf32> to vector<3x4096xf32>
    %swap3A_233 = vector.shape_cast %dot_general3A_227 : vector<3x4096xf32> to vector<1x3x4096xf32>
    tpu.vector_store %arg5[%swap3A_228, %swap3A_229, %swap3A_230], %swap3A_233 {strides = array<i32>} : memref<16x3x4096xf32, #tpu.memory_space<vmem>>, vector<1x3x4096xf32>,
    %reduce_sum3A_234 = arith.constant dense<0.000000e+00> : vector<64xf32>
    %reduce_sum3A_235 = vector.multi_reduction <add>, %get3A_225, %reduce_sum3A_234 [1] : vector<64x4096xf32> to vector<64xf32>
    %broadcast_in_dim3A_236 = vector.shape_cast %reduce_sum3A_235 : vector<64xf32> to vector<64x1xf32>
    %add3A_237 = arith.addf %add3A_217, %broadcast_in_dim3A_236 : vector<64x1xf32>
    %dot_general3A_238 = arith.constant dense<0.000000e+00> : vector<64x64xf32>
    %dot_general3A_239 = tpu.matmul %get3A_225, %get3A_225, %dot_general3A_238 {dimension_numbers = #tpu.dot_dimension_numbers<[1], [1], [0], [0], [0, 0, 1, 0], [], []>, precision = #tpu.contract_precision<fp32>, transpose_lhs_hint = false} : vector<64x4096xf32>, vector<64x4096xf32>, vector<64x64xf32> -> vector<64x64xf32>
    %add3A_240 = arith.addf %add3A_220, %dot_general3A_239 : vector<64x64xf32>
    %get3A_241 = arith.constant 12 : index
    %get3A_242 = arith.constant 0 : index
    %get3A_243 = arith.constant 0 : index
    %get3A_244 = vector.load %arg1[%get3A_241, %get3A_242, %get3A_243] : memref<16x64x4096xf32, #tpu.memory_space<vmem>>, vector<1x64x4096xf32>
    %get3A_245 = vector.shape_cast %get3A_244 : vector<1x64x4096xf32> to vector<64x4096xf32>
    %dot_general3A_246 = arith.constant dense<0.000000e+00> : vector<3x4096xf32>
    %dot_general3A_247 = tpu.matmul %get3A_1, %get3A_245, %dot_general3A_246 {dimension_numbers = #tpu.dot_dimension_numbers<[1], [0], [0], [1], [0, 0, 1, 1], [], []>, precision = #tpu.contract_precision<fp32>, transpose_lhs_hint = false} : vector<3x64xf32>, vector<64x4096xf32>, vector<3x4096xf32> -> vector<3x4096xf32>
    %swap3A_248 = arith.constant 12 : index
    %swap3A_249 = arith.constant 0 : index
    %swap3A_250 = arith.constant 0 : index
    %swap3A_251 = vector.load %arg5[%swap3A_248, %swap3A_249, %swap3A_250] : memref<16x3x4096xf32, #tpu.memory_space<vmem>>, vector<1x3x4096xf32>
    %swap3A_252 = vector.shape_cast %swap3A_251 : vector<1x3x4096xf32> to vector<3x4096xf32>
    %swap3A_253 = vector.shape_cast %dot_general3A_247 : vector<3x4096xf32> to vector<1x3x4096xf32>
    tpu.vector_store %arg5[%swap3A_248, %swap3A_249, %swap3A_250], %swap3A_253 {strides = array<i32>} : memref<16x3x4096xf32, #tpu.memory_space<vmem>>, vector<1x3x4096xf32>,
    %reduce_sum3A_254 = arith.constant dense<0.000000e+00> : vector<64xf32>
    %reduce_sum3A_255 = vector.multi_reduction <add>, %get3A_245, %reduce_sum3A_254 [1] : vector<64x4096xf32> to vector<64xf32>
    %broadcast_in_dim3A_256 = vector.shape_cast %reduce_sum3A_255 : vector<64xf32> to vector<64x1xf32>
    %add3A_257 = arith.addf %add3A_237, %broadcast_in_dim3A_256 : vector<64x1xf32>
    %dot_general3A_258 = arith.constant dense<0.000000e+00> : vector<64x64xf32>
    %dot_general3A_259 = tpu.matmul %get3A_245, %get3A_245, %dot_general3A_258 {dimension_numbers = #tpu.dot_dimension_numbers<[1], [1], [0], [0], [0, 0, 1, 0], [], []>, precision = #tpu.contract_precision<fp32>, transpose_lhs_hint = false} : vector<64x4096xf32>, vector<64x4096xf32>, vector<64x64xf32> -> vector<64x64xf32>
    %add3A_260 = arith.addf %add3A_240, %dot_general3A_259 : vector<64x64xf32>
    %get3A_261 = arith.constant 13 : index
    %get3A_262 = arith.constant 0 : index
    %get3A_263 = arith.constant 0 : index
    %get3A_264 = vector.load %arg1[%get3A_261, %get3A_262, %get3A_263] : memref<16x64x4096xf32, #tpu.memory_space<vmem>>, vector<1x64x4096xf32>
    %get3A_265 = vector.shape_cast %get3A_264 : vector<1x64x4096xf32> to vector<64x4096xf32>
    %dot_general3A_266 = arith.constant dense<0.000000e+00> : vector<3x4096xf32>
    %dot_general3A_267 = tpu.matmul %get3A_1, %get3A_265, %dot_general3A_266 {dimension_numbers = #tpu.dot_dimension_numbers<[1], [0], [0], [1], [0, 0, 1, 1], [], []>, precision = #tpu.contract_precision<fp32>, transpose_lhs_hint = false} : vector<3x64xf32>, vector<64x4096xf32>, vector<3x4096xf32> -> vector<3x4096xf32>
    %swap3A_268 = arith.constant 13 : index
    %swap3A_269 = arith.constant 0 : index
    %swap3A_270 = arith.constant 0 : index
    %swap3A_271 = vector.load %arg5[%swap3A_268, %swap3A_269, %swap3A_270] : memref<16x3x4096xf32, #tpu.memory_space<vmem>>, vector<1x3x4096xf32>
    %swap3A_272 = vector.shape_cast %swap3A_271 : vector<1x3x4096xf32> to vector<3x4096xf32>
    %swap3A_273 = vector.shape_cast %dot_general3A_267 : vector<3x4096xf32> to vector<1x3x4096xf32>
    tpu.vector_store %arg5[%swap3A_268, %swap3A_269, %swap3A_270], %swap3A_273 {strides = array<i32>} : memref<16x3x4096xf32, #tpu.memory_space<vmem>>, vector<1x3x4096xf32>,
    %reduce_sum3A_274 = arith.constant dense<0.000000e+00> : vector<64xf32>
    %reduce_sum3A_275 = vector.multi_reduction <add>, %get3A_265, %reduce_sum3A_274 [1] : vector<64x4096xf32> to vector<64xf32>
    %broadcast_in_dim3A_276 = vector.shape_cast %reduce_sum3A_275 : vector<64xf32> to vector<64x1xf32>
    %add3A_277 = arith.addf %add3A_257, %broadcast_in_dim3A_276 : vector<64x1xf32>
    %dot_general3A_278 = arith.constant dense<0.000000e+00> : vector<64x64xf32>
    %dot_general3A_279 = tpu.matmul %get3A_265, %get3A_265, %dot_general3A_278 {dimension_numbers = #tpu.dot_dimension_numbers<[1], [1], [0], [0], [0, 0, 1, 0], [], []>, precision = #tpu.contract_precision<fp32>, transpose_lhs_hint = false} : vector<64x4096xf32>, vector<64x4096xf32>, vector<64x64xf32> -> vector<64x64xf32>
    %add3A_280 = arith.addf %add3A_260, %dot_general3A_279 : vector<64x64xf32>
    %get3A_281 = arith.constant 14 : index
    %get3A_282 = arith.constant 0 : index
    %get3A_283 = arith.constant 0 : index
    %get3A_284 = vector.load %arg1[%get3A_281, %get3A_282, %get3A_283] : memref<16x64x4096xf32, #tpu.memory_space<vmem>>, vector<1x64x4096xf32>
    %get3A_285 = vector.shape_cast %get3A_284 : vector<1x64x4096xf32> to vector<64x4096xf32>
    %dot_general3A_286 = arith.constant dense<0.000000e+00> : vector<3x4096xf32>
    %dot_general3A_287 = tpu.matmul %get3A_1, %get3A_285, %dot_general3A_286 {dimension_numbers = #tpu.dot_dimension_numbers<[1], [0], [0], [1], [0, 0, 1, 1], [], []>, precision = #tpu.contract_precision<fp32>, transpose_lhs_hint = false} : vector<3x64xf32>, vector<64x4096xf32>, vector<3x4096xf32> -> vector<3x4096xf32>
    %swap3A_288 = arith.constant 14 : index
    %swap3A_289 = arith.constant 0 : index
    %swap3A_290 = arith.constant 0 : index
    %swap3A_291 = vector.load %arg5[%swap3A_288, %swap3A_289, %swap3A_290] : memref<16x3x4096xf32, #tpu.memory_space<vmem>>, vector<1x3x4096xf32>
    %swap3A_292 = vector.shape_cast %swap3A_291 : vector<1x3x4096xf32> to vector<3x4096xf32>
    %swap3A_293 = vector.shape_cast %dot_general3A_287 : vector<3x4096xf32> to vector<1x3x4096xf32>
    tpu.vector_store %arg5[%swap3A_288, %swap3A_289, %swap3A_290], %swap3A_293 {strides = array<i32>} : memref<16x3x4096xf32, #tpu.memory_space<vmem>>, vector<1x3x4096xf32>,
    %reduce_sum3A_294 = arith.constant dense<0.000000e+00> : vector<64xf32>
    %reduce_sum3A_295 = vector.multi_reduction <add>, %get3A_285, %reduce_sum3A_294 [1] : vector<64x4096xf32> to vector<64xf32>
    %broadcast_in_dim3A_296 = vector.shape_cast %reduce_sum3A_295 : vector<64xf32> to vector<64x1xf32>
    %add3A_297 = arith.addf %add3A_277, %broadcast_in_dim3A_296 : vector<64x1xf32>
    %dot_general3A_298 = arith.constant dense<0.000000e+00> : vector<64x64xf32>
    %dot_general3A_299 = tpu.matmul %get3A_285, %get3A_285, %dot_general3A_298 {dimension_numbers = #tpu.dot_dimension_numbers<[1], [1], [0], [0], [0, 0, 1, 0], [], []>, precision = #tpu.contract_precision<fp32>, transpose_lhs_hint = false} : vector<64x4096xf32>, vector<64x4096xf32>, vector<64x64xf32> -> vector<64x64xf32>
    %add3A_300 = arith.addf %add3A_280, %dot_general3A_299 : vector<64x64xf32>
    %get3A_301 = arith.constant 15 : index
    %get3A_302 = arith.constant 0 : index
    %get3A_303 = arith.constant 0 : index
    %get3A_304 = vector.load %arg1[%get3A_301, %get3A_302, %get3A_303] : memref<16x64x4096xf32, #tpu.memory_space<vmem>>, vector<1x64x4096xf32>
    %get3A_305 = vector.shape_cast %get3A_304 : vector<1x64x4096xf32> to vector<64x4096xf32>
    %dot_general3A_306 = arith.constant dense<0.000000e+00> : vector<3x4096xf32>
    %dot_general3A_307 = tpu.matmul %get3A_1, %get3A_305, %dot_general3A_306 {dimension_numbers = #tpu.dot_dimension_numbers<[1], [0], [0], [1], [0, 0, 1, 1], [], []>, precision = #tpu.contract_precision<fp32>, transpose_lhs_hint = false} : vector<3x64xf32>, vector<64x4096xf32>, vector<3x4096xf32> -> vector<3x4096xf32>
    %swap3A_308 = arith.constant 15 : index
    %swap3A_309 = arith.constant 0 : index
    %swap3A_310 = arith.constant 0 : index
    %swap3A_311 = vector.load %arg5[%swap3A_308, %swap3A_309, %swap3A_310] : memref<16x3x4096xf32, #tpu.memory_space<vmem>>, vector<1x3x4096xf32>
    %swap3A_312 = vector.shape_cast %swap3A_311 : vector<1x3x4096xf32> to vector<3x4096xf32>
    %swap3A_313 = vector.shape_cast %dot_general3A_307 : vector<3x4096xf32> to vector<1x3x4096xf32>
    tpu.vector_store %arg5[%swap3A_308, %swap3A_309, %swap3A_310], %swap3A_313 {strides = array<i32>} : memref<16x3x4096xf32, #tpu.memory_space<vmem>>, vector<1x3x4096xf32>,
    %reduce_sum3A_314 = arith.constant dense<0.000000e+00> : vector<64xf32>
    %reduce_sum3A_315 = vector.multi_reduction <add>, %get3A_305, %reduce_sum3A_314 [1] : vector<64x4096xf32> to vector<64xf32>
    %broadcast_in_dim3A_316 = vector.shape_cast %reduce_sum3A_315 : vector<64xf32> to vector<64x1xf32>
    %add3A_317 = arith.addf %add3A_297, %broadcast_in_dim3A_316 : vector<64x1xf32>
    %dot_general3A_318 = arith.constant dense<0.000000e+00> : vector<64x64xf32>
    %dot_general3A_319 = tpu.matmul %get3A_305, %get3A_305, %dot_general3A_318 {dimension_numbers = #tpu.dot_dimension_numbers<[1], [1], [0], [0], [0, 0, 1, 0], [], []>, precision = #tpu.contract_precision<fp32>, transpose_lhs_hint = false} : vector<64x4096xf32>, vector<64x4096xf32>, vector<64x64xf32> -> vector<64x64xf32>
    %add3A_320 = arith.addf %add3A_300, %dot_general3A_319 : vector<64x64xf32>
    %swap3A_321 = arith.constant 0 : index
    %swap3A_322 = arith.constant 0 : index
    %swap3A_323 = vector.load %arg6[%swap3A_321, %swap3A_322] : memref<64x1xf32, #tpu.memory_space<vmem>>, vector<64x1xf32>
    tpu.vector_store %arg6[%swap3A_321, %swap3A_322], %add3A_317 {strides = array<i32>} : memref<64x1xf32, #tpu.memory_space<vmem>>, vector<64x1xf32>,
    %swap3A_324 = arith.constant 0 : index
    %swap3A_325 = arith.constant 0 : index
    %swap3A_326 = vector.load %arg7[%swap3A_324, %swap3A_325] : memref<64x64xf32, #tpu.memory_space<vmem>>, vector<64x64xf32>
    tpu.vector_store %arg7[%swap3A_324, %swap3A_325], %add3A_320 {strides = array<i32>} : memref<64x64xf32, #tpu.memory_space<vmem>>, vector<64x64xf32>,
    %get3A_327 = arith.constant 0 : index
    %get3A_328 = arith.constant 0 : index
    %get3A_329 = arith.constant 0 : index
    %get3A_330 = vector.load %arg0[%get3A_327, %get3A_328, %get3A_329] : memref<16x3x4096xf32, #tpu.memory_space<vmem>>, vector<16x1x4096xf32>
    %get3A_331 = vector.shape_cast %get3A_330 : vector<16x1x4096xf32> to vector<16x4096xf32>
    %get3A_332 = arith.constant 0 : index
    %get3A_333 = arith.constant 1 : index
    %get3A_334 = arith.constant 0 : index
    %get3A_335 = vector.load %arg0[%get3A_332, %get3A_333, %get3A_334] : memref<16x3x4096xf32, #tpu.memory_space<vmem>>, vector<16x1x4096xf32>
    %get3A_336 = vector.shape_cast %get3A_335 : vector<16x1x4096xf32> to vector<16x4096xf32>
    %get3A_337 = arith.constant 0 : index
    %get3A_338 = arith.constant 2 : index
    %get3A_339 = arith.constant 0 : index
    %get3A_340 = vector.load %arg0[%get3A_337, %get3A_338, %get3A_339] : memref<16x3x4096xf32, #tpu.memory_space<vmem>>, vector<16x1x4096xf32>
    %get3A_341 = vector.shape_cast %get3A_340 : vector<16x1x4096xf32> to vector<16x4096xf32>
    %get3A_342 = arith.constant 0 : index
    %get3A_343 = arith.constant 0 : index
    %get3A_344 = arith.constant 0 : index
    %get3A_345 = vector.load %arg5[%get3A_342, %get3A_343, %get3A_344] : memref<16x3x4096xf32, #tpu.memory_space<vmem>>, vector<16x1x4096xf32>
    %get3A_346 = vector.shape_cast %get3A_345 : vector<16x1x4096xf32> to vector<16x4096xf32>
    %get3A_347 = arith.constant 0 : index
    %get3A_348 = arith.constant 1 : index
    %get3A_349 = arith.constant 0 : index
    %get3A_350 = vector.load %arg5[%get3A_347, %get3A_348, %get3A_349] : memref<16x3x4096xf32, #tpu.memory_space<vmem>>, vector<16x1x4096xf32>
    %get3A_351 = vector.shape_cast %get3A_350 : vector<16x1x4096xf32> to vector<16x4096xf32>
    %get3A_352 = arith.constant 0 : index
    %get3A_353 = arith.constant 2 : index
    %get3A_354 = arith.constant 0 : index
    %get3A_355 = vector.load %arg5[%get3A_352, %get3A_353, %get3A_354] : memref<16x3x4096xf32, #tpu.memory_space<vmem>>, vector<16x1x4096xf32>
    %get3A_356 = vector.shape_cast %get3A_355 : vector<16x1x4096xf32> to vector<16x4096xf32>
    %iota3A = tpu.iota {dimensions = array<i32: 1>} : vector<16x4096xi32>
    %iota3A_357 = tpu.iota {dimensions = array<i32: 1>} : vector<16x64xi32>
    %broadcast_in_dim3A_358 = arith.constant 0.000000e+00 : f32
    %broadcast_in_dim3A_359 = vector.broadcast %broadcast_in_dim3A_358 : f32 to vector<16x64xf32>
    %broadcast_in_dim3A_360 = arith.constant 1.000000e+10 : f32
    %broadcast_in_dim3A_361 = vector.broadcast %broadcast_in_dim3A_360 : f32 to vector<16x4096xf32>
    %broadcast_in_dim3A_362 = arith.constant 0 : i32
    %broadcast_in_dim3A_363 = vector.broadcast %broadcast_in_dim3A_362 : i32 to vector<16x1xi32>
    %scan3A = arith.constant 0 : i32
    %scan3A_364 = arith.constant 64 : i32
    %scan3A_365 = arith.addi %scan3A, %scan3A_364 : i32
    %scan3A_366 = arith.constant 1 : i32
    %scan3A_367:8 = scf.for %scan3A_405 = %scan3A to %scan3A_365 step %scan3A_366 iter_args(%scan3A_406 = %broadcast_in_dim3A_361, %scan3A_407 = %broadcast_in_dim3A_363, %scan3A_408 = %broadcast_in_dim3A_359, %scan3A_409 = %broadcast_in_dim3A_359, %scan3A_410 = %broadcast_in_dim3A_359, %scan3A_411 = %broadcast_in_dim3A_359, %scan3A_412 = %broadcast_in_dim3A_359, %scan3A_413 = %broadcast_in_dim3A_359) -> (vector<16x4096xf32>, vector<16x1xi32>, vector<16x64xf32>, vector<16x64xf32>, vector<16x64xf32>, vector<16x64xf32>, vector<16x64xf32>, vector<16x64xf32>)  : i32 {
      %eq3A = vector.broadcast %scan3A_407 : vector<16x1xi32> to vector<16x4096xi32>
      %eq3A_414 = arith.cmpi eq, %iota3A, %eq3A : vector<16x4096xi32>
      %convert_element_type3A = arith.extui %eq3A_414 : vector<16x4096xi1> to vector<16x4096xi32>
      %convert_element_type3A_415 = arith.sitofp %convert_element_type3A : vector<16x4096xi32> to vector<16x4096xf32>
      %mul3A = arith.mulf %get3A_331, %convert_element_type3A_415 : vector<16x4096xf32>
      %reduce_sum3A_416 = arith.constant dense<0.000000e+00> : vector<16xf32>
      %reduce_sum3A_417 = vector.multi_reduction <add>, %mul3A, %reduce_sum3A_416 [1] : vector<16x4096xf32> to vector<16xf32>
      %broadcast_in_dim3A_418 = vector.shape_cast %reduce_sum3A_417 : vector<16xf32> to vector<16x1xf32>
      %mul3A_419 = arith.mulf %get3A_336, %convert_element_type3A_415 : vector<16x4096xf32>
      %reduce_sum3A_420 = arith.constant dense<0.000000e+00> : vector<16xf32>
      %reduce_sum3A_421 = vector.multi_reduction <add>, %mul3A_419, %reduce_sum3A_420 [1] : vector<16x4096xf32> to vector<16xf32>
      %broadcast_in_dim3A_422 = vector.shape_cast %reduce_sum3A_421 : vector<16xf32> to vector<16x1xf32>
      %mul3A_423 = arith.mulf %get3A_341, %convert_element_type3A_415 : vector<16x4096xf32>
      %reduce_sum3A_424 = arith.constant dense<0.000000e+00> : vector<16xf32>
      %reduce_sum3A_425 = vector.multi_reduction <add>, %mul3A_423, %reduce_sum3A_424 [1] : vector<16x4096xf32> to vector<16xf32>
      %broadcast_in_dim3A_426 = vector.shape_cast %reduce_sum3A_425 : vector<16xf32> to vector<16x1xf32>
      %mul3A_427 = arith.mulf %get3A_346, %convert_element_type3A_415 : vector<16x4096xf32>
      %reduce_sum3A_428 = arith.constant dense<0.000000e+00> : vector<16xf32>
      %reduce_sum3A_429 = vector.multi_reduction <add>, %mul3A_427, %reduce_sum3A_428 [1] : vector<16x4096xf32> to vector<16xf32>
      %broadcast_in_dim3A_430 = vector.shape_cast %reduce_sum3A_429 : vector<16xf32> to vector<16x1xf32>
      %mul3A_431 = arith.mulf %get3A_351, %convert_element_type3A_415 : vector<16x4096xf32>
      %reduce_sum3A_432 = arith.constant dense<0.000000e+00> : vector<16xf32>
      %reduce_sum3A_433 = vector.multi_reduction <add>, %mul3A_431, %reduce_sum3A_432 [1] : vector<16x4096xf32> to vector<16xf32>
      %broadcast_in_dim3A_434 = vector.shape_cast %reduce_sum3A_433 : vector<16xf32> to vector<16x1xf32>
      %mul3A_435 = arith.mulf %get3A_356, %convert_element_type3A_415 : vector<16x4096xf32>
      %reduce_sum3A_436 = arith.constant dense<0.000000e+00> : vector<16xf32>
      %reduce_sum3A_437 = vector.multi_reduction <add>, %mul3A_435, %reduce_sum3A_436 [1] : vector<16x4096xf32> to vector<16xf32>
      %broadcast_in_dim3A_438 = vector.shape_cast %reduce_sum3A_437 : vector<16xf32> to vector<16x1xf32>
      %eq3A_439 = vector.broadcast %scan3A_405 : i32 to vector<16x64xi32>
      %eq3A_440 = arith.cmpi eq, %iota3A_357, %eq3A_439 : vector<16x64xi32>
      %broadcast_in_dim3A_441 = vector.shape_cast %broadcast_in_dim3A_418 : vector<16x1xf32> to vector<16x1xf32>
      %broadcast_in_dim3A_442 = vector.broadcast %broadcast_in_dim3A_441 : vector<16x1xf32> to vector<16x64xf32>
      %select_n3A = arith.select %eq3A_440, %broadcast_in_dim3A_442, %scan3A_408 : vector<16x64xi1>, vector<16x64xf32>
      %broadcast_in_dim3A_443 = vector.shape_cast %broadcast_in_dim3A_422 : vector<16x1xf32> to vector<16x1xf32>
      %broadcast_in_dim3A_444 = vector.broadcast %broadcast_in_dim3A_443 : vector<16x1xf32> to vector<16x64xf32>
      %select_n3A_445 = arith.select %eq3A_440, %broadcast_in_dim3A_444, %scan3A_409 : vector<16x64xi1>, vector<16x64xf32>
      %broadcast_in_dim3A_446 = vector.shape_cast %broadcast_in_dim3A_426 : vector<16x1xf32> to vector<16x1xf32>
      %broadcast_in_dim3A_447 = vector.broadcast %broadcast_in_dim3A_446 : vector<16x1xf32> to vector<16x64xf32>
      %select_n3A_448 = arith.select %eq3A_440, %broadcast_in_dim3A_447, %scan3A_410 : vector<16x64xi1>, vector<16x64xf32>
      %broadcast_in_dim3A_449 = vector.shape_cast %broadcast_in_dim3A_430 : vector<16x1xf32> to vector<16x1xf32>
      %broadcast_in_dim3A_450 = vector.broadcast %broadcast_in_dim3A_449 : vector<16x1xf32> to vector<16x64xf32>
      %select_n3A_451 = arith.select %eq3A_440, %broadcast_in_dim3A_450, %scan3A_411 : vector<16x64xi1>, vector<16x64xf32>
      %broadcast_in_dim3A_452 = vector.shape_cast %broadcast_in_dim3A_434 : vector<16x1xf32> to vector<16x1xf32>
      %broadcast_in_dim3A_453 = vector.broadcast %broadcast_in_dim3A_452 : vector<16x1xf32> to vector<16x64xf32>
      %select_n3A_454 = arith.select %eq3A_440, %broadcast_in_dim3A_453, %scan3A_412 : vector<16x64xi1>, vector<16x64xf32>
      %broadcast_in_dim3A_455 = vector.shape_cast %broadcast_in_dim3A_438 : vector<16x1xf32> to vector<16x1xf32>
      %broadcast_in_dim3A_456 = vector.broadcast %broadcast_in_dim3A_455 : vector<16x1xf32> to vector<16x64xf32>
      %select_n3A_457 = arith.select %eq3A_440, %broadcast_in_dim3A_456, %scan3A_413 : vector<16x64xi1>, vector<16x64xf32>
      %sub3A = vector.broadcast %broadcast_in_dim3A_418 : vector<16x1xf32> to vector<16x4096xf32>
      %sub3A_458 = arith.subf %get3A_331, %sub3A : vector<16x4096xf32>
      %sub3A_459 = vector.broadcast %broadcast_in_dim3A_422 : vector<16x1xf32> to vector<16x4096xf32>
      %sub3A_460 = arith.subf %get3A_336, %sub3A_459 : vector<16x4096xf32>
      %sub3A_461 = vector.broadcast %broadcast_in_dim3A_426 : vector<16x1xf32> to vector<16x4096xf32>
      %sub3A_462 = arith.subf %get3A_341, %sub3A_461 : vector<16x4096xf32>
      %mul3A_463 = arith.mulf %sub3A_458, %sub3A_458 : vector<16x4096xf32>
      %mul3A_464 = arith.mulf %sub3A_460, %sub3A_460 : vector<16x4096xf32>
      %add3A_465 = arith.addf %mul3A_463, %mul3A_464 : vector<16x4096xf32>
      %mul3A_466 = arith.mulf %sub3A_462, %sub3A_462 : vector<16x4096xf32>
      %add3A_467 = arith.addf %add3A_465, %mul3A_466 : vector<16x4096xf32>
      %min3A = arith.minimumf %scan3A_406, %add3A_467 : vector<16x4096xf32>
      %reduce_max3A = arith.constant dense<0xFF800000> : vector<16xf32>
      %reduce_max3A_468 = vector.multi_reduction <maximumf>, %min3A, %reduce_max3A [1] : vector<16x4096xf32> to vector<16xf32>
      %broadcast_in_dim3A_469 = vector.shape_cast %reduce_max3A_468 : vector<16xf32> to vector<16x1xf32>
      %eq3A_470 = vector.broadcast %broadcast_in_dim3A_469 : vector<16x1xf32> to vector<16x4096xf32>
      %eq3A_471 = arith.cmpf oeq, %min3A, %eq3A_470 : vector<16x4096xf32>
      %jit3A = arith.constant 4096 : i32
      %broadcast_in_dim3A_472 = vector.broadcast %jit3A : i32 to vector<16x4096xi32>
      %select_n3A_473 = arith.select %eq3A_471, %iota3A, %broadcast_in_dim3A_472 : vector<16x4096xi1>, vector<16x4096xi32>
      %reduce_min3A = arith.constant dense<2147483647> : vector<16xi32>
      %reduce_min3A_474 = vector.multi_reduction <minsi>, %select_n3A_473, %reduce_min3A [1] : vector<16x4096xi32> to vector<16xi32>
      %broadcast_in_dim3A_475 = vector.shape_cast %reduce_min3A_474 : vector<16xi32> to vector<16x1xi32>
      scf.yield %min3A, %broadcast_in_dim3A_475, %select_n3A, %select_n3A_445, %select_n3A_448, %select_n3A_451, %select_n3A_454, %select_n3A_457 : vector<16x4096xf32>, vector<16x1xi32>, vector<16x64xf32>, vector<16x64xf32>, vector<16x64xf32>, vector<16x64xf32>, vector<16x64xf32>, vector<16x64xf32>
    }
    %scan3A_368 = arith.constant 64 : i32
    %swap3A_369 = arith.constant 0 : index
    %swap3A_370 = arith.constant 0 : index
    %swap3A_371 = arith.constant 0 : index
    %swap3A_372 = vector.load %arg3[%swap3A_369, %swap3A_370, %swap3A_371] : memref<16x3x64xf32, #tpu.memory_space<vmem>>, vector<16x1x64xf32>
    %swap3A_373 = vector.shape_cast %swap3A_372 : vector<16x1x64xf32> to vector<16x64xf32>
    %swap3A_374 = vector.shape_cast %scan3A_367#2 : vector<16x64xf32> to vector<16x1x64xf32>
    tpu.vector_store %arg3[%swap3A_369, %swap3A_370, %swap3A_371], %swap3A_374 {strides = array<i32>} : memref<16x3x64xf32, #tpu.memory_space<vmem>>, vector<16x1x64xf32>,
    %swap3A_375 = arith.constant 0 : index
    %swap3A_376 = arith.constant 1 : index
    %swap3A_377 = arith.constant 0 : index
    %swap3A_378 = vector.load %arg3[%swap3A_375, %swap3A_376, %swap3A_377] : memref<16x3x64xf32, #tpu.memory_space<vmem>>, vector<16x1x64xf32>
    %swap3A_379 = vector.shape_cast %swap3A_378 : vector<16x1x64xf32> to vector<16x64xf32>
    %swap3A_380 = vector.shape_cast %scan3A_367#3 : vector<16x64xf32> to vector<16x1x64xf32>
    tpu.vector_store %arg3[%swap3A_375, %swap3A_376, %swap3A_377], %swap3A_380 {strides = array<i32>} : memref<16x3x64xf32, #tpu.memory_space<vmem>>, vector<16x1x64xf32>,
    %swap3A_381 = arith.constant 0 : index
    %swap3A_382 = arith.constant 2 : index
    %swap3A_383 = arith.constant 0 : index
    %swap3A_384 = vector.load %arg3[%swap3A_381, %swap3A_382, %swap3A_383] : memref<16x3x64xf32, #tpu.memory_space<vmem>>, vector<16x1x64xf32>
    %swap3A_385 = vector.shape_cast %swap3A_384 : vector<16x1x64xf32> to vector<16x64xf32>
    %swap3A_386 = vector.shape_cast %scan3A_367#4 : vector<16x64xf32> to vector<16x1x64xf32>
    tpu.vector_store %arg3[%swap3A_381, %swap3A_382, %swap3A_383], %swap3A_386 {strides = array<i32>} : memref<16x3x64xf32, #tpu.memory_space<vmem>>, vector<16x1x64xf32>,
    %swap3A_387 = arith.constant 0 : index
    %swap3A_388 = arith.constant 0 : index
    %swap3A_389 = arith.constant 0 : index
    %swap3A_390 = vector.load %arg4[%swap3A_387, %swap3A_388, %swap3A_389] : memref<16x3x64xf32, #tpu.memory_space<vmem>>, vector<16x1x64xf32>
    %swap3A_391 = vector.shape_cast %swap3A_390 : vector<16x1x64xf32> to vector<16x64xf32>
    %swap3A_392 = vector.shape_cast %scan3A_367#5 : vector<16x64xf32> to vector<16x1x64xf32>
    tpu.vector_store %arg4[%swap3A_387, %swap3A_388, %swap3A_389], %swap3A_392 {strides = array<i32>} : memref<16x3x64xf32, #tpu.memory_space<vmem>>, vector<16x1x64xf32>,
    %swap3A_393 = arith.constant 0 : index
    %swap3A_394 = arith.constant 1 : index
    %swap3A_395 = arith.constant 0 : index
    %swap3A_396 = vector.load %arg4[%swap3A_393, %swap3A_394, %swap3A_395] : memref<16x3x64xf32, #tpu.memory_space<vmem>>, vector<16x1x64xf32>
    %swap3A_397 = vector.shape_cast %swap3A_396 : vector<16x1x64xf32> to vector<16x64xf32>
    %swap3A_398 = vector.shape_cast %scan3A_367#6 : vector<16x64xf32> to vector<16x1x64xf32>
    tpu.vector_store %arg4[%swap3A_393, %swap3A_394, %swap3A_395], %swap3A_398 {strides = array<i32>} : memref<16x3x64xf32, #tpu.memory_space<vmem>>, vector<16x1x64xf32>,
    %swap3A_399 = arith.constant 0 : index
    %swap3A_400 = arith.constant 2 : index
    %swap3A_401 = arith.constant 0 : index
    %swap3A_402 = vector.load %arg4[%swap3A_399, %swap3A_400, %swap3A_401] : memref<16x3x64xf32, #tpu.memory_space<vmem>>, vector<16x1x64xf32>
    %swap3A_403 = vector.shape_cast %swap3A_402 : vector<16x1x64xf32> to vector<16x64xf32>
    %swap3A_404 = vector.shape_cast %scan3A_367#7 : vector<16x64xf32> to vector<16x1x64xf32>
    tpu.vector_store %arg4[%swap3A_399, %swap3A_400, %swap3A_401], %swap3A_404 {strides = array<i32>} : memref<16x3x64xf32, #tpu.memory_space<vmem>>, vector<16x1x64xf32>,
    return
  }
}

module attributes {stable_mosaic.version = 14 : i64} {
  func.func @_k1b_body(%arg0: i32, %arg1: memref<1x3x4096xf32, #tpu.memory_space<vmem>>, %arg2: memref<1x3x4096xf32, #tpu.memory_space<vmem>>, %arg3: memref<1x3x64xf32, #tpu.memory_space<vmem>>, %arg4: memref<1x3x64xf32, #tpu.memory_space<vmem>>, %arg5: memref<1x3x64xf32, #tpu.memory_space<vmem>>, %arg6: memref<1x3x64xf32, #tpu.memory_space<vmem>>) attributes {dimension_semantics = [#tpu.dimension_semantics<parallel>], iteration_bounds = array<i64: 16>, scalar_prefetch = 0 : i64, scratch_operands = 0 : i64, tpu.core_type = #tpu.core_type<tc>, window_params = [{transform_indices = @transform_0, window_bounds = array<i64: 1, 3, 4096>}, {transform_indices = @transform_1, window_bounds = array<i64: 1, 3, 4096>}, {transform_indices = @transform_2, window_bounds = array<i64: 1, 3, 64>}, {transform_indices = @transform_3, window_bounds = array<i64: 1, 3, 64>}, {transform_indices = @transform_4, window_bounds = array<i64: 1, 3, 64>}, {transform_indices = @transform_5, window_bounds = array<i64: 1, 3, 64>}]} {
    %iota3A = tpu.iota {dimensions = array<i32: 0>} : vector<64x64xi32>
    %iota3A_0 = tpu.iota {dimensions = array<i32: 1>} : vector<64x64xi32>
    %eq3A = arith.cmpi eq, %iota3A, %iota3A_0 : vector<64x64xi32>
    %convert_element_type3A = arith.extui %eq3A : vector<64x64xi1> to vector<64x64xi32>
    %convert_element_type3A_1 = arith.sitofp %convert_element_type3A : vector<64x64xi32> to vector<64x64xf32>
    %get3A = arith.constant 0 : index
    %get3A_2 = arith.constant 0 : index
    %get3A_3 = arith.constant 0 : index
    %get3A_4 = vector.load %arg1[%get3A, %get3A_2, %get3A_3] : memref<1x3x4096xf32, #tpu.memory_space<vmem>>, vector<1x1x4096xf32>
    %get3A_5 = vector.shape_cast %get3A_4 : vector<1x1x4096xf32> to vector<1x4096xf32>
    %get3A_6 = arith.constant 0 : index
    %get3A_7 = arith.constant 1 : index
    %get3A_8 = arith.constant 0 : index
    %get3A_9 = vector.load %arg1[%get3A_6, %get3A_7, %get3A_8] : memref<1x3x4096xf32, #tpu.memory_space<vmem>>, vector<1x1x4096xf32>
    %get3A_10 = vector.shape_cast %get3A_9 : vector<1x1x4096xf32> to vector<1x4096xf32>
    %get3A_11 = arith.constant 0 : index
    %get3A_12 = arith.constant 2 : index
    %get3A_13 = arith.constant 0 : index
    %get3A_14 = vector.load %arg1[%get3A_11, %get3A_12, %get3A_13] : memref<1x3x4096xf32, #tpu.memory_space<vmem>>, vector<1x1x4096xf32>
    %get3A_15 = vector.shape_cast %get3A_14 : vector<1x1x4096xf32> to vector<1x4096xf32>
    %get3A_16 = arith.constant 0 : index
    %get3A_17 = arith.constant 0 : index
    %get3A_18 = arith.constant 0 : index
    %get3A_19 = vector.load %arg3[%get3A_16, %get3A_17, %get3A_18] : memref<1x3x64xf32, #tpu.memory_space<vmem>>, vector<1x1x64xf32>
    %get3A_20 = vector.shape_cast %get3A_19 : vector<1x1x64xf32> to vector<1x64xf32>
    %dot_general3A = arith.constant dense<0.000000e+00> : vector<64x1xf32>
    %dot_general3A_21 = tpu.matmul %convert_element_type3A_1, %get3A_20, %dot_general3A {dimension_numbers = #tpu.dot_dimension_numbers<[1], [1], [0], [0], [0, 0, 1, 0], [], []>, precision = #tpu.contract_precision<fp32>, transpose_lhs_hint = false} : vector<64x64xf32>, vector<1x64xf32>, vector<64x1xf32> -> vector<64x1xf32>
    %get3A_22 = arith.constant 0 : index
    %get3A_23 = arith.constant 1 : index
    %get3A_24 = arith.constant 0 : index
    %get3A_25 = vector.load %arg3[%get3A_22, %get3A_23, %get3A_24] : memref<1x3x64xf32, #tpu.memory_space<vmem>>, vector<1x1x64xf32>
    %get3A_26 = vector.shape_cast %get3A_25 : vector<1x1x64xf32> to vector<1x64xf32>
    %dot_general3A_27 = arith.constant dense<0.000000e+00> : vector<64x1xf32>
    %dot_general3A_28 = tpu.matmul %convert_element_type3A_1, %get3A_26, %dot_general3A_27 {dimension_numbers = #tpu.dot_dimension_numbers<[1], [1], [0], [0], [0, 0, 1, 0], [], []>, precision = #tpu.contract_precision<fp32>, transpose_lhs_hint = false} : vector<64x64xf32>, vector<1x64xf32>, vector<64x1xf32> -> vector<64x1xf32>
    %get3A_29 = arith.constant 0 : index
    %get3A_30 = arith.constant 2 : index
    %get3A_31 = arith.constant 0 : index
    %get3A_32 = vector.load %arg3[%get3A_29, %get3A_30, %get3A_31] : memref<1x3x64xf32, #tpu.memory_space<vmem>>, vector<1x1x64xf32>
    %get3A_33 = vector.shape_cast %get3A_32 : vector<1x1x64xf32> to vector<1x64xf32>
    %dot_general3A_34 = arith.constant dense<0.000000e+00> : vector<64x1xf32>
    %dot_general3A_35 = tpu.matmul %convert_element_type3A_1, %get3A_33, %dot_general3A_34 {dimension_numbers = #tpu.dot_dimension_numbers<[1], [1], [0], [0], [0, 0, 1, 0], [], []>, precision = #tpu.contract_precision<fp32>, transpose_lhs_hint = false} : vector<64x64xf32>, vector<1x64xf32>, vector<64x1xf32> -> vector<64x1xf32>
    %convert_element_type3A_36 = arith.truncf %dot_general3A_21 : vector<64x1xf32> to vector<64x1xbf16>
    %convert_element_type3A_37 = arith.extf %convert_element_type3A_36 : vector<64x1xbf16> to vector<64x1xf32>
    %convert_element_type3A_38 = arith.truncf %get3A_5 : vector<1x4096xf32> to vector<1x4096xbf16>
    %convert_element_type3A_39 = arith.extf %convert_element_type3A_38 : vector<1x4096xbf16> to vector<1x4096xf32>
    %mul3A = vector.broadcast %convert_element_type3A_37 : vector<64x1xf32> to vector<64x4096xf32>
    %mul3A_40 = vector.broadcast %convert_element_type3A_39 : vector<1x4096xf32> to vector<64x4096xf32>
    %mul3A_41 = arith.mulf %mul3A, %mul3A_40 : vector<64x4096xf32>
    %convert_element_type3A_42 = arith.truncf %dot_general3A_28 : vector<64x1xf32> to vector<64x1xbf16>
    %convert_element_type3A_43 = arith.extf %convert_element_type3A_42 : vector<64x1xbf16> to vector<64x1xf32>
    %convert_element_type3A_44 = arith.truncf %get3A_10 : vector<1x4096xf32> to vector<1x4096xbf16>
    %convert_element_type3A_45 = arith.extf %convert_element_type3A_44 : vector<1x4096xbf16> to vector<1x4096xf32>
    %mul3A_46 = vector.broadcast %convert_element_type3A_43 : vector<64x1xf32> to vector<64x4096xf32>
    %mul3A_47 = vector.broadcast %convert_element_type3A_45 : vector<1x4096xf32> to vector<64x4096xf32>
    %mul3A_48 = arith.mulf %mul3A_46, %mul3A_47 : vector<64x4096xf32>
    %convert_element_type3A_49 = arith.truncf %dot_general3A_35 : vector<64x1xf32> to vector<64x1xbf16>
    %convert_element_type3A_50 = arith.extf %convert_element_type3A_49 : vector<64x1xbf16> to vector<64x1xf32>
    %convert_element_type3A_51 = arith.truncf %get3A_15 : vector<1x4096xf32> to vector<1x4096xbf16>
    %convert_element_type3A_52 = arith.extf %convert_element_type3A_51 : vector<1x4096xbf16> to vector<1x4096xf32>
    %mul3A_53 = vector.broadcast %convert_element_type3A_50 : vector<64x1xf32> to vector<64x4096xf32>
    %mul3A_54 = vector.broadcast %convert_element_type3A_52 : vector<1x4096xf32> to vector<64x4096xf32>
    %mul3A_55 = arith.mulf %mul3A_53, %mul3A_54 : vector<64x4096xf32>
    %add3A = arith.addf %mul3A_41, %mul3A_48 : vector<64x4096xf32>
    %add3A_56 = arith.addf %add3A, %mul3A_55 : vector<64x4096xf32>
    %mul3A_57 = arith.mulf %dot_general3A_21, %dot_general3A_21 : vector<64x1xf32>
    %mul3A_58 = arith.mulf %dot_general3A_28, %dot_general3A_28 : vector<64x1xf32>
    %add3A_59 = arith.addf %mul3A_57, %mul3A_58 : vector<64x1xf32>
    %mul3A_60 = arith.mulf %dot_general3A_35, %dot_general3A_35 : vector<64x1xf32>
    %add3A_61 = arith.addf %add3A_59, %mul3A_60 : vector<64x1xf32>
    %mul3A_62 = arith.mulf %get3A_5, %get3A_5 : vector<1x4096xf32>
    %mul3A_63 = arith.mulf %get3A_10, %get3A_10 : vector<1x4096xf32>
    %add3A_64 = arith.addf %mul3A_62, %mul3A_63 : vector<1x4096xf32>
    %mul3A_65 = arith.mulf %get3A_15, %get3A_15 : vector<1x4096xf32>
    %add3A_66 = arith.addf %add3A_64, %mul3A_65 : vector<1x4096xf32>
    %mul3A_67 = arith.constant -2.000000e+00 : f32
    %mul3A_68 = vector.broadcast %mul3A_67 : f32 to vector<64x4096xf32>
    %mul3A_69 = arith.mulf %mul3A_68, %add3A_56 : vector<64x4096xf32>
    %add3A_70 = vector.broadcast %add3A_61 : vector<64x1xf32> to vector<64x4096xf32>
    %add3A_71 = arith.addf %mul3A_69, %add3A_70 : vector<64x4096xf32>
    %add3A_72 = vector.broadcast %add3A_66 : vector<1x4096xf32> to vector<64x4096xf32>
    %add3A_73 = arith.addf %add3A_71, %add3A_72 : vector<64x4096xf32>
    %le3A = arith.constant 9.000000e-02 : f32
    %le3A_74 = vector.broadcast %le3A : f32 to vector<64x4096xf32>
    %le3A_75 = arith.cmpf ole, %add3A_73, %le3A_74 : vector<64x4096xf32>
    %iota3A_76 = tpu.iota {dimensions = array<i32: 1>} : vector<64x4096xi32>
    %convert_element_type3A_77 = arith.extui %le3A_75 : vector<64x4096xi1> to vector<64x4096xi32>
    %reduce_sum3A = arith.constant dense<0> : vector<64xi32>
    %reduce_sum3A_78 = vector.multi_reduction <add>, %convert_element_type3A_77, %reduce_sum3A [1] : vector<64x4096xi32> to vector<64xi32>
    %broadcast_in_dim3A = vector.shape_cast %reduce_sum3A_78 : vector<64xi32> to vector<64x1xi32>
    %jit3A = arith.constant 4096 : i32
    %broadcast_in_dim3A_79 = vector.broadcast %jit3A : i32 to vector<64x4096xi32>
    %select_n3A = arith.select %le3A_75, %iota3A_76, %broadcast_in_dim3A_79 : vector<64x4096xi1>, vector<64x4096xi32>
    %reduce_min3A = arith.constant dense<2147483647> : vector<64xi32>
    %reduce_min3A_80 = vector.multi_reduction <minsi>, %select_n3A, %reduce_min3A [1] : vector<64x4096xi32> to vector<64xi32>
    %broadcast_in_dim3A_81 = vector.shape_cast %reduce_min3A_80 : vector<64xi32> to vector<64x1xi32>
    %broadcast_in_dim3A_82 = arith.constant -1 : i32
    %broadcast_in_dim3A_83 = vector.broadcast %broadcast_in_dim3A_82 : i32 to vector<64x1xi32>
    %broadcast_in_dim3A_84 = arith.constant 4095 : i32
    %broadcast_in_dim3A_85 = vector.broadcast %broadcast_in_dim3A_84 : i32 to vector<64x1xi32>
    %sub3A = arith.subi %broadcast_in_dim3A_85, %broadcast_in_dim3A_83 : vector<64x1xi32>
    %shift_right_arithmetic3A = arith.constant 1 : i32
    %shift_right_arithmetic3A_86 = vector.broadcast %shift_right_arithmetic3A : i32 to vector<64x1xi32>
    %shift_right_arithmetic3A_87 = arith.shrsi %sub3A, %shift_right_arithmetic3A_86 : vector<64x1xi32>
    %add3A_88 = arith.addi %broadcast_in_dim3A_83, %shift_right_arithmetic3A_87 : vector<64x1xi32>
    %le3A_89 = vector.broadcast %add3A_88 : vector<64x1xi32> to vector<64x4096xi32>
    %le3A_90 = arith.cmpi sle, %iota3A_76, %le3A_89 : vector<64x4096xi32>
    %and3A = arith.andi %le3A_75, %le3A_90 : vector<64x4096xi1>
    %convert_element_type3A_91 = arith.extui %and3A : vector<64x4096xi1> to vector<64x4096xi32>
    %reduce_sum3A_92 = arith.constant dense<0> : vector<64xi32>
    %reduce_sum3A_93 = vector.multi_reduction <add>, %convert_element_type3A_91, %reduce_sum3A_92 [1] : vector<64x4096xi32> to vector<64xi32>
    %broadcast_in_dim3A_94 = vector.shape_cast %reduce_sum3A_93 : vector<64xi32> to vector<64x1xi32>
    %ge3A = arith.constant 64 : i32
    %ge3A_95 = vector.broadcast %ge3A : i32 to vector<64x1xi32>
    %ge3A_96 = arith.cmpi sge, %broadcast_in_dim3A_94, %ge3A_95 : vector<64x1xi32>
    %select_n3A_97 = arith.select %ge3A_96, %add3A_88, %broadcast_in_dim3A_85 : vector<64x1xi1>, vector<64x1xi32>
    %select_n3A_98 = arith.select %ge3A_96, %broadcast_in_dim3A_83, %add3A_88 : vector<64x1xi1>, vector<64x1xi32>
    %sub3A_99 = arith.subi %select_n3A_97, %select_n3A_98 : vector<64x1xi32>
    %shift_right_arithmetic3A_100 = arith.constant 1 : i32
    %shift_right_arithmetic3A_101 = vector.broadcast %shift_right_arithmetic3A_100 : i32 to vector<64x1xi32>
    %shift_right_arithmetic3A_102 = arith.shrsi %sub3A_99, %shift_right_arithmetic3A_101 : vector<64x1xi32>
    %add3A_103 = arith.addi %select_n3A_98, %shift_right_arithmetic3A_102 : vector<64x1xi32>
    %le3A_104 = vector.broadcast %add3A_103 : vector<64x1xi32> to vector<64x4096xi32>
    %le3A_105 = arith.cmpi sle, %iota3A_76, %le3A_104 : vector<64x4096xi32>
    %and3A_106 = arith.andi %le3A_75, %le3A_105 : vector<64x4096xi1>
    %convert_element_type3A_107 = arith.extui %and3A_106 : vector<64x4096xi1> to vector<64x4096xi32>
    %reduce_sum3A_108 = arith.constant dense<0> : vector<64xi32>
    %reduce_sum3A_109 = vector.multi_reduction <add>, %convert_element_type3A_107, %reduce_sum3A_108 [1] : vector<64x4096xi32> to vector<64xi32>
    %broadcast_in_dim3A_110 = vector.shape_cast %reduce_sum3A_109 : vector<64xi32> to vector<64x1xi32>
    %ge3A_111 = arith.constant 64 : i32
    %ge3A_112 = vector.broadcast %ge3A_111 : i32 to vector<64x1xi32>
    %ge3A_113 = arith.cmpi sge, %broadcast_in_dim3A_110, %ge3A_112 : vector<64x1xi32>
    %select_n3A_114 = arith.select %ge3A_113, %add3A_103, %select_n3A_97 : vector<64x1xi1>, vector<64x1xi32>
    %select_n3A_115 = arith.select %ge3A_113, %select_n3A_98, %add3A_103 : vector<64x1xi1>, vector<64x1xi32>
    %sub3A_116 = arith.subi %select_n3A_114, %select_n3A_115 : vector<64x1xi32>
    %shift_right_arithmetic3A_117 = arith.constant 1 : i32
    %shift_right_arithmetic3A_118 = vector.broadcast %shift_right_arithmetic3A_117 : i32 to vector<64x1xi32>
    %shift_right_arithmetic3A_119 = arith.shrsi %sub3A_116, %shift_right_arithmetic3A_118 : vector<64x1xi32>
    %add3A_120 = arith.addi %select_n3A_115, %shift_right_arithmetic3A_119 : vector<64x1xi32>
    %le3A_121 = vector.broadcast %add3A_120 : vector<64x1xi32> to vector<64x4096xi32>
    %le3A_122 = arith.cmpi sle, %iota3A_76, %le3A_121 : vector<64x4096xi32>
    %and3A_123 = arith.andi %le3A_75, %le3A_122 : vector<64x4096xi1>
    %convert_element_type3A_124 = arith.extui %and3A_123 : vector<64x4096xi1> to vector<64x4096xi32>
    %reduce_sum3A_125 = arith.constant dense<0> : vector<64xi32>
    %reduce_sum3A_126 = vector.multi_reduction <add>, %convert_element_type3A_124, %reduce_sum3A_125 [1] : vector<64x4096xi32> to vector<64xi32>
    %broadcast_in_dim3A_127 = vector.shape_cast %reduce_sum3A_126 : vector<64xi32> to vector<64x1xi32>
    %ge3A_128 = arith.constant 64 : i32
    %ge3A_129 = vector.broadcast %ge3A_128 : i32 to vector<64x1xi32>
    %ge3A_130 = arith.cmpi sge, %broadcast_in_dim3A_127, %ge3A_129 : vector<64x1xi32>
    %select_n3A_131 = arith.select %ge3A_130, %add3A_120, %select_n3A_114 : vector<64x1xi1>, vector<64x1xi32>
    %select_n3A_132 = arith.select %ge3A_130, %select_n3A_115, %add3A_120 : vector<64x1xi1>, vector<64x1xi32>
    %sub3A_133 = arith.subi %select_n3A_131, %select_n3A_132 : vector<64x1xi32>
    %shift_right_arithmetic3A_134 = arith.constant 1 : i32
    %shift_right_arithmetic3A_135 = vector.broadcast %shift_right_arithmetic3A_134 : i32 to vector<64x1xi32>
    %shift_right_arithmetic3A_136 = arith.shrsi %sub3A_133, %shift_right_arithmetic3A_135 : vector<64x1xi32>
    %add3A_137 = arith.addi %select_n3A_132, %shift_right_arithmetic3A_136 : vector<64x1xi32>
    %le3A_138 = vector.broadcast %add3A_137 : vector<64x1xi32> to vector<64x4096xi32>
    %le3A_139 = arith.cmpi sle, %iota3A_76, %le3A_138 : vector<64x4096xi32>
    %and3A_140 = arith.andi %le3A_75, %le3A_139 : vector<64x4096xi1>
    %convert_element_type3A_141 = arith.extui %and3A_140 : vector<64x4096xi1> to vector<64x4096xi32>
    %reduce_sum3A_142 = arith.constant dense<0> : vector<64xi32>
    %reduce_sum3A_143 = vector.multi_reduction <add>, %convert_element_type3A_141, %reduce_sum3A_142 [1] : vector<64x4096xi32> to vector<64xi32>
    %broadcast_in_dim3A_144 = vector.shape_cast %reduce_sum3A_143 : vector<64xi32> to vector<64x1xi32>
    %ge3A_145 = arith.constant 64 : i32
    %ge3A_146 = vector.broadcast %ge3A_145 : i32 to vector<64x1xi32>
    %ge3A_147 = arith.cmpi sge, %broadcast_in_dim3A_144, %ge3A_146 : vector<64x1xi32>
    %select_n3A_148 = arith.select %ge3A_147, %add3A_137, %select_n3A_131 : vector<64x1xi1>, vector<64x1xi32>
    %select_n3A_149 = arith.select %ge3A_147, %select_n3A_132, %add3A_137 : vector<64x1xi1>, vector<64x1xi32>
    %sub3A_150 = arith.subi %select_n3A_148, %select_n3A_149 : vector<64x1xi32>
    %shift_right_arithmetic3A_151 = arith.constant 1 : i32
    %shift_right_arithmetic3A_152 = vector.broadcast %shift_right_arithmetic3A_151 : i32 to vector<64x1xi32>
    %shift_right_arithmetic3A_153 = arith.shrsi %sub3A_150, %shift_right_arithmetic3A_152 : vector<64x1xi32>
    %add3A_154 = arith.addi %select_n3A_149, %shift_right_arithmetic3A_153 : vector<64x1xi32>
    %le3A_155 = vector.broadcast %add3A_154 : vector<64x1xi32> to vector<64x4096xi32>
    %le3A_156 = arith.cmpi sle, %iota3A_76, %le3A_155 : vector<64x4096xi32>
    %and3A_157 = arith.andi %le3A_75, %le3A_156 : vector<64x4096xi1>
    %convert_element_type3A_158 = arith.extui %and3A_157 : vector<64x4096xi1> to vector<64x4096xi32>
    %reduce_sum3A_159 = arith.constant dense<0> : vector<64xi32>
    %reduce_sum3A_160 = vector.multi_reduction <add>, %convert_element_type3A_158, %reduce_sum3A_159 [1] : vector<64x4096xi32> to vector<64xi32>
    %broadcast_in_dim3A_161 = vector.shape_cast %reduce_sum3A_160 : vector<64xi32> to vector<64x1xi32>
    %ge3A_162 = arith.constant 64 : i32
    %ge3A_163 = vector.broadcast %ge3A_162 : i32 to vector<64x1xi32>
    %ge3A_164 = arith.cmpi sge, %broadcast_in_dim3A_161, %ge3A_163 : vector<64x1xi32>
    %select_n3A_165 = arith.select %ge3A_164, %add3A_154, %select_n3A_148 : vector<64x1xi1>, vector<64x1xi32>
    %select_n3A_166 = arith.select %ge3A_164, %select_n3A_149, %add3A_154 : vector<64x1xi1>, vector<64x1xi32>
    %sub3A_167 = arith.subi %select_n3A_165, %select_n3A_166 : vector<64x1xi32>
    %shift_right_arithmetic3A_168 = arith.constant 1 : i32
    %shift_right_arithmetic3A_169 = vector.broadcast %shift_right_arithmetic3A_168 : i32 to vector<64x1xi32>
    %shift_right_arithmetic3A_170 = arith.shrsi %sub3A_167, %shift_right_arithmetic3A_169 : vector<64x1xi32>
    %add3A_171 = arith.addi %select_n3A_166, %shift_right_arithmetic3A_170 : vector<64x1xi32>
    %le3A_172 = vector.broadcast %add3A_171 : vector<64x1xi32> to vector<64x4096xi32>
    %le3A_173 = arith.cmpi sle, %iota3A_76, %le3A_172 : vector<64x4096xi32>
    %and3A_174 = arith.andi %le3A_75, %le3A_173 : vector<64x4096xi1>
    %convert_element_type3A_175 = arith.extui %and3A_174 : vector<64x4096xi1> to vector<64x4096xi32>
    %reduce_sum3A_176 = arith.constant dense<0> : vector<64xi32>
    %reduce_sum3A_177 = vector.multi_reduction <add>, %convert_element_type3A_175, %reduce_sum3A_176 [1] : vector<64x4096xi32> to vector<64xi32>
    %broadcast_in_dim3A_178 = vector.shape_cast %reduce_sum3A_177 : vector<64xi32> to vector<64x1xi32>
    %ge3A_179 = arith.constant 64 : i32
    %ge3A_180 = vector.broadcast %ge3A_179 : i32 to vector<64x1xi32>
    %ge3A_181 = arith.cmpi sge, %broadcast_in_dim3A_178, %ge3A_180 : vector<64x1xi32>
    %select_n3A_182 = arith.select %ge3A_181, %add3A_171, %select_n3A_165 : vector<64x1xi1>, vector<64x1xi32>
    %select_n3A_183 = arith.select %ge3A_181, %select_n3A_166, %add3A_171 : vector<64x1xi1>, vector<64x1xi32>
    %sub3A_184 = arith.subi %select_n3A_182, %select_n3A_183 : vector<64x1xi32>
    %shift_right_arithmetic3A_185 = arith.constant 1 : i32
    %shift_right_arithmetic3A_186 = vector.broadcast %shift_right_arithmetic3A_185 : i32 to vector<64x1xi32>
    %shift_right_arithmetic3A_187 = arith.shrsi %sub3A_184, %shift_right_arithmetic3A_186 : vector<64x1xi32>
    %add3A_188 = arith.addi %select_n3A_183, %shift_right_arithmetic3A_187 : vector<64x1xi32>
    %le3A_189 = vector.broadcast %add3A_188 : vector<64x1xi32> to vector<64x4096xi32>
    %le3A_190 = arith.cmpi sle, %iota3A_76, %le3A_189 : vector<64x4096xi32>
    %and3A_191 = arith.andi %le3A_75, %le3A_190 : vector<64x4096xi1>
    %convert_element_type3A_192 = arith.extui %and3A_191 : vector<64x4096xi1> to vector<64x4096xi32>
    %reduce_sum3A_193 = arith.constant dense<0> : vector<64xi32>
    %reduce_sum3A_194 = vector.multi_reduction <add>, %convert_element_type3A_192, %reduce_sum3A_193 [1] : vector<64x4096xi32> to vector<64xi32>
    %broadcast_in_dim3A_195 = vector.shape_cast %reduce_sum3A_194 : vector<64xi32> to vector<64x1xi32>
    %ge3A_196 = arith.constant 64 : i32
    %ge3A_197 = vector.broadcast %ge3A_196 : i32 to vector<64x1xi32>
    %ge3A_198 = arith.cmpi sge, %broadcast_in_dim3A_195, %ge3A_197 : vector<64x1xi32>
    %select_n3A_199 = arith.select %ge3A_198, %add3A_188, %select_n3A_182 : vector<64x1xi1>, vector<64x1xi32>
    %select_n3A_200 = arith.select %ge3A_198, %select_n3A_183, %add3A_188 : vector<64x1xi1>, vector<64x1xi32>
    %sub3A_201 = arith.subi %select_n3A_199, %select_n3A_200 : vector<64x1xi32>
    %shift_right_arithmetic3A_202 = arith.constant 1 : i32
    %shift_right_arithmetic3A_203 = vector.broadcast %shift_right_arithmetic3A_202 : i32 to vector<64x1xi32>
    %shift_right_arithmetic3A_204 = arith.shrsi %sub3A_201, %shift_right_arithmetic3A_203 : vector<64x1xi32>
    %add3A_205 = arith.addi %select_n3A_200, %shift_right_arithmetic3A_204 : vector<64x1xi32>
    %le3A_206 = vector.broadcast %add3A_205 : vector<64x1xi32> to vector<64x4096xi32>
    %le3A_207 = arith.cmpi sle, %iota3A_76, %le3A_206 : vector<64x4096xi32>
    %and3A_208 = arith.andi %le3A_75, %le3A_207 : vector<64x4096xi1>
    %convert_element_type3A_209 = arith.extui %and3A_208 : vector<64x4096xi1> to vector<64x4096xi32>
    %reduce_sum3A_210 = arith.constant dense<0> : vector<64xi32>
    %reduce_sum3A_211 = vector.multi_reduction <add>, %convert_element_type3A_209, %reduce_sum3A_210 [1] : vector<64x4096xi32> to vector<64xi32>
    %broadcast_in_dim3A_212 = vector.shape_cast %reduce_sum3A_211 : vector<64xi32> to vector<64x1xi32>
    %ge3A_213 = arith.constant 64 : i32
    %ge3A_214 = vector.broadcast %ge3A_213 : i32 to vector<64x1xi32>
    %ge3A_215 = arith.cmpi sge, %broadcast_in_dim3A_212, %ge3A_214 : vector<64x1xi32>
    %select_n3A_216 = arith.select %ge3A_215, %add3A_205, %select_n3A_199 : vector<64x1xi1>, vector<64x1xi32>
    %select_n3A_217 = arith.select %ge3A_215, %select_n3A_200, %add3A_205 : vector<64x1xi1>, vector<64x1xi32>
    %sub3A_218 = arith.subi %select_n3A_216, %select_n3A_217 : vector<64x1xi32>
    %shift_right_arithmetic3A_219 = arith.constant 1 : i32
    %shift_right_arithmetic3A_220 = vector.broadcast %shift_right_arithmetic3A_219 : i32 to vector<64x1xi32>
    %shift_right_arithmetic3A_221 = arith.shrsi %sub3A_218, %shift_right_arithmetic3A_220 : vector<64x1xi32>
    %add3A_222 = arith.addi %select_n3A_217, %shift_right_arithmetic3A_221 : vector<64x1xi32>
    %le3A_223 = vector.broadcast %add3A_222 : vector<64x1xi32> to vector<64x4096xi32>
    %le3A_224 = arith.cmpi sle, %iota3A_76, %le3A_223 : vector<64x4096xi32>
    %and3A_225 = arith.andi %le3A_75, %le3A_224 : vector<64x4096xi1>
    %convert_element_type3A_226 = arith.extui %and3A_225 : vector<64x4096xi1> to vector<64x4096xi32>
    %reduce_sum3A_227 = arith.constant dense<0> : vector<64xi32>
    %reduce_sum3A_228 = vector.multi_reduction <add>, %convert_element_type3A_226, %reduce_sum3A_227 [1] : vector<64x4096xi32> to vector<64xi32>
    %broadcast_in_dim3A_229 = vector.shape_cast %reduce_sum3A_228 : vector<64xi32> to vector<64x1xi32>
    %ge3A_230 = arith.constant 64 : i32
    %ge3A_231 = vector.broadcast %ge3A_230 : i32 to vector<64x1xi32>
    %ge3A_232 = arith.cmpi sge, %broadcast_in_dim3A_229, %ge3A_231 : vector<64x1xi32>
    %select_n3A_233 = arith.select %ge3A_232, %add3A_222, %select_n3A_216 : vector<64x1xi1>, vector<64x1xi32>
    %select_n3A_234 = arith.select %ge3A_232, %select_n3A_217, %add3A_222 : vector<64x1xi1>, vector<64x1xi32>
    %sub3A_235 = arith.subi %select_n3A_233, %select_n3A_234 : vector<64x1xi32>
    %shift_right_arithmetic3A_236 = arith.constant 1 : i32
    %shift_right_arithmetic3A_237 = vector.broadcast %shift_right_arithmetic3A_236 : i32 to vector<64x1xi32>
    %shift_right_arithmetic3A_238 = arith.shrsi %sub3A_235, %shift_right_arithmetic3A_237 : vector<64x1xi32>
    %add3A_239 = arith.addi %select_n3A_234, %shift_right_arithmetic3A_238 : vector<64x1xi32>
    %le3A_240 = vector.broadcast %add3A_239 : vector<64x1xi32> to vector<64x4096xi32>
    %le3A_241 = arith.cmpi sle, %iota3A_76, %le3A_240 : vector<64x4096xi32>
    %and3A_242 = arith.andi %le3A_75, %le3A_241 : vector<64x4096xi1>
    %convert_element_type3A_243 = arith.extui %and3A_242 : vector<64x4096xi1> to vector<64x4096xi32>
    %reduce_sum3A_244 = arith.constant dense<0> : vector<64xi32>
    %reduce_sum3A_245 = vector.multi_reduction <add>, %convert_element_type3A_243, %reduce_sum3A_244 [1] : vector<64x4096xi32> to vector<64xi32>
    %broadcast_in_dim3A_246 = vector.shape_cast %reduce_sum3A_245 : vector<64xi32> to vector<64x1xi32>
    %ge3A_247 = arith.constant 64 : i32
    %ge3A_248 = vector.broadcast %ge3A_247 : i32 to vector<64x1xi32>
    %ge3A_249 = arith.cmpi sge, %broadcast_in_dim3A_246, %ge3A_248 : vector<64x1xi32>
    %select_n3A_250 = arith.select %ge3A_249, %add3A_239, %select_n3A_233 : vector<64x1xi1>, vector<64x1xi32>
    %select_n3A_251 = arith.select %ge3A_249, %select_n3A_234, %add3A_239 : vector<64x1xi1>, vector<64x1xi32>
    %sub3A_252 = arith.subi %select_n3A_250, %select_n3A_251 : vector<64x1xi32>
    %shift_right_arithmetic3A_253 = arith.constant 1 : i32
    %shift_right_arithmetic3A_254 = vector.broadcast %shift_right_arithmetic3A_253 : i32 to vector<64x1xi32>
    %shift_right_arithmetic3A_255 = arith.shrsi %sub3A_252, %shift_right_arithmetic3A_254 : vector<64x1xi32>
    %add3A_256 = arith.addi %select_n3A_251, %shift_right_arithmetic3A_255 : vector<64x1xi32>
    %le3A_257 = vector.broadcast %add3A_256 : vector<64x1xi32> to vector<64x4096xi32>
    %le3A_258 = arith.cmpi sle, %iota3A_76, %le3A_257 : vector<64x4096xi32>
    %and3A_259 = arith.andi %le3A_75, %le3A_258 : vector<64x4096xi1>
    %convert_element_type3A_260 = arith.extui %and3A_259 : vector<64x4096xi1> to vector<64x4096xi32>
    %reduce_sum3A_261 = arith.constant dense<0> : vector<64xi32>
    %reduce_sum3A_262 = vector.multi_reduction <add>, %convert_element_type3A_260, %reduce_sum3A_261 [1] : vector<64x4096xi32> to vector<64xi32>
    %broadcast_in_dim3A_263 = vector.shape_cast %reduce_sum3A_262 : vector<64xi32> to vector<64x1xi32>
    %ge3A_264 = arith.constant 64 : i32
    %ge3A_265 = vector.broadcast %ge3A_264 : i32 to vector<64x1xi32>
    %ge3A_266 = arith.cmpi sge, %broadcast_in_dim3A_263, %ge3A_265 : vector<64x1xi32>
    %select_n3A_267 = arith.select %ge3A_266, %add3A_256, %select_n3A_250 : vector<64x1xi1>, vector<64x1xi32>
    %select_n3A_268 = arith.select %ge3A_266, %select_n3A_251, %add3A_256 : vector<64x1xi1>, vector<64x1xi32>
    %sub3A_269 = arith.subi %select_n3A_267, %select_n3A_268 : vector<64x1xi32>
    %shift_right_arithmetic3A_270 = arith.constant 1 : i32
    %shift_right_arithmetic3A_271 = vector.broadcast %shift_right_arithmetic3A_270 : i32 to vector<64x1xi32>
    %shift_right_arithmetic3A_272 = arith.shrsi %sub3A_269, %shift_right_arithmetic3A_271 : vector<64x1xi32>
    %add3A_273 = arith.addi %select_n3A_268, %shift_right_arithmetic3A_272 : vector<64x1xi32>
    %le3A_274 = vector.broadcast %add3A_273 : vector<64x1xi32> to vector<64x4096xi32>
    %le3A_275 = arith.cmpi sle, %iota3A_76, %le3A_274 : vector<64x4096xi32>
    %and3A_276 = arith.andi %le3A_75, %le3A_275 : vector<64x4096xi1>
    %convert_element_type3A_277 = arith.extui %and3A_276 : vector<64x4096xi1> to vector<64x4096xi32>
    %reduce_sum3A_278 = arith.constant dense<0> : vector<64xi32>
    %reduce_sum3A_279 = vector.multi_reduction <add>, %convert_element_type3A_277, %reduce_sum3A_278 [1] : vector<64x4096xi32> to vector<64xi32>
    %broadcast_in_dim3A_280 = vector.shape_cast %reduce_sum3A_279 : vector<64xi32> to vector<64x1xi32>
    %ge3A_281 = arith.constant 64 : i32
    %ge3A_282 = vector.broadcast %ge3A_281 : i32 to vector<64x1xi32>
    %ge3A_283 = arith.cmpi sge, %broadcast_in_dim3A_280, %ge3A_282 : vector<64x1xi32>
    %select_n3A_284 = arith.select %ge3A_283, %add3A_273, %select_n3A_267 : vector<64x1xi1>, vector<64x1xi32>
    %ge3A_285 = arith.constant 64 : i32
    %ge3A_286 = vector.broadcast %ge3A_285 : i32 to vector<64x1xi32>
    %ge3A_287 = arith.cmpi sge, %broadcast_in_dim3A, %ge3A_286 : vector<64x1xi32>
    %jit3A_288 = arith.constant 4095 : i32
    %broadcast_in_dim3A_289 = vector.broadcast %jit3A_288 : i32 to vector<64x1xi32>
    %select_n3A_290 = arith.select %ge3A_287, %select_n3A_284, %broadcast_in_dim3A_289 : vector<64x1xi1>, vector<64x1xi32>
    %le3A_291 = vector.broadcast %select_n3A_290 : vector<64x1xi32> to vector<64x4096xi32>
    %le3A_292 = arith.cmpi sle, %iota3A_76, %le3A_291 : vector<64x4096xi32>
    %and3A_293 = arith.andi %le3A_75, %le3A_292 : vector<64x4096xi1>
    %min3A = arith.constant 64 : i32
    %min3A_294 = vector.broadcast %min3A : i32 to vector<64x1xi32>
    %min3A_295 = arith.minsi %broadcast_in_dim3A, %min3A_294 : vector<64x1xi32>
    %sub3A_296 = arith.constant 64 : i32
    %sub3A_297 = vector.broadcast %sub3A_296 : i32 to vector<64x1xi32>
    %sub3A_298 = arith.subi %sub3A_297, %min3A_295 : vector<64x1xi32>
    %convert_element_type3A_299 = arith.sitofp %sub3A_298 : vector<64x1xi32> to vector<64x1xf32>
    %convert_element_type3A_300 = arith.extui %and3A_293 : vector<64x4096xi1> to vector<64x4096xi32>
    %convert_element_type3A_301 = arith.sitofp %convert_element_type3A_300 : vector<64x4096xi32> to vector<64x4096xf32>
    %eq3A_302 = vector.broadcast %broadcast_in_dim3A_81 : vector<64x1xi32> to vector<64x4096xi32>
    %eq3A_303 = arith.cmpi eq, %iota3A_76, %eq3A_302 : vector<64x4096xi32>
    %convert_element_type3A_304 = arith.extui %eq3A_303 : vector<64x4096xi1> to vector<64x4096xi32>
    %convert_element_type3A_305 = arith.sitofp %convert_element_type3A_304 : vector<64x4096xi32> to vector<64x4096xf32>
    %mul3A_306 = vector.broadcast %convert_element_type3A_299 : vector<64x1xf32> to vector<64x4096xf32>
    %mul3A_307 = arith.mulf %mul3A_306, %convert_element_type3A_305 : vector<64x4096xf32>
    %add3A_308 = arith.addf %convert_element_type3A_301, %mul3A_307 : vector<64x4096xf32>
    %get3A_309 = arith.constant 0 : index
    %get3A_310 = arith.constant 0 : index
    %get3A_311 = arith.constant 0 : index
    %get3A_312 = vector.load %arg4[%get3A_309, %get3A_310, %get3A_311] : memref<1x3x64xf32, #tpu.memory_space<vmem>>, vector<1x1x64xf32>
    %get3A_313 = vector.shape_cast %get3A_312 : vector<1x1x64xf32> to vector<1x64xf32>
    %dot_general3A_314 = arith.constant dense<0.000000e+00> : vector<64x1xf32>
    %dot_general3A_315 = tpu.matmul %convert_element_type3A_1, %get3A_313, %dot_general3A_314 {dimension_numbers = #tpu.dot_dimension_numbers<[1], [1], [0], [0], [0, 0, 1, 0], [], []>, precision = #tpu.contract_precision<fp32>, transpose_lhs_hint = false} : vector<64x64xf32>, vector<1x64xf32>, vector<64x1xf32> -> vector<64x1xf32>
    %get3A_316 = arith.constant 0 : index
    %get3A_317 = arith.constant 1 : index
    %get3A_318 = arith.constant 0 : index
    %get3A_319 = vector.load %arg4[%get3A_316, %get3A_317, %get3A_318] : memref<1x3x64xf32, #tpu.memory_space<vmem>>, vector<1x1x64xf32>
    %get3A_320 = vector.shape_cast %get3A_319 : vector<1x1x64xf32> to vector<1x64xf32>
    %dot_general3A_321 = arith.constant dense<0.000000e+00> : vector<64x1xf32>
    %dot_general3A_322 = tpu.matmul %convert_element_type3A_1, %get3A_320, %dot_general3A_321 {dimension_numbers = #tpu.dot_dimension_numbers<[1], [1], [0], [0], [0, 0, 1, 0], [], []>, precision = #tpu.contract_precision<fp32>, transpose_lhs_hint = false} : vector<64x64xf32>, vector<1x64xf32>, vector<64x1xf32> -> vector<64x1xf32>
    %get3A_323 = arith.constant 0 : index
    %get3A_324 = arith.constant 2 : index
    %get3A_325 = arith.constant 0 : index
    %get3A_326 = vector.load %arg4[%get3A_323, %get3A_324, %get3A_325] : memref<1x3x64xf32, #tpu.memory_space<vmem>>, vector<1x1x64xf32>
    %get3A_327 = vector.shape_cast %get3A_326 : vector<1x1x64xf32> to vector<1x64xf32>
    %dot_general3A_328 = arith.constant dense<0.000000e+00> : vector<64x1xf32>
    %dot_general3A_329 = tpu.matmul %convert_element_type3A_1, %get3A_327, %dot_general3A_328 {dimension_numbers = #tpu.dot_dimension_numbers<[1], [1], [0], [0], [0, 0, 1, 0], [], []>, precision = #tpu.contract_precision<fp32>, transpose_lhs_hint = false} : vector<64x64xf32>, vector<1x64xf32>, vector<64x1xf32> -> vector<64x1xf32>
    %get3A_330 = arith.constant 0 : index
    %get3A_331 = arith.constant 0 : index
    %get3A_332 = arith.constant 0 : index
    %get3A_333 = vector.load %arg2[%get3A_330, %get3A_331, %get3A_332] : memref<1x3x4096xf32, #tpu.memory_space<vmem>>, vector<1x1x4096xf32>
    %get3A_334 = vector.shape_cast %get3A_333 : vector<1x1x4096xf32> to vector<1x4096xf32>
    %get3A_335 = arith.constant 0 : index
    %get3A_336 = arith.constant 1 : index
    %get3A_337 = arith.constant 0 : index
    %get3A_338 = vector.load %arg2[%get3A_335, %get3A_336, %get3A_337] : memref<1x3x4096xf32, #tpu.memory_space<vmem>>, vector<1x1x4096xf32>
    %get3A_339 = vector.shape_cast %get3A_338 : vector<1x1x4096xf32> to vector<1x4096xf32>
    %get3A_340 = arith.constant 0 : index
    %get3A_341 = arith.constant 2 : index
    %get3A_342 = arith.constant 0 : index
    %get3A_343 = vector.load %arg2[%get3A_340, %get3A_341, %get3A_342] : memref<1x3x4096xf32, #tpu.memory_space<vmem>>, vector<1x1x4096xf32>
    %get3A_344 = vector.shape_cast %get3A_343 : vector<1x1x4096xf32> to vector<1x4096xf32>
    %sub3A_345 = vector.broadcast %get3A_334 : vector<1x4096xf32> to vector<64x4096xf32>
    %sub3A_346 = vector.broadcast %dot_general3A_315 : vector<64x1xf32> to vector<64x4096xf32>
    %sub3A_347 = arith.subf %sub3A_345, %sub3A_346 : vector<64x4096xf32>
    %tanh3A = math.tanh %sub3A_347 : vector<64x4096xf32>
    %sub3A_348 = vector.broadcast %get3A_5 : vector<1x4096xf32> to vector<64x4096xf32>
    %sub3A_349 = vector.broadcast %dot_general3A_21 : vector<64x1xf32> to vector<64x4096xf32>
    %sub3A_350 = arith.subf %sub3A_348, %sub3A_349 : vector<64x4096xf32>
    %mul3A_351 = arith.mulf %tanh3A, %sub3A_350 : vector<64x4096xf32>
    %mul3A_352 = arith.mulf %add3A_308, %mul3A_351 : vector<64x4096xf32>
    %reduce_sum3A_353 = arith.constant dense<0.000000e+00> : vector<64xf32>
    %reduce_sum3A_354 = vector.multi_reduction <add>, %mul3A_352, %reduce_sum3A_353 [1] : vector<64x4096xf32> to vector<64xf32>
    %broadcast_in_dim3A_355 = vector.shape_cast %reduce_sum3A_354 : vector<64xf32> to vector<64x1xf32>
    %mul3A_356 = arith.constant 1.562500e-02 : f32
    %mul3A_357 = vector.broadcast %mul3A_356 : f32 to vector<64x1xf32>
    %mul3A_358 = arith.mulf %broadcast_in_dim3A_355, %mul3A_357 : vector<64x1xf32>
    %sub3A_359 = vector.broadcast %get3A_339 : vector<1x4096xf32> to vector<64x4096xf32>
    %sub3A_360 = vector.broadcast %dot_general3A_322 : vector<64x1xf32> to vector<64x4096xf32>
    %sub3A_361 = arith.subf %sub3A_359, %sub3A_360 : vector<64x4096xf32>
    %tanh3A_362 = math.tanh %sub3A_361 : vector<64x4096xf32>
    %sub3A_363 = vector.broadcast %get3A_10 : vector<1x4096xf32> to vector<64x4096xf32>
    %sub3A_364 = vector.broadcast %dot_general3A_28 : vector<64x1xf32> to vector<64x4096xf32>
    %sub3A_365 = arith.subf %sub3A_363, %sub3A_364 : vector<64x4096xf32>
    %mul3A_366 = arith.mulf %tanh3A_362, %sub3A_365 : vector<64x4096xf32>
    %mul3A_367 = arith.mulf %add3A_308, %mul3A_366 : vector<64x4096xf32>
    %reduce_sum3A_368 = arith.constant dense<0.000000e+00> : vector<64xf32>
    %reduce_sum3A_369 = vector.multi_reduction <add>, %mul3A_367, %reduce_sum3A_368 [1] : vector<64x4096xf32> to vector<64xf32>
    %broadcast_in_dim3A_370 = vector.shape_cast %reduce_sum3A_369 : vector<64xf32> to vector<64x1xf32>
    %mul3A_371 = arith.constant 1.562500e-02 : f32
    %mul3A_372 = vector.broadcast %mul3A_371 : f32 to vector<64x1xf32>
    %mul3A_373 = arith.mulf %broadcast_in_dim3A_370, %mul3A_372 : vector<64x1xf32>
    %sub3A_374 = vector.broadcast %get3A_344 : vector<1x4096xf32> to vector<64x4096xf32>
    %sub3A_375 = vector.broadcast %dot_general3A_329 : vector<64x1xf32> to vector<64x4096xf32>
    %sub3A_376 = arith.subf %sub3A_374, %sub3A_375 : vector<64x4096xf32>
    %tanh3A_377 = math.tanh %sub3A_376 : vector<64x4096xf32>
    %sub3A_378 = vector.broadcast %get3A_15 : vector<1x4096xf32> to vector<64x4096xf32>
    %sub3A_379 = vector.broadcast %dot_general3A_35 : vector<64x1xf32> to vector<64x4096xf32>
    %sub3A_380 = arith.subf %sub3A_378, %sub3A_379 : vector<64x4096xf32>
    %mul3A_381 = arith.mulf %tanh3A_377, %sub3A_380 : vector<64x4096xf32>
    %mul3A_382 = arith.mulf %add3A_308, %mul3A_381 : vector<64x4096xf32>
    %reduce_sum3A_383 = arith.constant dense<0.000000e+00> : vector<64xf32>
    %reduce_sum3A_384 = vector.multi_reduction <add>, %mul3A_382, %reduce_sum3A_383 [1] : vector<64x4096xf32> to vector<64xf32>
    %broadcast_in_dim3A_385 = vector.shape_cast %reduce_sum3A_384 : vector<64xf32> to vector<64x1xf32>
    %mul3A_386 = arith.constant 1.562500e-02 : f32
    %mul3A_387 = vector.broadcast %mul3A_386 : f32 to vector<64x1xf32>
    %mul3A_388 = arith.mulf %broadcast_in_dim3A_385, %mul3A_387 : vector<64x1xf32>
    %dot_general3A_389 = arith.constant dense<0.000000e+00> : vector<1x64xf32>
    %dot_general3A_390 = tpu.matmul %mul3A_358, %convert_element_type3A_1, %dot_general3A_389 {dimension_numbers = #tpu.dot_dimension_numbers<[0], [0], [1], [1], [0, 1, 1, 1], [], []>, precision = #tpu.contract_precision<fp32>, transpose_lhs_hint = false} : vector<64x1xf32>, vector<64x64xf32>, vector<1x64xf32> -> vector<1x64xf32>
    %swap3A = arith.constant 0 : index
    %swap3A_391 = arith.constant 0 : index
    %swap3A_392 = arith.constant 0 : index
    %swap3A_393 = vector.load %arg6[%swap3A, %swap3A_391, %swap3A_392] : memref<1x3x64xf32, #tpu.memory_space<vmem>>, vector<1x1x64xf32>
    %swap3A_394 = vector.shape_cast %swap3A_393 : vector<1x1x64xf32> to vector<1x64xf32>
    %swap3A_395 = vector.shape_cast %dot_general3A_390 : vector<1x64xf32> to vector<1x1x64xf32>
    tpu.vector_store %arg6[%swap3A, %swap3A_391, %swap3A_392], %swap3A_395 {strides = array<i32>} : memref<1x3x64xf32, #tpu.memory_space<vmem>>, vector<1x1x64xf32>,
    %dot_general3A_396 = arith.constant dense<0.000000e+00> : vector<1x64xf32>
    %dot_general3A_397 = tpu.matmul %mul3A_373, %convert_element_type3A_1, %dot_general3A_396 {dimension_numbers = #tpu.dot_dimension_numbers<[0], [0], [1], [1], [0, 1, 1, 1], [], []>, precision = #tpu.contract_precision<fp32>, transpose_lhs_hint = false} : vector<64x1xf32>, vector<64x64xf32>, vector<1x64xf32> -> vector<1x64xf32>
    %swap3A_398 = arith.constant 0 : index
    %swap3A_399 = arith.constant 1 : index
    %swap3A_400 = arith.constant 0 : index
    %swap3A_401 = vector.load %arg6[%swap3A_398, %swap3A_399, %swap3A_400] : memref<1x3x64xf32, #tpu.memory_space<vmem>>, vector<1x1x64xf32>
    %swap3A_402 = vector.shape_cast %swap3A_401 : vector<1x1x64xf32> to vector<1x64xf32>
    %swap3A_403 = vector.shape_cast %dot_general3A_397 : vector<1x64xf32> to vector<1x1x64xf32>
    tpu.vector_store %arg6[%swap3A_398, %swap3A_399, %swap3A_400], %swap3A_403 {strides = array<i32>} : memref<1x3x64xf32, #tpu.memory_space<vmem>>, vector<1x1x64xf32>,
    %dot_general3A_404 = arith.constant dense<0.000000e+00> : vector<1x64xf32>
    %dot_general3A_405 = tpu.matmul %mul3A_388, %convert_element_type3A_1, %dot_general3A_404 {dimension_numbers = #tpu.dot_dimension_numbers<[0], [0], [1], [1], [0, 1, 1, 1], [], []>, precision = #tpu.contract_precision<fp32>, transpose_lhs_hint = false} : vector<64x1xf32>, vector<64x64xf32>, vector<1x64xf32> -> vector<1x64xf32>
    %swap3A_406 = arith.constant 0 : index
    %swap3A_407 = arith.constant 2 : index
    %swap3A_408 = arith.constant 0 : index
    %swap3A_409 = vector.load %arg6[%swap3A_406, %swap3A_407, %swap3A_408] : memref<1x3x64xf32, #tpu.memory_space<vmem>>, vector<1x1x64xf32>
    %swap3A_410 = vector.shape_cast %swap3A_409 : vector<1x1x64xf32> to vector<1x64xf32>
    %swap3A_411 = vector.shape_cast %dot_general3A_405 : vector<1x64xf32> to vector<1x1x64xf32>
    tpu.vector_store %arg6[%swap3A_406, %swap3A_407, %swap3A_408], %swap3A_411 {strides = array<i32>} : memref<1x3x64xf32, #tpu.memory_space<vmem>>, vector<1x1x64xf32>,
    %add3A_412 = arith.addf %dot_general3A_21, %mul3A_358 : vector<64x1xf32>
    %dot_general3A_413 = arith.constant dense<0.000000e+00> : vector<1x64xf32>
    %dot_general3A_414 = tpu.matmul %add3A_412, %convert_element_type3A_1, %dot_general3A_413 {dimension_numbers = #tpu.dot_dimension_numbers<[0], [0], [1], [1], [0, 1, 1, 1], [], []>, precision = #tpu.contract_precision<fp32>, transpose_lhs_hint = false} : vector<64x1xf32>, vector<64x64xf32>, vector<1x64xf32> -> vector<1x64xf32>
    %swap3A_415 = arith.constant 0 : index
    %swap3A_416 = arith.constant 0 : index
    %swap3A_417 = arith.constant 0 : index
    %swap3A_418 = vector.load %arg5[%swap3A_415, %swap3A_416, %swap3A_417] : memref<1x3x64xf32, #tpu.memory_space<vmem>>, vector<1x1x64xf32>
    %swap3A_419 = vector.shape_cast %swap3A_418 : vector<1x1x64xf32> to vector<1x64xf32>
    %swap3A_420 = vector.shape_cast %dot_general3A_414 : vector<1x64xf32> to vector<1x1x64xf32>
    tpu.vector_store %arg5[%swap3A_415, %swap3A_416, %swap3A_417], %swap3A_420 {strides = array<i32>} : memref<1x3x64xf32, #tpu.memory_space<vmem>>, vector<1x1x64xf32>,
    %add3A_421 = arith.addf %dot_general3A_28, %mul3A_373 : vector<64x1xf32>
    %dot_general3A_422 = arith.constant dense<0.000000e+00> : vector<1x64xf32>
    %dot_general3A_423 = tpu.matmul %add3A_421, %convert_element_type3A_1, %dot_general3A_422 {dimension_numbers = #tpu.dot_dimension_numbers<[0], [0], [1], [1], [0, 1, 1, 1], [], []>, precision = #tpu.contract_precision<fp32>, transpose_lhs_hint = false} : vector<64x1xf32>, vector<64x64xf32>, vector<1x64xf32> -> vector<1x64xf32>
    %swap3A_424 = arith.constant 0 : index
    %swap3A_425 = arith.constant 1 : index
    %swap3A_426 = arith.constant 0 : index
    %swap3A_427 = vector.load %arg5[%swap3A_424, %swap3A_425, %swap3A_426] : memref<1x3x64xf32, #tpu.memory_space<vmem>>, vector<1x1x64xf32>
    %swap3A_428 = vector.shape_cast %swap3A_427 : vector<1x1x64xf32> to vector<1x64xf32>
    %swap3A_429 = vector.shape_cast %dot_general3A_423 : vector<1x64xf32> to vector<1x1x64xf32>
    tpu.vector_store %arg5[%swap3A_424, %swap3A_425, %swap3A_426], %swap3A_429 {strides = array<i32>} : memref<1x3x64xf32, #tpu.memory_space<vmem>>, vector<1x1x64xf32>,
    %add3A_430 = arith.addf %dot_general3A_35, %mul3A_388 : vector<64x1xf32>
    %dot_general3A_431 = arith.constant dense<0.000000e+00> : vector<1x64xf32>
    %dot_general3A_432 = tpu.matmul %add3A_430, %convert_element_type3A_1, %dot_general3A_431 {dimension_numbers = #tpu.dot_dimension_numbers<[0], [0], [1], [1], [0, 1, 1, 1], [], []>, precision = #tpu.contract_precision<fp32>, transpose_lhs_hint = false} : vector<64x1xf32>, vector<64x64xf32>, vector<1x64xf32> -> vector<1x64xf32>
    %swap3A_433 = arith.constant 0 : index
    %swap3A_434 = arith.constant 2 : index
    %swap3A_435 = arith.constant 0 : index
    %swap3A_436 = vector.load %arg5[%swap3A_433, %swap3A_434, %swap3A_435] : memref<1x3x64xf32, #tpu.memory_space<vmem>>, vector<1x1x64xf32>
    %swap3A_437 = vector.shape_cast %swap3A_436 : vector<1x1x64xf32> to vector<1x64xf32>
    %swap3A_438 = vector.shape_cast %dot_general3A_432 : vector<1x64xf32> to vector<1x1x64xf32>
    tpu.vector_store %arg5[%swap3A_433, %swap3A_434, %swap3A_435], %swap3A_438 {strides = array<i32>} : memref<1x3x64xf32, #tpu.memory_space<vmem>>, vector<1x1x64xf32>,
    return
  }
  func.func @transform_0(%arg0: i32) -> (i32, i32, i32) {
    %c0_i32 = arith.constant 0 : i32
    %c0_i32_0 = arith.constant 0 : i32
    %c0_i32_1 = arith.constant 0 : i32
    return %arg0, %c0_i32, %c0_i32_0 : i32, i32, i32
  }
  func.func @transform_1(%arg0: i32) -> (i32, i32, i32) {
    %c0_i32 = arith.constant 0 : i32
    %c0_i32_0 = arith.constant 0 : i32
    %c0_i32_1 = arith.constant 0 : i32
    return %arg0, %c0_i32, %c0_i32_0 : i32, i32, i32
  }
  func.func @transform_2(%arg0: i32) -> (i32, i32, i32) {
    %c0_i32 = arith.constant 0 : i32
    %c0_i32_0 = arith.constant 0 : i32
    %c0_i32_1 = arith.constant 0 : i32
    return %arg0, %c0_i32, %c0_i32_0 : i32, i32, i32
  }
  func.func @transform_3(%arg0: i32) -> (i32, i32, i32) {
    %c0_i32 = arith.constant 0 : i32
    %c0_i32_0 = arith.constant 0 : i32
    %c0_i32_1 = arith.constant 0 : i32
    return %arg0, %c0_i32, %c0_i32_0 : i32, i32, i32
  }
  func.func @transform_4(%arg0: i32) -> (i32, i32, i32) {
    %c0_i32 = arith.constant 0 : i32
    %c0_i32_0 = arith.constant 0 : i32
    %c0_i32_1 = arith.constant 0 : i32
    return %arg0, %c0_i32, %c0_i32_0 : i32, i32, i32
  }
  func.func @transform_5(%arg0: i32) -> (i32, i32, i32) {
    %c0_i32 = arith.constant 0 : i32
    %c0_i32_0 = arith.constant 0 : i32
    %c0_i32_1 = arith.constant 0 : i32
    return %arg0, %c0_i32, %c0_i32_0 : i32, i32, i32
  }
}

module attributes {stable_mosaic.version = 14 : i64} {
  func.func @_k2_body(%arg0: i32, %arg1: memref<1x3x4096xf32, #tpu.memory_space<vmem>>, %arg2: memref<1x64x4096xf32, #tpu.memory_space<vmem>>, %arg3: memref<1x3x64xf32, #tpu.memory_space<vmem>>, %arg4: memref<64x64xf32, #tpu.memory_space<vmem>>, %arg5: memref<64x1xf32, #tpu.memory_space<vmem>>, %arg6: memref<64x1xf32, #tpu.memory_space<vmem>>, %arg7: memref<64x1xf32, #tpu.memory_space<vmem>>, %arg8: memref<64x1xf32, #tpu.memory_space<vmem>>, %arg9: memref<64x64xf32, #tpu.memory_space<vmem>>, %arg10: memref<1x64x4096xf32, #tpu.memory_space<vmem>>, %arg11: memref<1x64x64xf32, #tpu.memory_space<vmem>>) attributes {dimension_semantics = [#tpu.dimension_semantics<parallel>], iteration_bounds = array<i64: 16>, scalar_prefetch = 0 : i64, scratch_operands = 0 : i64, tpu.core_type = #tpu.core_type<tc>, window_params = [{transform_indices = @transform_0, window_bounds = array<i64: 1, 3, 4096>}, {transform_indices = @transform_1, window_bounds = array<i64: 1, 64, 4096>}, {transform_indices = @transform_2, window_bounds = array<i64: 1, 3, 64>}, {pipeline_mode = #tpu.pipeline_mode<synchronous>, transform_indices = @transform_3, window_bounds = array<i64: 64, 64>}, {pipeline_mode = #tpu.pipeline_mode<synchronous>, transform_indices = @transform_4, window_bounds = array<i64: 64, 1>}, {pipeline_mode = #tpu.pipeline_mode<synchronous>, transform_indices = @transform_5, window_bounds = array<i64: 64, 1>}, {pipeline_mode = #tpu.pipeline_mode<synchronous>, transform_indices = @transform_6, window_bounds = array<i64: 64, 1>}, {pipeline_mode = #tpu.pipeline_mode<synchronous>, transform_indices = @transform_7, window_bounds = array<i64: 64, 1>}, {pipeline_mode = #tpu.pipeline_mode<synchronous>, transform_indices = @transform_8, window_bounds = array<i64: 64, 64>}, {transform_indices = @transform_9, window_bounds = array<i64: 1, 64, 4096>}, {transform_indices = @transform_10, window_bounds = array<i64: 1, 64, 64>}]} {
    %iota3A = tpu.iota {dimensions = array<i32: 0>} : vector<64x64xi32>
    %iota3A_0 = tpu.iota {dimensions = array<i32: 1>} : vector<64x64xi32>
    %eq3A = arith.cmpi eq, %iota3A, %iota3A_0 : vector<64x64xi32>
    %convert_element_type3A = arith.extui %eq3A : vector<64x64xi1> to vector<64x64xi32>
    %convert_element_type3A_1 = arith.sitofp %convert_element_type3A : vector<64x64xi32> to vector<64x64xf32>
    %get3A = arith.constant 0 : index
    %get3A_2 = arith.constant 0 : index
    %get3A_3 = vector.load %arg4[%get3A, %get3A_2] : memref<64x64xf32, #tpu.memory_space<vmem>>, vector<64x64xf32>
    %get3A_4 = arith.constant 0 : index
    %get3A_5 = arith.constant 0 : index
    %get3A_6 = vector.load %arg8[%get3A_4, %get3A_5] : memref<64x1xf32, #tpu.memory_space<vmem>>, vector<64x1xf32>
    %dot_general3A = arith.constant dense<0.000000e+00> : vector<64x1xf32>
    %dot_general3A_7 = tpu.matmul %get3A_3, %get3A_6, %dot_general3A {dimension_numbers = #tpu.dot_dimension_numbers<[1], [0], [0], [1], [0, 0, 1, 1], [], []>, precision = #tpu.contract_precision<fp32>, transpose_lhs_hint = false} : vector<64x64xf32>, vector<64x1xf32>, vector<64x1xf32> -> vector<64x1xf32>
    %get3A_8 = arith.constant 0 : index
    %get3A_9 = arith.constant 0 : index
    %get3A_10 = vector.load %arg9[%get3A_8, %get3A_9] : memref<64x64xf32, #tpu.memory_space<vmem>>, vector<64x64xf32>
    %dot_general3A_11 = arith.constant dense<0.000000e+00> : vector<64x64xf32>
    %dot_general3A_12 = tpu.matmul %get3A_3, %get3A_10, %dot_general3A_11 {dimension_numbers = #tpu.dot_dimension_numbers<[1], [0], [0], [1], [0, 0, 1, 1], [], []>, precision = #tpu.contract_precision<fp32>, transpose_lhs_hint = false} : vector<64x64xf32>, vector<64x64xf32>, vector<64x64xf32> -> vector<64x64xf32>
    %mul3A = arith.mulf %dot_general3A_12, %get3A_3 : vector<64x64xf32>
    %reduce_sum3A = arith.constant dense<0.000000e+00> : vector<64xf32>
    %reduce_sum3A_13 = vector.multi_reduction <add>, %mul3A, %reduce_sum3A [1] : vector<64x64xf32> to vector<64xf32>
    %broadcast_in_dim3A = vector.shape_cast %reduce_sum3A_13 : vector<64xf32> to vector<64x1xf32>
    %div3A = arith.constant 6.553600e+04 : f32
    %div3A_14 = vector.broadcast %div3A : f32 to vector<64x1xf32>
    %div3A_15 = arith.divf %dot_general3A_7, %div3A_14 : vector<64x1xf32>
    %div3A_16 = arith.constant 6.553600e+04 : f32
    %div3A_17 = vector.broadcast %div3A_16 : f32 to vector<64x1xf32>
    %div3A_18 = arith.divf %broadcast_in_dim3A, %div3A_17 : vector<64x1xf32>
    %mul3A_19 = arith.mulf %div3A_15, %div3A_15 : vector<64x1xf32>
    %sub3A = arith.subf %div3A_18, %mul3A_19 : vector<64x1xf32>
    %get3A_20 = arith.constant 0 : index
    %get3A_21 = arith.constant 0 : index
    %get3A_22 = vector.load %arg6[%get3A_20, %get3A_21] : memref<64x1xf32, #tpu.memory_space<vmem>>, vector<64x1xf32>
    %add3A = arith.constant 9.99999974E-6 : f32
    %add3A_23 = vector.broadcast %add3A : f32 to vector<64x1xf32>
    %add3A_24 = arith.addf %sub3A, %add3A_23 : vector<64x1xf32>
    %sqrt3A = math.sqrt %add3A_24 : vector<64x1xf32>
    %div3A_25 = arith.divf %get3A_22, %sqrt3A : vector<64x1xf32>
    %mul3A_26 = vector.broadcast %div3A_25 : vector<64x1xf32> to vector<64x64xf32>
    %mul3A_27 = arith.mulf %mul3A_26, %get3A_3 : vector<64x64xf32>
    %get3A_28 = arith.constant 0 : index
    %get3A_29 = arith.constant 0 : index
    %get3A_30 = vector.load %arg7[%get3A_28, %get3A_29] : memref<64x1xf32, #tpu.memory_space<vmem>>, vector<64x1xf32>
    %mul3A_31 = arith.mulf %div3A_25, %div3A_15 : vector<64x1xf32>
    %sub3A_32 = arith.subf %get3A_30, %mul3A_31 : vector<64x1xf32>
    %get3A_33 = arith.constant 0 : index
    %get3A_34 = arith.constant 0 : index
    %get3A_35 = arith.constant 0 : index
    %get3A_36 = vector.load %arg2[%get3A_33, %get3A_34, %get3A_35] : memref<1x64x4096xf32, #tpu.memory_space<vmem>>, vector<1x64x4096xf32>
    %get3A_37 = vector.shape_cast %get3A_36 : vector<1x64x4096xf32> to vector<64x4096xf32>
    %dot_general3A_38 = arith.constant dense<0.000000e+00> : vector<64x4096xf32>
    %dot_general3A_39 = tpu.matmul %mul3A_27, %get3A_37, %dot_general3A_38 {dimension_numbers = #tpu.dot_dimension_numbers<[1], [0], [0], [1], [0, 0, 1, 1], [], []>, precision = #tpu.contract_precision<fp32>, transpose_lhs_hint = false} : vector<64x64xf32>, vector<64x4096xf32>, vector<64x4096xf32> -> vector<64x4096xf32>
    %add3A_40 = vector.broadcast %sub3A_32 : vector<64x1xf32> to vector<64x4096xf32>
    %add3A_41 = arith.addf %dot_general3A_39, %add3A_40 : vector<64x4096xf32>
    %max3A = arith.constant 0.000000e+00 : f32
    %max3A_42 = vector.broadcast %max3A : f32 to vector<64x4096xf32>
    %max3A_43 = arith.maximumf %add3A_41, %max3A_42 : vector<64x4096xf32>
    %get3A_44 = arith.constant 0 : index
    %get3A_45 = arith.constant 0 : index
    %get3A_46 = arith.constant 0 : index
    %get3A_47 = vector.load %arg1[%get3A_44, %get3A_45, %get3A_46] : memref<1x3x4096xf32, #tpu.memory_space<vmem>>, vector<1x1x4096xf32>
    %get3A_48 = vector.shape_cast %get3A_47 : vector<1x1x4096xf32> to vector<1x4096xf32>
    %get3A_49 = arith.constant 0 : index
    %get3A_50 = arith.constant 1 : index
    %get3A_51 = arith.constant 0 : index
    %get3A_52 = vector.load %arg1[%get3A_49, %get3A_50, %get3A_51] : memref<1x3x4096xf32, #tpu.memory_space<vmem>>, vector<1x1x4096xf32>
    %get3A_53 = vector.shape_cast %get3A_52 : vector<1x1x4096xf32> to vector<1x4096xf32>
    %get3A_54 = arith.constant 0 : index
    %get3A_55 = arith.constant 2 : index
    %get3A_56 = arith.constant 0 : index
    %get3A_57 = vector.load %arg1[%get3A_54, %get3A_55, %get3A_56] : memref<1x3x4096xf32, #tpu.memory_space<vmem>>, vector<1x1x4096xf32>
    %get3A_58 = vector.shape_cast %get3A_57 : vector<1x1x4096xf32> to vector<1x4096xf32>
    %get3A_59 = arith.constant 0 : index
    %get3A_60 = arith.constant 0 : index
    %get3A_61 = arith.constant 0 : index
    %get3A_62 = vector.load %arg3[%get3A_59, %get3A_60, %get3A_61] : memref<1x3x64xf32, #tpu.memory_space<vmem>>, vector<1x1x64xf32>
    %get3A_63 = vector.shape_cast %get3A_62 : vector<1x1x64xf32> to vector<1x64xf32>
    %dot_general3A_64 = arith.constant dense<0.000000e+00> : vector<64x1xf32>
    %dot_general3A_65 = tpu.matmul %convert_element_type3A_1, %get3A_63, %dot_general3A_64 {dimension_numbers = #tpu.dot_dimension_numbers<[1], [1], [0], [0], [0, 0, 1, 0], [], []>, precision = #tpu.contract_precision<fp32>, transpose_lhs_hint = false} : vector<64x64xf32>, vector<1x64xf32>, vector<64x1xf32> -> vector<64x1xf32>
    %get3A_66 = arith.constant 0 : index
    %get3A_67 = arith.constant 1 : index
    %get3A_68 = arith.constant 0 : index
    %get3A_69 = vector.load %arg3[%get3A_66, %get3A_67, %get3A_68] : memref<1x3x64xf32, #tpu.memory_space<vmem>>, vector<1x1x64xf32>
    %get3A_70 = vector.shape_cast %get3A_69 : vector<1x1x64xf32> to vector<1x64xf32>
    %dot_general3A_71 = arith.constant dense<0.000000e+00> : vector<64x1xf32>
    %dot_general3A_72 = tpu.matmul %convert_element_type3A_1, %get3A_70, %dot_general3A_71 {dimension_numbers = #tpu.dot_dimension_numbers<[1], [1], [0], [0], [0, 0, 1, 0], [], []>, precision = #tpu.contract_precision<fp32>, transpose_lhs_hint = false} : vector<64x64xf32>, vector<1x64xf32>, vector<64x1xf32> -> vector<64x1xf32>
    %get3A_73 = arith.constant 0 : index
    %get3A_74 = arith.constant 2 : index
    %get3A_75 = arith.constant 0 : index
    %get3A_76 = vector.load %arg3[%get3A_73, %get3A_74, %get3A_75] : memref<1x3x64xf32, #tpu.memory_space<vmem>>, vector<1x1x64xf32>
    %get3A_77 = vector.shape_cast %get3A_76 : vector<1x1x64xf32> to vector<1x64xf32>
    %dot_general3A_78 = arith.constant dense<0.000000e+00> : vector<64x1xf32>
    %dot_general3A_79 = tpu.matmul %convert_element_type3A_1, %get3A_77, %dot_general3A_78 {dimension_numbers = #tpu.dot_dimension_numbers<[1], [1], [0], [0], [0, 0, 1, 0], [], []>, precision = #tpu.contract_precision<fp32>, transpose_lhs_hint = false} : vector<64x64xf32>, vector<1x64xf32>, vector<64x1xf32> -> vector<64x1xf32>
    %convert_element_type3A_80 = arith.truncf %dot_general3A_65 : vector<64x1xf32> to vector<64x1xbf16>
    %convert_element_type3A_81 = arith.extf %convert_element_type3A_80 : vector<64x1xbf16> to vector<64x1xf32>
    %convert_element_type3A_82 = arith.truncf %get3A_48 : vector<1x4096xf32> to vector<1x4096xbf16>
    %convert_element_type3A_83 = arith.extf %convert_element_type3A_82 : vector<1x4096xbf16> to vector<1x4096xf32>
    %mul3A_84 = vector.broadcast %convert_element_type3A_81 : vector<64x1xf32> to vector<64x4096xf32>
    %mul3A_85 = vector.broadcast %convert_element_type3A_83 : vector<1x4096xf32> to vector<64x4096xf32>
    %mul3A_86 = arith.mulf %mul3A_84, %mul3A_85 : vector<64x4096xf32>
    %convert_element_type3A_87 = arith.truncf %dot_general3A_72 : vector<64x1xf32> to vector<64x1xbf16>
    %convert_element_type3A_88 = arith.extf %convert_element_type3A_87 : vector<64x1xbf16> to vector<64x1xf32>
    %convert_element_type3A_89 = arith.truncf %get3A_53 : vector<1x4096xf32> to vector<1x4096xbf16>
    %convert_element_type3A_90 = arith.extf %convert_element_type3A_89 : vector<1x4096xbf16> to vector<1x4096xf32>
    %mul3A_91 = vector.broadcast %convert_element_type3A_88 : vector<64x1xf32> to vector<64x4096xf32>
    %mul3A_92 = vector.broadcast %convert_element_type3A_90 : vector<1x4096xf32> to vector<64x4096xf32>
    %mul3A_93 = arith.mulf %mul3A_91, %mul3A_92 : vector<64x4096xf32>
    %convert_element_type3A_94 = arith.truncf %dot_general3A_79 : vector<64x1xf32> to vector<64x1xbf16>
    %convert_element_type3A_95 = arith.extf %convert_element_type3A_94 : vector<64x1xbf16> to vector<64x1xf32>
    %convert_element_type3A_96 = arith.truncf %get3A_58 : vector<1x4096xf32> to vector<1x4096xbf16>
    %convert_element_type3A_97 = arith.extf %convert_element_type3A_96 : vector<1x4096xbf16> to vector<1x4096xf32>
    %mul3A_98 = vector.broadcast %convert_element_type3A_95 : vector<64x1xf32> to vector<64x4096xf32>
    %mul3A_99 = vector.broadcast %convert_element_type3A_97 : vector<1x4096xf32> to vector<64x4096xf32>
    %mul3A_100 = arith.mulf %mul3A_98, %mul3A_99 : vector<64x4096xf32>
    %add3A_101 = arith.addf %mul3A_86, %mul3A_93 : vector<64x4096xf32>
    %add3A_102 = arith.addf %add3A_101, %mul3A_100 : vector<64x4096xf32>
    %mul3A_103 = arith.mulf %dot_general3A_65, %dot_general3A_65 : vector<64x1xf32>
    %mul3A_104 = arith.mulf %dot_general3A_72, %dot_general3A_72 : vector<64x1xf32>
    %add3A_105 = arith.addf %mul3A_103, %mul3A_104 : vector<64x1xf32>
    %mul3A_106 = arith.mulf %dot_general3A_79, %dot_general3A_79 : vector<64x1xf32>
    %add3A_107 = arith.addf %add3A_105, %mul3A_106 : vector<64x1xf32>
    %mul3A_108 = arith.mulf %get3A_48, %get3A_48 : vector<1x4096xf32>
    %mul3A_109 = arith.mulf %get3A_53, %get3A_53 : vector<1x4096xf32>
    %add3A_110 = arith.addf %mul3A_108, %mul3A_109 : vector<1x4096xf32>
    %mul3A_111 = arith.mulf %get3A_58, %get3A_58 : vector<1x4096xf32>
    %add3A_112 = arith.addf %add3A_110, %mul3A_111 : vector<1x4096xf32>
    %mul3A_113 = arith.constant -2.000000e+00 : f32
    %mul3A_114 = vector.broadcast %mul3A_113 : f32 to vector<64x4096xf32>
    %mul3A_115 = arith.mulf %mul3A_114, %add3A_102 : vector<64x4096xf32>
    %add3A_116 = vector.broadcast %add3A_107 : vector<64x1xf32> to vector<64x4096xf32>
    %add3A_117 = arith.addf %mul3A_115, %add3A_116 : vector<64x4096xf32>
    %add3A_118 = vector.broadcast %add3A_112 : vector<1x4096xf32> to vector<64x4096xf32>
    %add3A_119 = arith.addf %add3A_117, %add3A_118 : vector<64x4096xf32>
    %bitcast_convert_type3A = tpu.bitcast %add3A_119 : vector<64x4096xf32> -> vector<64x4096xi32>
    %lt3A = arith.constant 0 : i32
    %lt3A_120 = vector.broadcast %lt3A : i32 to vector<64x4096xi32>
    %lt3A_121 = arith.cmpi slt, %bitcast_convert_type3A, %lt3A_120 : vector<64x4096xi32>
    %xor3A = arith.constant 2147483647 : i32
    %xor3A_122 = vector.broadcast %xor3A : i32 to vector<64x4096xi32>
    %xor3A_123 = arith.xori %bitcast_convert_type3A, %xor3A_122 : vector<64x4096xi32>
    %select_n3A = arith.select %lt3A_121, %xor3A_123, %bitcast_convert_type3A : vector<64x4096xi1>, vector<64x4096xi32>
    %iota3A_124 = tpu.iota {dimensions = array<i32: 1>} : vector<64x4096xi32>
    %broadcast_in_dim3A_125 = arith.constant -980000000 : i32
    %broadcast_in_dim3A_126 = vector.broadcast %broadcast_in_dim3A_125 : i32 to vector<64x1xi32>
    %broadcast_in_dim3A_127 = arith.constant 1090519040 : i32
    %broadcast_in_dim3A_128 = vector.broadcast %broadcast_in_dim3A_127 : i32 to vector<64x1xi32>
    %sub3A_129 = arith.subi %broadcast_in_dim3A_128, %broadcast_in_dim3A_126 : vector<64x1xi32>
    %shift_right_arithmetic3A = arith.constant 1 : i32
    %shift_right_arithmetic3A_130 = vector.broadcast %shift_right_arithmetic3A : i32 to vector<64x1xi32>
    %shift_right_arithmetic3A_131 = arith.shrsi %sub3A_129, %shift_right_arithmetic3A_130 : vector<64x1xi32>
    %add3A_132 = arith.addi %broadcast_in_dim3A_126, %shift_right_arithmetic3A_131 : vector<64x1xi32>
    %le3A = vector.broadcast %add3A_132 : vector<64x1xi32> to vector<64x4096xi32>
    %le3A_133 = arith.cmpi sle, %select_n3A, %le3A : vector<64x4096xi32>
    %convert_element_type3A_134 = arith.extui %le3A_133 : vector<64x4096xi1> to vector<64x4096xi32>
    %reduce_sum3A_135 = arith.constant dense<0> : vector<64xi32>
    %reduce_sum3A_136 = vector.multi_reduction <add>, %convert_element_type3A_134, %reduce_sum3A_135 [1] : vector<64x4096xi32> to vector<64xi32>
    %broadcast_in_dim3A_137 = vector.shape_cast %reduce_sum3A_136 : vector<64xi32> to vector<64x1xi32>
    %ge3A = arith.constant 64 : i32
    %ge3A_138 = vector.broadcast %ge3A : i32 to vector<64x1xi32>
    %ge3A_139 = arith.cmpi sge, %broadcast_in_dim3A_137, %ge3A_138 : vector<64x1xi32>
    %select_n3A_140 = arith.select %ge3A_139, %add3A_132, %broadcast_in_dim3A_128 : vector<64x1xi1>, vector<64x1xi32>
    %select_n3A_141 = arith.select %ge3A_139, %broadcast_in_dim3A_126, %add3A_132 : vector<64x1xi1>, vector<64x1xi32>
    %sub3A_142 = arith.subi %select_n3A_140, %select_n3A_141 : vector<64x1xi32>
    %shift_right_arithmetic3A_143 = arith.constant 1 : i32
    %shift_right_arithmetic3A_144 = vector.broadcast %shift_right_arithmetic3A_143 : i32 to vector<64x1xi32>
    %shift_right_arithmetic3A_145 = arith.shrsi %sub3A_142, %shift_right_arithmetic3A_144 : vector<64x1xi32>
    %add3A_146 = arith.addi %select_n3A_141, %shift_right_arithmetic3A_145 : vector<64x1xi32>
    %le3A_147 = vector.broadcast %add3A_146 : vector<64x1xi32> to vector<64x4096xi32>
    %le3A_148 = arith.cmpi sle, %select_n3A, %le3A_147 : vector<64x4096xi32>
    %convert_element_type3A_149 = arith.extui %le3A_148 : vector<64x4096xi1> to vector<64x4096xi32>
    %reduce_sum3A_150 = arith.constant dense<0> : vector<64xi32>
    %reduce_sum3A_151 = vector.multi_reduction <add>, %convert_element_type3A_149, %reduce_sum3A_150 [1] : vector<64x4096xi32> to vector<64xi32>
    %broadcast_in_dim3A_152 = vector.shape_cast %reduce_sum3A_151 : vector<64xi32> to vector<64x1xi32>
    %ge3A_153 = arith.constant 64 : i32
    %ge3A_154 = vector.broadcast %ge3A_153 : i32 to vector<64x1xi32>
    %ge3A_155 = arith.cmpi sge, %broadcast_in_dim3A_152, %ge3A_154 : vector<64x1xi32>
    %select_n3A_156 = arith.select %ge3A_155, %add3A_146, %select_n3A_140 : vector<64x1xi1>, vector<64x1xi32>
    %select_n3A_157 = arith.select %ge3A_155, %select_n3A_141, %add3A_146 : vector<64x1xi1>, vector<64x1xi32>
    %sub3A_158 = arith.subi %select_n3A_156, %select_n3A_157 : vector<64x1xi32>
    %shift_right_arithmetic3A_159 = arith.constant 1 : i32
    %shift_right_arithmetic3A_160 = vector.broadcast %shift_right_arithmetic3A_159 : i32 to vector<64x1xi32>
    %shift_right_arithmetic3A_161 = arith.shrsi %sub3A_158, %shift_right_arithmetic3A_160 : vector<64x1xi32>
    %add3A_162 = arith.addi %select_n3A_157, %shift_right_arithmetic3A_161 : vector<64x1xi32>
    %le3A_163 = vector.broadcast %add3A_162 : vector<64x1xi32> to vector<64x4096xi32>
    %le3A_164 = arith.cmpi sle, %select_n3A, %le3A_163 : vector<64x4096xi32>
    %convert_element_type3A_165 = arith.extui %le3A_164 : vector<64x4096xi1> to vector<64x4096xi32>
    %reduce_sum3A_166 = arith.constant dense<0> : vector<64xi32>
    %reduce_sum3A_167 = vector.multi_reduction <add>, %convert_element_type3A_165, %reduce_sum3A_166 [1] : vector<64x4096xi32> to vector<64xi32>
    %broadcast_in_dim3A_168 = vector.shape_cast %reduce_sum3A_167 : vector<64xi32> to vector<64x1xi32>
    %ge3A_169 = arith.constant 64 : i32
    %ge3A_170 = vector.broadcast %ge3A_169 : i32 to vector<64x1xi32>
    %ge3A_171 = arith.cmpi sge, %broadcast_in_dim3A_168, %ge3A_170 : vector<64x1xi32>
    %select_n3A_172 = arith.select %ge3A_171, %add3A_162, %select_n3A_156 : vector<64x1xi1>, vector<64x1xi32>
    %select_n3A_173 = arith.select %ge3A_171, %select_n3A_157, %add3A_162 : vector<64x1xi1>, vector<64x1xi32>
    %sub3A_174 = arith.subi %select_n3A_172, %select_n3A_173 : vector<64x1xi32>
    %shift_right_arithmetic3A_175 = arith.constant 1 : i32
    %shift_right_arithmetic3A_176 = vector.broadcast %shift_right_arithmetic3A_175 : i32 to vector<64x1xi32>
    %shift_right_arithmetic3A_177 = arith.shrsi %sub3A_174, %shift_right_arithmetic3A_176 : vector<64x1xi32>
    %add3A_178 = arith.addi %select_n3A_173, %shift_right_arithmetic3A_177 : vector<64x1xi32>
    %le3A_179 = vector.broadcast %add3A_178 : vector<64x1xi32> to vector<64x4096xi32>
    %le3A_180 = arith.cmpi sle, %select_n3A, %le3A_179 : vector<64x4096xi32>
    %convert_element_type3A_181 = arith.extui %le3A_180 : vector<64x4096xi1> to vector<64x4096xi32>
    %reduce_sum3A_182 = arith.constant dense<0> : vector<64xi32>
    %reduce_sum3A_183 = vector.multi_reduction <add>, %convert_element_type3A_181, %reduce_sum3A_182 [1] : vector<64x4096xi32> to vector<64xi32>
    %broadcast_in_dim3A_184 = vector.shape_cast %reduce_sum3A_183 : vector<64xi32> to vector<64x1xi32>
    %ge3A_185 = arith.constant 64 : i32
    %ge3A_186 = vector.broadcast %ge3A_185 : i32 to vector<64x1xi32>
    %ge3A_187 = arith.cmpi sge, %broadcast_in_dim3A_184, %ge3A_186 : vector<64x1xi32>
    %select_n3A_188 = arith.select %ge3A_187, %add3A_178, %select_n3A_172 : vector<64x1xi1>, vector<64x1xi32>
    %select_n3A_189 = arith.select %ge3A_187, %select_n3A_173, %add3A_178 : vector<64x1xi1>, vector<64x1xi32>
    %sub3A_190 = arith.subi %select_n3A_188, %select_n3A_189 : vector<64x1xi32>
    %shift_right_arithmetic3A_191 = arith.constant 1 : i32
    %shift_right_arithmetic3A_192 = vector.broadcast %shift_right_arithmetic3A_191 : i32 to vector<64x1xi32>
    %shift_right_arithmetic3A_193 = arith.shrsi %sub3A_190, %shift_right_arithmetic3A_192 : vector<64x1xi32>
    %add3A_194 = arith.addi %select_n3A_189, %shift_right_arithmetic3A_193 : vector<64x1xi32>
    %le3A_195 = vector.broadcast %add3A_194 : vector<64x1xi32> to vector<64x4096xi32>
    %le3A_196 = arith.cmpi sle, %select_n3A, %le3A_195 : vector<64x4096xi32>
    %convert_element_type3A_197 = arith.extui %le3A_196 : vector<64x4096xi1> to vector<64x4096xi32>
    %reduce_sum3A_198 = arith.constant dense<0> : vector<64xi32>
    %reduce_sum3A_199 = vector.multi_reduction <add>, %convert_element_type3A_197, %reduce_sum3A_198 [1] : vector<64x4096xi32> to vector<64xi32>
    %broadcast_in_dim3A_200 = vector.shape_cast %reduce_sum3A_199 : vector<64xi32> to vector<64x1xi32>
    %ge3A_201 = arith.constant 64 : i32
    %ge3A_202 = vector.broadcast %ge3A_201 : i32 to vector<64x1xi32>
    %ge3A_203 = arith.cmpi sge, %broadcast_in_dim3A_200, %ge3A_202 : vector<64x1xi32>
    %select_n3A_204 = arith.select %ge3A_203, %add3A_194, %select_n3A_188 : vector<64x1xi1>, vector<64x1xi32>
    %select_n3A_205 = arith.select %ge3A_203, %select_n3A_189, %add3A_194 : vector<64x1xi1>, vector<64x1xi32>
    %sub3A_206 = arith.subi %select_n3A_204, %select_n3A_205 : vector<64x1xi32>
    %shift_right_arithmetic3A_207 = arith.constant 1 : i32
    %shift_right_arithmetic3A_208 = vector.broadcast %shift_right_arithmetic3A_207 : i32 to vector<64x1xi32>
    %shift_right_arithmetic3A_209 = arith.shrsi %sub3A_206, %shift_right_arithmetic3A_208 : vector<64x1xi32>
    %add3A_210 = arith.addi %select_n3A_205, %shift_right_arithmetic3A_209 : vector<64x1xi32>
    %le3A_211 = vector.broadcast %add3A_210 : vector<64x1xi32> to vector<64x4096xi32>
    %le3A_212 = arith.cmpi sle, %select_n3A, %le3A_211 : vector<64x4096xi32>
    %convert_element_type3A_213 = arith.extui %le3A_212 : vector<64x4096xi1> to vector<64x4096xi32>
    %reduce_sum3A_214 = arith.constant dense<0> : vector<64xi32>
    %reduce_sum3A_215 = vector.multi_reduction <add>, %convert_element_type3A_213, %reduce_sum3A_214 [1] : vector<64x4096xi32> to vector<64xi32>
    %broadcast_in_dim3A_216 = vector.shape_cast %reduce_sum3A_215 : vector<64xi32> to vector<64x1xi32>
    %ge3A_217 = arith.constant 64 : i32
    %ge3A_218 = vector.broadcast %ge3A_217 : i32 to vector<64x1xi32>
    %ge3A_219 = arith.cmpi sge, %broadcast_in_dim3A_216, %ge3A_218 : vector<64x1xi32>
    %select_n3A_220 = arith.select %ge3A_219, %add3A_210, %select_n3A_204 : vector<64x1xi1>, vector<64x1xi32>
    %select_n3A_221 = arith.select %ge3A_219, %select_n3A_205, %add3A_210 : vector<64x1xi1>, vector<64x1xi32>
    %sub3A_222 = arith.subi %select_n3A_220, %select_n3A_221 : vector<64x1xi32>
    %shift_right_arithmetic3A_223 = arith.constant 1 : i32
    %shift_right_arithmetic3A_224 = vector.broadcast %shift_right_arithmetic3A_223 : i32 to vector<64x1xi32>
    %shift_right_arithmetic3A_225 = arith.shrsi %sub3A_222, %shift_right_arithmetic3A_224 : vector<64x1xi32>
    %add3A_226 = arith.addi %select_n3A_221, %shift_right_arithmetic3A_225 : vector<64x1xi32>
    %le3A_227 = vector.broadcast %add3A_226 : vector<64x1xi32> to vector<64x4096xi32>
    %le3A_228 = arith.cmpi sle, %select_n3A, %le3A_227 : vector<64x4096xi32>
    %convert_element_type3A_229 = arith.extui %le3A_228 : vector<64x4096xi1> to vector<64x4096xi32>
    %reduce_sum3A_230 = arith.constant dense<0> : vector<64xi32>
    %reduce_sum3A_231 = vector.multi_reduction <add>, %convert_element_type3A_229, %reduce_sum3A_230 [1] : vector<64x4096xi32> to vector<64xi32>
    %broadcast_in_dim3A_232 = vector.shape_cast %reduce_sum3A_231 : vector<64xi32> to vector<64x1xi32>
    %ge3A_233 = arith.constant 64 : i32
    %ge3A_234 = vector.broadcast %ge3A_233 : i32 to vector<64x1xi32>
    %ge3A_235 = arith.cmpi sge, %broadcast_in_dim3A_232, %ge3A_234 : vector<64x1xi32>
    %select_n3A_236 = arith.select %ge3A_235, %add3A_226, %select_n3A_220 : vector<64x1xi1>, vector<64x1xi32>
    %select_n3A_237 = arith.select %ge3A_235, %select_n3A_221, %add3A_226 : vector<64x1xi1>, vector<64x1xi32>
    %sub3A_238 = arith.subi %select_n3A_236, %select_n3A_237 : vector<64x1xi32>
    %shift_right_arithmetic3A_239 = arith.constant 1 : i32
    %shift_right_arithmetic3A_240 = vector.broadcast %shift_right_arithmetic3A_239 : i32 to vector<64x1xi32>
    %shift_right_arithmetic3A_241 = arith.shrsi %sub3A_238, %shift_right_arithmetic3A_240 : vector<64x1xi32>
    %add3A_242 = arith.addi %select_n3A_237, %shift_right_arithmetic3A_241 : vector<64x1xi32>
    %le3A_243 = vector.broadcast %add3A_242 : vector<64x1xi32> to vector<64x4096xi32>
    %le3A_244 = arith.cmpi sle, %select_n3A, %le3A_243 : vector<64x4096xi32>
    %convert_element_type3A_245 = arith.extui %le3A_244 : vector<64x4096xi1> to vector<64x4096xi32>
    %reduce_sum3A_246 = arith.constant dense<0> : vector<64xi32>
    %reduce_sum3A_247 = vector.multi_reduction <add>, %convert_element_type3A_245, %reduce_sum3A_246 [1] : vector<64x4096xi32> to vector<64xi32>
    %broadcast_in_dim3A_248 = vector.shape_cast %reduce_sum3A_247 : vector<64xi32> to vector<64x1xi32>
    %ge3A_249 = arith.constant 64 : i32
    %ge3A_250 = vector.broadcast %ge3A_249 : i32 to vector<64x1xi32>
    %ge3A_251 = arith.cmpi sge, %broadcast_in_dim3A_248, %ge3A_250 : vector<64x1xi32>
    %select_n3A_252 = arith.select %ge3A_251, %add3A_242, %select_n3A_236 : vector<64x1xi1>, vector<64x1xi32>
    %select_n3A_253 = arith.select %ge3A_251, %select_n3A_237, %add3A_242 : vector<64x1xi1>, vector<64x1xi32>
    %sub3A_254 = arith.subi %select_n3A_252, %select_n3A_253 : vector<64x1xi32>
    %shift_right_arithmetic3A_255 = arith.constant 1 : i32
    %shift_right_arithmetic3A_256 = vector.broadcast %shift_right_arithmetic3A_255 : i32 to vector<64x1xi32>
    %shift_right_arithmetic3A_257 = arith.shrsi %sub3A_254, %shift_right_arithmetic3A_256 : vector<64x1xi32>
    %add3A_258 = arith.addi %select_n3A_253, %shift_right_arithmetic3A_257 : vector<64x1xi32>
    %le3A_259 = vector.broadcast %add3A_258 : vector<64x1xi32> to vector<64x4096xi32>
    %le3A_260 = arith.cmpi sle, %select_n3A, %le3A_259 : vector<64x4096xi32>
    %convert_element_type3A_261 = arith.extui %le3A_260 : vector<64x4096xi1> to vector<64x4096xi32>
    %reduce_sum3A_262 = arith.constant dense<0> : vector<64xi32>
    %reduce_sum3A_263 = vector.multi_reduction <add>, %convert_element_type3A_261, %reduce_sum3A_262 [1] : vector<64x4096xi32> to vector<64xi32>
    %broadcast_in_dim3A_264 = vector.shape_cast %reduce_sum3A_263 : vector<64xi32> to vector<64x1xi32>
    %ge3A_265 = arith.constant 64 : i32
    %ge3A_266 = vector.broadcast %ge3A_265 : i32 to vector<64x1xi32>
    %ge3A_267 = arith.cmpi sge, %broadcast_in_dim3A_264, %ge3A_266 : vector<64x1xi32>
    %select_n3A_268 = arith.select %ge3A_267, %add3A_258, %select_n3A_252 : vector<64x1xi1>, vector<64x1xi32>
    %select_n3A_269 = arith.select %ge3A_267, %select_n3A_253, %add3A_258 : vector<64x1xi1>, vector<64x1xi32>
    %sub3A_270 = arith.subi %select_n3A_268, %select_n3A_269 : vector<64x1xi32>
    %shift_right_arithmetic3A_271 = arith.constant 1 : i32
    %shift_right_arithmetic3A_272 = vector.broadcast %shift_right_arithmetic3A_271 : i32 to vector<64x1xi32>
    %shift_right_arithmetic3A_273 = arith.shrsi %sub3A_270, %shift_right_arithmetic3A_272 : vector<64x1xi32>
    %add3A_274 = arith.addi %select_n3A_269, %shift_right_arithmetic3A_273 : vector<64x1xi32>
    %le3A_275 = vector.broadcast %add3A_274 : vector<64x1xi32> to vector<64x4096xi32>
    %le3A_276 = arith.cmpi sle, %select_n3A, %le3A_275 : vector<64x4096xi32>
    %convert_element_type3A_277 = arith.extui %le3A_276 : vector<64x4096xi1> to vector<64x4096xi32>
    %reduce_sum3A_278 = arith.constant dense<0> : vector<64xi32>
    %reduce_sum3A_279 = vector.multi_reduction <add>, %convert_element_type3A_277, %reduce_sum3A_278 [1] : vector<64x4096xi32> to vector<64xi32>
    %broadcast_in_dim3A_280 = vector.shape_cast %reduce_sum3A_279 : vector<64xi32> to vector<64x1xi32>
    %ge3A_281 = arith.constant 64 : i32
    %ge3A_282 = vector.broadcast %ge3A_281 : i32 to vector<64x1xi32>
    %ge3A_283 = arith.cmpi sge, %broadcast_in_dim3A_280, %ge3A_282 : vector<64x1xi32>
    %select_n3A_284 = arith.select %ge3A_283, %add3A_274, %select_n3A_268 : vector<64x1xi1>, vector<64x1xi32>
    %select_n3A_285 = arith.select %ge3A_283, %select_n3A_269, %add3A_274 : vector<64x1xi1>, vector<64x1xi32>
    %sub3A_286 = arith.subi %select_n3A_284, %select_n3A_285 : vector<64x1xi32>
    %shift_right_arithmetic3A_287 = arith.constant 1 : i32
    %shift_right_arithmetic3A_288 = vector.broadcast %shift_right_arithmetic3A_287 : i32 to vector<64x1xi32>
    %shift_right_arithmetic3A_289 = arith.shrsi %sub3A_286, %shift_right_arithmetic3A_288 : vector<64x1xi32>
    %add3A_290 = arith.addi %select_n3A_285, %shift_right_arithmetic3A_289 : vector<64x1xi32>
    %le3A_291 = vector.broadcast %add3A_290 : vector<64x1xi32> to vector<64x4096xi32>
    %le3A_292 = arith.cmpi sle, %select_n3A, %le3A_291 : vector<64x4096xi32>
    %convert_element_type3A_293 = arith.extui %le3A_292 : vector<64x4096xi1> to vector<64x4096xi32>
    %reduce_sum3A_294 = arith.constant dense<0> : vector<64xi32>
    %reduce_sum3A_295 = vector.multi_reduction <add>, %convert_element_type3A_293, %reduce_sum3A_294 [1] : vector<64x4096xi32> to vector<64xi32>
    %broadcast_in_dim3A_296 = vector.shape_cast %reduce_sum3A_295 : vector<64xi32> to vector<64x1xi32>
    %ge3A_297 = arith.constant 64 : i32
    %ge3A_298 = vector.broadcast %ge3A_297 : i32 to vector<64x1xi32>
    %ge3A_299 = arith.cmpi sge, %broadcast_in_dim3A_296, %ge3A_298 : vector<64x1xi32>
    %select_n3A_300 = arith.select %ge3A_299, %add3A_290, %select_n3A_284 : vector<64x1xi1>, vector<64x1xi32>
    %select_n3A_301 = arith.select %ge3A_299, %select_n3A_285, %add3A_290 : vector<64x1xi1>, vector<64x1xi32>
    %sub3A_302 = arith.subi %select_n3A_300, %select_n3A_301 : vector<64x1xi32>
    %shift_right_arithmetic3A_303 = arith.constant 1 : i32
    %shift_right_arithmetic3A_304 = vector.broadcast %shift_right_arithmetic3A_303 : i32 to vector<64x1xi32>
    %shift_right_arithmetic3A_305 = arith.shrsi %sub3A_302, %shift_right_arithmetic3A_304 : vector<64x1xi32>
    %add3A_306 = arith.addi %select_n3A_301, %shift_right_arithmetic3A_305 : vector<64x1xi32>
    %le3A_307 = vector.broadcast %add3A_306 : vector<64x1xi32> to vector<64x4096xi32>
    %le3A_308 = arith.cmpi sle, %select_n3A, %le3A_307 : vector<64x4096xi32>
    %convert_element_type3A_309 = arith.extui %le3A_308 : vector<64x4096xi1> to vector<64x4096xi32>
    %reduce_sum3A_310 = arith.constant dense<0> : vector<64xi32>
    %reduce_sum3A_311 = vector.multi_reduction <add>, %convert_element_type3A_309, %reduce_sum3A_310 [1] : vector<64x4096xi32> to vector<64xi32>
    %broadcast_in_dim3A_312 = vector.shape_cast %reduce_sum3A_311 : vector<64xi32> to vector<64x1xi32>
    %ge3A_313 = arith.constant 64 : i32
    %ge3A_314 = vector.broadcast %ge3A_313 : i32 to vector<64x1xi32>
    %ge3A_315 = arith.cmpi sge, %broadcast_in_dim3A_312, %ge3A_314 : vector<64x1xi32>
    %select_n3A_316 = arith.select %ge3A_315, %add3A_306, %select_n3A_300 : vector<64x1xi1>, vector<64x1xi32>
    %select_n3A_317 = arith.select %ge3A_315, %select_n3A_301, %add3A_306 : vector<64x1xi1>, vector<64x1xi32>
    %sub3A_318 = arith.subi %select_n3A_316, %select_n3A_317 : vector<64x1xi32>
    %shift_right_arithmetic3A_319 = arith.constant 1 : i32
    %shift_right_arithmetic3A_320 = vector.broadcast %shift_right_arithmetic3A_319 : i32 to vector<64x1xi32>
    %shift_right_arithmetic3A_321 = arith.shrsi %sub3A_318, %shift_right_arithmetic3A_320 : vector<64x1xi32>
    %add3A_322 = arith.addi %select_n3A_317, %shift_right_arithmetic3A_321 : vector<64x1xi32>
    %le3A_323 = vector.broadcast %add3A_322 : vector<64x1xi32> to vector<64x4096xi32>
    %le3A_324 = arith.cmpi sle, %select_n3A, %le3A_323 : vector<64x4096xi32>
    %convert_element_type3A_325 = arith.extui %le3A_324 : vector<64x4096xi1> to vector<64x4096xi32>
    %reduce_sum3A_326 = arith.constant dense<0> : vector<64xi32>
    %reduce_sum3A_327 = vector.multi_reduction <add>, %convert_element_type3A_325, %reduce_sum3A_326 [1] : vector<64x4096xi32> to vector<64xi32>
    %broadcast_in_dim3A_328 = vector.shape_cast %reduce_sum3A_327 : vector<64xi32> to vector<64x1xi32>
    %ge3A_329 = arith.constant 64 : i32
    %ge3A_330 = vector.broadcast %ge3A_329 : i32 to vector<64x1xi32>
    %ge3A_331 = arith.cmpi sge, %broadcast_in_dim3A_328, %ge3A_330 : vector<64x1xi32>
    %select_n3A_332 = arith.select %ge3A_331, %add3A_322, %select_n3A_316 : vector<64x1xi1>, vector<64x1xi32>
    %select_n3A_333 = arith.select %ge3A_331, %select_n3A_317, %add3A_322 : vector<64x1xi1>, vector<64x1xi32>
    %sub3A_334 = arith.subi %select_n3A_332, %select_n3A_333 : vector<64x1xi32>
    %shift_right_arithmetic3A_335 = arith.constant 1 : i32
    %shift_right_arithmetic3A_336 = vector.broadcast %shift_right_arithmetic3A_335 : i32 to vector<64x1xi32>
    %shift_right_arithmetic3A_337 = arith.shrsi %sub3A_334, %shift_right_arithmetic3A_336 : vector<64x1xi32>
    %add3A_338 = arith.addi %select_n3A_333, %shift_right_arithmetic3A_337 : vector<64x1xi32>
    %le3A_339 = vector.broadcast %add3A_338 : vector<64x1xi32> to vector<64x4096xi32>
    %le3A_340 = arith.cmpi sle, %select_n3A, %le3A_339 : vector<64x4096xi32>
    %convert_element_type3A_341 = arith.extui %le3A_340 : vector<64x4096xi1> to vector<64x4096xi32>
    %reduce_sum3A_342 = arith.constant dense<0> : vector<64xi32>
    %reduce_sum3A_343 = vector.multi_reduction <add>, %convert_element_type3A_341, %reduce_sum3A_342 [1] : vector<64x4096xi32> to vector<64xi32>
    %broadcast_in_dim3A_344 = vector.shape_cast %reduce_sum3A_343 : vector<64xi32> to vector<64x1xi32>
    %ge3A_345 = arith.constant 64 : i32
    %ge3A_346 = vector.broadcast %ge3A_345 : i32 to vector<64x1xi32>
    %ge3A_347 = arith.cmpi sge, %broadcast_in_dim3A_344, %ge3A_346 : vector<64x1xi32>
    %select_n3A_348 = arith.select %ge3A_347, %add3A_338, %select_n3A_332 : vector<64x1xi1>, vector<64x1xi32>
    %select_n3A_349 = arith.select %ge3A_347, %select_n3A_333, %add3A_338 : vector<64x1xi1>, vector<64x1xi32>
    %sub3A_350 = arith.subi %select_n3A_348, %select_n3A_349 : vector<64x1xi32>
    %shift_right_arithmetic3A_351 = arith.constant 1 : i32
    %shift_right_arithmetic3A_352 = vector.broadcast %shift_right_arithmetic3A_351 : i32 to vector<64x1xi32>
    %shift_right_arithmetic3A_353 = arith.shrsi %sub3A_350, %shift_right_arithmetic3A_352 : vector<64x1xi32>
    %add3A_354 = arith.addi %select_n3A_349, %shift_right_arithmetic3A_353 : vector<64x1xi32>
    %le3A_355 = vector.broadcast %add3A_354 : vector<64x1xi32> to vector<64x4096xi32>
    %le3A_356 = arith.cmpi sle, %select_n3A, %le3A_355 : vector<64x4096xi32>
    %convert_element_type3A_357 = arith.extui %le3A_356 : vector<64x4096xi1> to vector<64x4096xi32>
    %reduce_sum3A_358 = arith.constant dense<0> : vector<64xi32>
    %reduce_sum3A_359 = vector.multi_reduction <add>, %convert_element_type3A_357, %reduce_sum3A_358 [1] : vector<64x4096xi32> to vector<64xi32>
    %broadcast_in_dim3A_360 = vector.shape_cast %reduce_sum3A_359 : vector<64xi32> to vector<64x1xi32>
    %ge3A_361 = arith.constant 64 : i32
    %ge3A_362 = vector.broadcast %ge3A_361 : i32 to vector<64x1xi32>
    %ge3A_363 = arith.cmpi sge, %broadcast_in_dim3A_360, %ge3A_362 : vector<64x1xi32>
    %select_n3A_364 = arith.select %ge3A_363, %add3A_354, %select_n3A_348 : vector<64x1xi1>, vector<64x1xi32>
    %select_n3A_365 = arith.select %ge3A_363, %select_n3A_349, %add3A_354 : vector<64x1xi1>, vector<64x1xi32>
    %sub3A_366 = arith.subi %select_n3A_364, %select_n3A_365 : vector<64x1xi32>
    %shift_right_arithmetic3A_367 = arith.constant 1 : i32
    %shift_right_arithmetic3A_368 = vector.broadcast %shift_right_arithmetic3A_367 : i32 to vector<64x1xi32>
    %shift_right_arithmetic3A_369 = arith.shrsi %sub3A_366, %shift_right_arithmetic3A_368 : vector<64x1xi32>
    %add3A_370 = arith.addi %select_n3A_365, %shift_right_arithmetic3A_369 : vector<64x1xi32>
    %le3A_371 = vector.broadcast %add3A_370 : vector<64x1xi32> to vector<64x4096xi32>
    %le3A_372 = arith.cmpi sle, %select_n3A, %le3A_371 : vector<64x4096xi32>
    %convert_element_type3A_373 = arith.extui %le3A_372 : vector<64x4096xi1> to vector<64x4096xi32>
    %reduce_sum3A_374 = arith.constant dense<0> : vector<64xi32>
    %reduce_sum3A_375 = vector.multi_reduction <add>, %convert_element_type3A_373, %reduce_sum3A_374 [1] : vector<64x4096xi32> to vector<64xi32>
    %broadcast_in_dim3A_376 = vector.shape_cast %reduce_sum3A_375 : vector<64xi32> to vector<64x1xi32>
    %ge3A_377 = arith.constant 64 : i32
    %ge3A_378 = vector.broadcast %ge3A_377 : i32 to vector<64x1xi32>
    %ge3A_379 = arith.cmpi sge, %broadcast_in_dim3A_376, %ge3A_378 : vector<64x1xi32>
    %select_n3A_380 = arith.select %ge3A_379, %add3A_370, %select_n3A_364 : vector<64x1xi1>, vector<64x1xi32>
    %select_n3A_381 = arith.select %ge3A_379, %select_n3A_365, %add3A_370 : vector<64x1xi1>, vector<64x1xi32>
    %sub3A_382 = arith.subi %select_n3A_380, %select_n3A_381 : vector<64x1xi32>
    %shift_right_arithmetic3A_383 = arith.constant 1 : i32
    %shift_right_arithmetic3A_384 = vector.broadcast %shift_right_arithmetic3A_383 : i32 to vector<64x1xi32>
    %shift_right_arithmetic3A_385 = arith.shrsi %sub3A_382, %shift_right_arithmetic3A_384 : vector<64x1xi32>
    %add3A_386 = arith.addi %select_n3A_381, %shift_right_arithmetic3A_385 : vector<64x1xi32>
    %le3A_387 = vector.broadcast %add3A_386 : vector<64x1xi32> to vector<64x4096xi32>
    %le3A_388 = arith.cmpi sle, %select_n3A, %le3A_387 : vector<64x4096xi32>
    %convert_element_type3A_389 = arith.extui %le3A_388 : vector<64x4096xi1> to vector<64x4096xi32>
    %reduce_sum3A_390 = arith.constant dense<0> : vector<64xi32>
    %reduce_sum3A_391 = vector.multi_reduction <add>, %convert_element_type3A_389, %reduce_sum3A_390 [1] : vector<64x4096xi32> to vector<64xi32>
    %broadcast_in_dim3A_392 = vector.shape_cast %reduce_sum3A_391 : vector<64xi32> to vector<64x1xi32>
    %ge3A_393 = arith.constant 64 : i32
    %ge3A_394 = vector.broadcast %ge3A_393 : i32 to vector<64x1xi32>
    %ge3A_395 = arith.cmpi sge, %broadcast_in_dim3A_392, %ge3A_394 : vector<64x1xi32>
    %select_n3A_396 = arith.select %ge3A_395, %add3A_386, %select_n3A_380 : vector<64x1xi1>, vector<64x1xi32>
    %select_n3A_397 = arith.select %ge3A_395, %select_n3A_381, %add3A_386 : vector<64x1xi1>, vector<64x1xi32>
    %sub3A_398 = arith.subi %select_n3A_396, %select_n3A_397 : vector<64x1xi32>
    %shift_right_arithmetic3A_399 = arith.constant 1 : i32
    %shift_right_arithmetic3A_400 = vector.broadcast %shift_right_arithmetic3A_399 : i32 to vector<64x1xi32>
    %shift_right_arithmetic3A_401 = arith.shrsi %sub3A_398, %shift_right_arithmetic3A_400 : vector<64x1xi32>
    %add3A_402 = arith.addi %select_n3A_397, %shift_right_arithmetic3A_401 : vector<64x1xi32>
    %le3A_403 = vector.broadcast %add3A_402 : vector<64x1xi32> to vector<64x4096xi32>
    %le3A_404 = arith.cmpi sle, %select_n3A, %le3A_403 : vector<64x4096xi32>
    %convert_element_type3A_405 = arith.extui %le3A_404 : vector<64x4096xi1> to vector<64x4096xi32>
    %reduce_sum3A_406 = arith.constant dense<0> : vector<64xi32>
    %reduce_sum3A_407 = vector.multi_reduction <add>, %convert_element_type3A_405, %reduce_sum3A_406 [1] : vector<64x4096xi32> to vector<64xi32>
    %broadcast_in_dim3A_408 = vector.shape_cast %reduce_sum3A_407 : vector<64xi32> to vector<64x1xi32>
    %ge3A_409 = arith.constant 64 : i32
    %ge3A_410 = vector.broadcast %ge3A_409 : i32 to vector<64x1xi32>
    %ge3A_411 = arith.cmpi sge, %broadcast_in_dim3A_408, %ge3A_410 : vector<64x1xi32>
    %select_n3A_412 = arith.select %ge3A_411, %add3A_402, %select_n3A_396 : vector<64x1xi1>, vector<64x1xi32>
    %select_n3A_413 = arith.select %ge3A_411, %select_n3A_397, %add3A_402 : vector<64x1xi1>, vector<64x1xi32>
    %sub3A_414 = arith.subi %select_n3A_412, %select_n3A_413 : vector<64x1xi32>
    %shift_right_arithmetic3A_415 = arith.constant 1 : i32
    %shift_right_arithmetic3A_416 = vector.broadcast %shift_right_arithmetic3A_415 : i32 to vector<64x1xi32>
    %shift_right_arithmetic3A_417 = arith.shrsi %sub3A_414, %shift_right_arithmetic3A_416 : vector<64x1xi32>
    %add3A_418 = arith.addi %select_n3A_413, %shift_right_arithmetic3A_417 : vector<64x1xi32>
    %le3A_419 = vector.broadcast %add3A_418 : vector<64x1xi32> to vector<64x4096xi32>
    %le3A_420 = arith.cmpi sle, %select_n3A, %le3A_419 : vector<64x4096xi32>
    %convert_element_type3A_421 = arith.extui %le3A_420 : vector<64x4096xi1> to vector<64x4096xi32>
    %reduce_sum3A_422 = arith.constant dense<0> : vector<64xi32>
    %reduce_sum3A_423 = vector.multi_reduction <add>, %convert_element_type3A_421, %reduce_sum3A_422 [1] : vector<64x4096xi32> to vector<64xi32>
    %broadcast_in_dim3A_424 = vector.shape_cast %reduce_sum3A_423 : vector<64xi32> to vector<64x1xi32>
    %ge3A_425 = arith.constant 64 : i32
    %ge3A_426 = vector.broadcast %ge3A_425 : i32 to vector<64x1xi32>
    %ge3A_427 = arith.cmpi sge, %broadcast_in_dim3A_424, %ge3A_426 : vector<64x1xi32>
    %select_n3A_428 = arith.select %ge3A_427, %add3A_418, %select_n3A_412 : vector<64x1xi1>, vector<64x1xi32>
    %select_n3A_429 = arith.select %ge3A_427, %select_n3A_413, %add3A_418 : vector<64x1xi1>, vector<64x1xi32>
    %sub3A_430 = arith.subi %select_n3A_428, %select_n3A_429 : vector<64x1xi32>
    %shift_right_arithmetic3A_431 = arith.constant 1 : i32
    %shift_right_arithmetic3A_432 = vector.broadcast %shift_right_arithmetic3A_431 : i32 to vector<64x1xi32>
    %shift_right_arithmetic3A_433 = arith.shrsi %sub3A_430, %shift_right_arithmetic3A_432 : vector<64x1xi32>
    %add3A_434 = arith.addi %select_n3A_429, %shift_right_arithmetic3A_433 : vector<64x1xi32>
    %le3A_435 = vector.broadcast %add3A_434 : vector<64x1xi32> to vector<64x4096xi32>
    %le3A_436 = arith.cmpi sle, %select_n3A, %le3A_435 : vector<64x4096xi32>
    %convert_element_type3A_437 = arith.extui %le3A_436 : vector<64x4096xi1> to vector<64x4096xi32>
    %reduce_sum3A_438 = arith.constant dense<0> : vector<64xi32>
    %reduce_sum3A_439 = vector.multi_reduction <add>, %convert_element_type3A_437, %reduce_sum3A_438 [1] : vector<64x4096xi32> to vector<64xi32>
    %broadcast_in_dim3A_440 = vector.shape_cast %reduce_sum3A_439 : vector<64xi32> to vector<64x1xi32>
    %ge3A_441 = arith.constant 64 : i32
    %ge3A_442 = vector.broadcast %ge3A_441 : i32 to vector<64x1xi32>
    %ge3A_443 = arith.cmpi sge, %broadcast_in_dim3A_440, %ge3A_442 : vector<64x1xi32>
    %select_n3A_444 = arith.select %ge3A_443, %add3A_434, %select_n3A_428 : vector<64x1xi1>, vector<64x1xi32>
    %select_n3A_445 = arith.select %ge3A_443, %select_n3A_429, %add3A_434 : vector<64x1xi1>, vector<64x1xi32>
    %sub3A_446 = arith.subi %select_n3A_444, %select_n3A_445 : vector<64x1xi32>
    %shift_right_arithmetic3A_447 = arith.constant 1 : i32
    %shift_right_arithmetic3A_448 = vector.broadcast %shift_right_arithmetic3A_447 : i32 to vector<64x1xi32>
    %shift_right_arithmetic3A_449 = arith.shrsi %sub3A_446, %shift_right_arithmetic3A_448 : vector<64x1xi32>
    %add3A_450 = arith.addi %select_n3A_445, %shift_right_arithmetic3A_449 : vector<64x1xi32>
    %le3A_451 = vector.broadcast %add3A_450 : vector<64x1xi32> to vector<64x4096xi32>
    %le3A_452 = arith.cmpi sle, %select_n3A, %le3A_451 : vector<64x4096xi32>
    %convert_element_type3A_453 = arith.extui %le3A_452 : vector<64x4096xi1> to vector<64x4096xi32>
    %reduce_sum3A_454 = arith.constant dense<0> : vector<64xi32>
    %reduce_sum3A_455 = vector.multi_reduction <add>, %convert_element_type3A_453, %reduce_sum3A_454 [1] : vector<64x4096xi32> to vector<64xi32>
    %broadcast_in_dim3A_456 = vector.shape_cast %reduce_sum3A_455 : vector<64xi32> to vector<64x1xi32>
    %ge3A_457 = arith.constant 64 : i32
    %ge3A_458 = vector.broadcast %ge3A_457 : i32 to vector<64x1xi32>
    %ge3A_459 = arith.cmpi sge, %broadcast_in_dim3A_456, %ge3A_458 : vector<64x1xi32>
    %select_n3A_460 = arith.select %ge3A_459, %add3A_450, %select_n3A_444 : vector<64x1xi1>, vector<64x1xi32>
    %select_n3A_461 = arith.select %ge3A_459, %select_n3A_445, %add3A_450 : vector<64x1xi1>, vector<64x1xi32>
    %sub3A_462 = arith.subi %select_n3A_460, %select_n3A_461 : vector<64x1xi32>
    %shift_right_arithmetic3A_463 = arith.constant 1 : i32
    %shift_right_arithmetic3A_464 = vector.broadcast %shift_right_arithmetic3A_463 : i32 to vector<64x1xi32>
    %shift_right_arithmetic3A_465 = arith.shrsi %sub3A_462, %shift_right_arithmetic3A_464 : vector<64x1xi32>
    %add3A_466 = arith.addi %select_n3A_461, %shift_right_arithmetic3A_465 : vector<64x1xi32>
    %le3A_467 = vector.broadcast %add3A_466 : vector<64x1xi32> to vector<64x4096xi32>
    %le3A_468 = arith.cmpi sle, %select_n3A, %le3A_467 : vector<64x4096xi32>
    %convert_element_type3A_469 = arith.extui %le3A_468 : vector<64x4096xi1> to vector<64x4096xi32>
    %reduce_sum3A_470 = arith.constant dense<0> : vector<64xi32>
    %reduce_sum3A_471 = vector.multi_reduction <add>, %convert_element_type3A_469, %reduce_sum3A_470 [1] : vector<64x4096xi32> to vector<64xi32>
    %broadcast_in_dim3A_472 = vector.shape_cast %reduce_sum3A_471 : vector<64xi32> to vector<64x1xi32>
    %ge3A_473 = arith.constant 64 : i32
    %ge3A_474 = vector.broadcast %ge3A_473 : i32 to vector<64x1xi32>
    %ge3A_475 = arith.cmpi sge, %broadcast_in_dim3A_472, %ge3A_474 : vector<64x1xi32>
    %select_n3A_476 = arith.select %ge3A_475, %add3A_466, %select_n3A_460 : vector<64x1xi1>, vector<64x1xi32>
    %select_n3A_477 = arith.select %ge3A_475, %select_n3A_461, %add3A_466 : vector<64x1xi1>, vector<64x1xi32>
    %sub3A_478 = arith.subi %select_n3A_476, %select_n3A_477 : vector<64x1xi32>
    %shift_right_arithmetic3A_479 = arith.constant 1 : i32
    %shift_right_arithmetic3A_480 = vector.broadcast %shift_right_arithmetic3A_479 : i32 to vector<64x1xi32>
    %shift_right_arithmetic3A_481 = arith.shrsi %sub3A_478, %shift_right_arithmetic3A_480 : vector<64x1xi32>
    %add3A_482 = arith.addi %select_n3A_477, %shift_right_arithmetic3A_481 : vector<64x1xi32>
    %le3A_483 = vector.broadcast %add3A_482 : vector<64x1xi32> to vector<64x4096xi32>
    %le3A_484 = arith.cmpi sle, %select_n3A, %le3A_483 : vector<64x4096xi32>
    %convert_element_type3A_485 = arith.extui %le3A_484 : vector<64x4096xi1> to vector<64x4096xi32>
    %reduce_sum3A_486 = arith.constant dense<0> : vector<64xi32>
    %reduce_sum3A_487 = vector.multi_reduction <add>, %convert_element_type3A_485, %reduce_sum3A_486 [1] : vector<64x4096xi32> to vector<64xi32>
    %broadcast_in_dim3A_488 = vector.shape_cast %reduce_sum3A_487 : vector<64xi32> to vector<64x1xi32>
    %ge3A_489 = arith.constant 64 : i32
    %ge3A_490 = vector.broadcast %ge3A_489 : i32 to vector<64x1xi32>
    %ge3A_491 = arith.cmpi sge, %broadcast_in_dim3A_488, %ge3A_490 : vector<64x1xi32>
    %select_n3A_492 = arith.select %ge3A_491, %add3A_482, %select_n3A_476 : vector<64x1xi1>, vector<64x1xi32>
    %select_n3A_493 = arith.select %ge3A_491, %select_n3A_477, %add3A_482 : vector<64x1xi1>, vector<64x1xi32>
    %sub3A_494 = arith.subi %select_n3A_492, %select_n3A_493 : vector<64x1xi32>
    %shift_right_arithmetic3A_495 = arith.constant 1 : i32
    %shift_right_arithmetic3A_496 = vector.broadcast %shift_right_arithmetic3A_495 : i32 to vector<64x1xi32>
    %shift_right_arithmetic3A_497 = arith.shrsi %sub3A_494, %shift_right_arithmetic3A_496 : vector<64x1xi32>
    %add3A_498 = arith.addi %select_n3A_493, %shift_right_arithmetic3A_497 : vector<64x1xi32>
    %le3A_499 = vector.broadcast %add3A_498 : vector<64x1xi32> to vector<64x4096xi32>
    %le3A_500 = arith.cmpi sle, %select_n3A, %le3A_499 : vector<64x4096xi32>
    %convert_element_type3A_501 = arith.extui %le3A_500 : vector<64x4096xi1> to vector<64x4096xi32>
    %reduce_sum3A_502 = arith.constant dense<0> : vector<64xi32>
    %reduce_sum3A_503 = vector.multi_reduction <add>, %convert_element_type3A_501, %reduce_sum3A_502 [1] : vector<64x4096xi32> to vector<64xi32>
    %broadcast_in_dim3A_504 = vector.shape_cast %reduce_sum3A_503 : vector<64xi32> to vector<64x1xi32>
    %ge3A_505 = arith.constant 64 : i32
    %ge3A_506 = vector.broadcast %ge3A_505 : i32 to vector<64x1xi32>
    %ge3A_507 = arith.cmpi sge, %broadcast_in_dim3A_504, %ge3A_506 : vector<64x1xi32>
    %select_n3A_508 = arith.select %ge3A_507, %add3A_498, %select_n3A_492 : vector<64x1xi1>, vector<64x1xi32>
    %select_n3A_509 = arith.select %ge3A_507, %select_n3A_493, %add3A_498 : vector<64x1xi1>, vector<64x1xi32>
    %sub3A_510 = arith.subi %select_n3A_508, %select_n3A_509 : vector<64x1xi32>
    %shift_right_arithmetic3A_511 = arith.constant 1 : i32
    %shift_right_arithmetic3A_512 = vector.broadcast %shift_right_arithmetic3A_511 : i32 to vector<64x1xi32>
    %shift_right_arithmetic3A_513 = arith.shrsi %sub3A_510, %shift_right_arithmetic3A_512 : vector<64x1xi32>
    %add3A_514 = arith.addi %select_n3A_509, %shift_right_arithmetic3A_513 : vector<64x1xi32>
    %le3A_515 = vector.broadcast %add3A_514 : vector<64x1xi32> to vector<64x4096xi32>
    %le3A_516 = arith.cmpi sle, %select_n3A, %le3A_515 : vector<64x4096xi32>
    %convert_element_type3A_517 = arith.extui %le3A_516 : vector<64x4096xi1> to vector<64x4096xi32>
    %reduce_sum3A_518 = arith.constant dense<0> : vector<64xi32>
    %reduce_sum3A_519 = vector.multi_reduction <add>, %convert_element_type3A_517, %reduce_sum3A_518 [1] : vector<64x4096xi32> to vector<64xi32>
    %broadcast_in_dim3A_520 = vector.shape_cast %reduce_sum3A_519 : vector<64xi32> to vector<64x1xi32>
    %ge3A_521 = arith.constant 64 : i32
    %ge3A_522 = vector.broadcast %ge3A_521 : i32 to vector<64x1xi32>
    %ge3A_523 = arith.cmpi sge, %broadcast_in_dim3A_520, %ge3A_522 : vector<64x1xi32>
    %select_n3A_524 = arith.select %ge3A_523, %add3A_514, %select_n3A_508 : vector<64x1xi1>, vector<64x1xi32>
    %select_n3A_525 = arith.select %ge3A_523, %select_n3A_509, %add3A_514 : vector<64x1xi1>, vector<64x1xi32>
    %sub3A_526 = arith.subi %select_n3A_524, %select_n3A_525 : vector<64x1xi32>
    %shift_right_arithmetic3A_527 = arith.constant 1 : i32
    %shift_right_arithmetic3A_528 = vector.broadcast %shift_right_arithmetic3A_527 : i32 to vector<64x1xi32>
    %shift_right_arithmetic3A_529 = arith.shrsi %sub3A_526, %shift_right_arithmetic3A_528 : vector<64x1xi32>
    %add3A_530 = arith.addi %select_n3A_525, %shift_right_arithmetic3A_529 : vector<64x1xi32>
    %le3A_531 = vector.broadcast %add3A_530 : vector<64x1xi32> to vector<64x4096xi32>
    %le3A_532 = arith.cmpi sle, %select_n3A, %le3A_531 : vector<64x4096xi32>
    %convert_element_type3A_533 = arith.extui %le3A_532 : vector<64x4096xi1> to vector<64x4096xi32>
    %reduce_sum3A_534 = arith.constant dense<0> : vector<64xi32>
    %reduce_sum3A_535 = vector.multi_reduction <add>, %convert_element_type3A_533, %reduce_sum3A_534 [1] : vector<64x4096xi32> to vector<64xi32>
    %broadcast_in_dim3A_536 = vector.shape_cast %reduce_sum3A_535 : vector<64xi32> to vector<64x1xi32>
    %ge3A_537 = arith.constant 64 : i32
    %ge3A_538 = vector.broadcast %ge3A_537 : i32 to vector<64x1xi32>
    %ge3A_539 = arith.cmpi sge, %broadcast_in_dim3A_536, %ge3A_538 : vector<64x1xi32>
    %select_n3A_540 = arith.select %ge3A_539, %add3A_530, %select_n3A_524 : vector<64x1xi1>, vector<64x1xi32>
    %select_n3A_541 = arith.select %ge3A_539, %select_n3A_525, %add3A_530 : vector<64x1xi1>, vector<64x1xi32>
    %sub3A_542 = arith.subi %select_n3A_540, %select_n3A_541 : vector<64x1xi32>
    %shift_right_arithmetic3A_543 = arith.constant 1 : i32
    %shift_right_arithmetic3A_544 = vector.broadcast %shift_right_arithmetic3A_543 : i32 to vector<64x1xi32>
    %shift_right_arithmetic3A_545 = arith.shrsi %sub3A_542, %shift_right_arithmetic3A_544 : vector<64x1xi32>
    %add3A_546 = arith.addi %select_n3A_541, %shift_right_arithmetic3A_545 : vector<64x1xi32>
    %le3A_547 = vector.broadcast %add3A_546 : vector<64x1xi32> to vector<64x4096xi32>
    %le3A_548 = arith.cmpi sle, %select_n3A, %le3A_547 : vector<64x4096xi32>
    %convert_element_type3A_549 = arith.extui %le3A_548 : vector<64x4096xi1> to vector<64x4096xi32>
    %reduce_sum3A_550 = arith.constant dense<0> : vector<64xi32>
    %reduce_sum3A_551 = vector.multi_reduction <add>, %convert_element_type3A_549, %reduce_sum3A_550 [1] : vector<64x4096xi32> to vector<64xi32>
    %broadcast_in_dim3A_552 = vector.shape_cast %reduce_sum3A_551 : vector<64xi32> to vector<64x1xi32>
    %ge3A_553 = arith.constant 64 : i32
    %ge3A_554 = vector.broadcast %ge3A_553 : i32 to vector<64x1xi32>
    %ge3A_555 = arith.cmpi sge, %broadcast_in_dim3A_552, %ge3A_554 : vector<64x1xi32>
    %select_n3A_556 = arith.select %ge3A_555, %add3A_546, %select_n3A_540 : vector<64x1xi1>, vector<64x1xi32>
    %select_n3A_557 = arith.select %ge3A_555, %select_n3A_541, %add3A_546 : vector<64x1xi1>, vector<64x1xi32>
    %sub3A_558 = arith.subi %select_n3A_556, %select_n3A_557 : vector<64x1xi32>
    %shift_right_arithmetic3A_559 = arith.constant 1 : i32
    %shift_right_arithmetic3A_560 = vector.broadcast %shift_right_arithmetic3A_559 : i32 to vector<64x1xi32>
    %shift_right_arithmetic3A_561 = arith.shrsi %sub3A_558, %shift_right_arithmetic3A_560 : vector<64x1xi32>
    %add3A_562 = arith.addi %select_n3A_557, %shift_right_arithmetic3A_561 : vector<64x1xi32>
    %le3A_563 = vector.broadcast %add3A_562 : vector<64x1xi32> to vector<64x4096xi32>
    %le3A_564 = arith.cmpi sle, %select_n3A, %le3A_563 : vector<64x4096xi32>
    %convert_element_type3A_565 = arith.extui %le3A_564 : vector<64x4096xi1> to vector<64x4096xi32>
    %reduce_sum3A_566 = arith.constant dense<0> : vector<64xi32>
    %reduce_sum3A_567 = vector.multi_reduction <add>, %convert_element_type3A_565, %reduce_sum3A_566 [1] : vector<64x4096xi32> to vector<64xi32>
    %broadcast_in_dim3A_568 = vector.shape_cast %reduce_sum3A_567 : vector<64xi32> to vector<64x1xi32>
    %ge3A_569 = arith.constant 64 : i32
    %ge3A_570 = vector.broadcast %ge3A_569 : i32 to vector<64x1xi32>
    %ge3A_571 = arith.cmpi sge, %broadcast_in_dim3A_568, %ge3A_570 : vector<64x1xi32>
    %select_n3A_572 = arith.select %ge3A_571, %add3A_562, %select_n3A_556 : vector<64x1xi1>, vector<64x1xi32>
    %select_n3A_573 = arith.select %ge3A_571, %select_n3A_557, %add3A_562 : vector<64x1xi1>, vector<64x1xi32>
    %sub3A_574 = arith.subi %select_n3A_572, %select_n3A_573 : vector<64x1xi32>
    %shift_right_arithmetic3A_575 = arith.constant 1 : i32
    %shift_right_arithmetic3A_576 = vector.broadcast %shift_right_arithmetic3A_575 : i32 to vector<64x1xi32>
    %shift_right_arithmetic3A_577 = arith.shrsi %sub3A_574, %shift_right_arithmetic3A_576 : vector<64x1xi32>
    %add3A_578 = arith.addi %select_n3A_573, %shift_right_arithmetic3A_577 : vector<64x1xi32>
    %le3A_579 = vector.broadcast %add3A_578 : vector<64x1xi32> to vector<64x4096xi32>
    %le3A_580 = arith.cmpi sle, %select_n3A, %le3A_579 : vector<64x4096xi32>
    %convert_element_type3A_581 = arith.extui %le3A_580 : vector<64x4096xi1> to vector<64x4096xi32>
    %reduce_sum3A_582 = arith.constant dense<0> : vector<64xi32>
    %reduce_sum3A_583 = vector.multi_reduction <add>, %convert_element_type3A_581, %reduce_sum3A_582 [1] : vector<64x4096xi32> to vector<64xi32>
    %broadcast_in_dim3A_584 = vector.shape_cast %reduce_sum3A_583 : vector<64xi32> to vector<64x1xi32>
    %ge3A_585 = arith.constant 64 : i32
    %ge3A_586 = vector.broadcast %ge3A_585 : i32 to vector<64x1xi32>
    %ge3A_587 = arith.cmpi sge, %broadcast_in_dim3A_584, %ge3A_586 : vector<64x1xi32>
    %select_n3A_588 = arith.select %ge3A_587, %add3A_578, %select_n3A_572 : vector<64x1xi1>, vector<64x1xi32>
    %select_n3A_589 = arith.select %ge3A_587, %select_n3A_573, %add3A_578 : vector<64x1xi1>, vector<64x1xi32>
    %sub3A_590 = arith.subi %select_n3A_588, %select_n3A_589 : vector<64x1xi32>
    %shift_right_arithmetic3A_591 = arith.constant 1 : i32
    %shift_right_arithmetic3A_592 = vector.broadcast %shift_right_arithmetic3A_591 : i32 to vector<64x1xi32>
    %shift_right_arithmetic3A_593 = arith.shrsi %sub3A_590, %shift_right_arithmetic3A_592 : vector<64x1xi32>
    %add3A_594 = arith.addi %select_n3A_589, %shift_right_arithmetic3A_593 : vector<64x1xi32>
    %le3A_595 = vector.broadcast %add3A_594 : vector<64x1xi32> to vector<64x4096xi32>
    %le3A_596 = arith.cmpi sle, %select_n3A, %le3A_595 : vector<64x4096xi32>
    %convert_element_type3A_597 = arith.extui %le3A_596 : vector<64x4096xi1> to vector<64x4096xi32>
    %reduce_sum3A_598 = arith.constant dense<0> : vector<64xi32>
    %reduce_sum3A_599 = vector.multi_reduction <add>, %convert_element_type3A_597, %reduce_sum3A_598 [1] : vector<64x4096xi32> to vector<64xi32>
    %broadcast_in_dim3A_600 = vector.shape_cast %reduce_sum3A_599 : vector<64xi32> to vector<64x1xi32>
    %ge3A_601 = arith.constant 64 : i32
    %ge3A_602 = vector.broadcast %ge3A_601 : i32 to vector<64x1xi32>
    %ge3A_603 = arith.cmpi sge, %broadcast_in_dim3A_600, %ge3A_602 : vector<64x1xi32>
    %select_n3A_604 = arith.select %ge3A_603, %add3A_594, %select_n3A_588 : vector<64x1xi1>, vector<64x1xi32>
    %select_n3A_605 = arith.select %ge3A_603, %select_n3A_589, %add3A_594 : vector<64x1xi1>, vector<64x1xi32>
    %sub3A_606 = arith.subi %select_n3A_604, %select_n3A_605 : vector<64x1xi32>
    %shift_right_arithmetic3A_607 = arith.constant 1 : i32
    %shift_right_arithmetic3A_608 = vector.broadcast %shift_right_arithmetic3A_607 : i32 to vector<64x1xi32>
    %shift_right_arithmetic3A_609 = arith.shrsi %sub3A_606, %shift_right_arithmetic3A_608 : vector<64x1xi32>
    %add3A_610 = arith.addi %select_n3A_605, %shift_right_arithmetic3A_609 : vector<64x1xi32>
    %le3A_611 = vector.broadcast %add3A_610 : vector<64x1xi32> to vector<64x4096xi32>
    %le3A_612 = arith.cmpi sle, %select_n3A, %le3A_611 : vector<64x4096xi32>
    %convert_element_type3A_613 = arith.extui %le3A_612 : vector<64x4096xi1> to vector<64x4096xi32>
    %reduce_sum3A_614 = arith.constant dense<0> : vector<64xi32>
    %reduce_sum3A_615 = vector.multi_reduction <add>, %convert_element_type3A_613, %reduce_sum3A_614 [1] : vector<64x4096xi32> to vector<64xi32>
    %broadcast_in_dim3A_616 = vector.shape_cast %reduce_sum3A_615 : vector<64xi32> to vector<64x1xi32>
    %ge3A_617 = arith.constant 64 : i32
    %ge3A_618 = vector.broadcast %ge3A_617 : i32 to vector<64x1xi32>
    %ge3A_619 = arith.cmpi sge, %broadcast_in_dim3A_616, %ge3A_618 : vector<64x1xi32>
    %select_n3A_620 = arith.select %ge3A_619, %add3A_610, %select_n3A_604 : vector<64x1xi1>, vector<64x1xi32>
    %lt3A_621 = vector.broadcast %select_n3A_620 : vector<64x1xi32> to vector<64x4096xi32>
    %lt3A_622 = arith.cmpi slt, %select_n3A, %lt3A_621 : vector<64x4096xi32>
    %eq3A_623 = vector.broadcast %select_n3A_620 : vector<64x1xi32> to vector<64x4096xi32>
    %eq3A_624 = arith.cmpi eq, %select_n3A, %eq3A_623 : vector<64x4096xi32>
    %convert_element_type3A_625 = arith.extui %lt3A_622 : vector<64x4096xi1> to vector<64x4096xi32>
    %reduce_sum3A_626 = arith.constant dense<0> : vector<64xi32>
    %reduce_sum3A_627 = vector.multi_reduction <add>, %convert_element_type3A_625, %reduce_sum3A_626 [1] : vector<64x4096xi32> to vector<64xi32>
    %broadcast_in_dim3A_628 = vector.shape_cast %reduce_sum3A_627 : vector<64xi32> to vector<64x1xi32>
    %broadcast_in_dim3A_629 = arith.constant -1 : i32
    %broadcast_in_dim3A_630 = vector.broadcast %broadcast_in_dim3A_629 : i32 to vector<64x1xi32>
    %broadcast_in_dim3A_631 = arith.constant 4095 : i32
    %broadcast_in_dim3A_632 = vector.broadcast %broadcast_in_dim3A_631 : i32 to vector<64x1xi32>
    %sub3A_633 = arith.subi %broadcast_in_dim3A_632, %broadcast_in_dim3A_630 : vector<64x1xi32>
    %shift_right_arithmetic3A_634 = arith.constant 1 : i32
    %shift_right_arithmetic3A_635 = vector.broadcast %shift_right_arithmetic3A_634 : i32 to vector<64x1xi32>
    %shift_right_arithmetic3A_636 = arith.shrsi %sub3A_633, %shift_right_arithmetic3A_635 : vector<64x1xi32>
    %add3A_637 = arith.addi %broadcast_in_dim3A_630, %shift_right_arithmetic3A_636 : vector<64x1xi32>
    %le3A_638 = vector.broadcast %add3A_637 : vector<64x1xi32> to vector<64x4096xi32>
    %le3A_639 = arith.cmpi sle, %iota3A_124, %le3A_638 : vector<64x4096xi32>
    %and3A = arith.andi %eq3A_624, %le3A_639 : vector<64x4096xi1>
    %convert_element_type3A_640 = arith.extui %and3A : vector<64x4096xi1> to vector<64x4096xi32>
    %reduce_sum3A_641 = arith.constant dense<0> : vector<64xi32>
    %reduce_sum3A_642 = vector.multi_reduction <add>, %convert_element_type3A_640, %reduce_sum3A_641 [1] : vector<64x4096xi32> to vector<64xi32>
    %broadcast_in_dim3A_643 = vector.shape_cast %reduce_sum3A_642 : vector<64xi32> to vector<64x1xi32>
    %add3A_644 = arith.addi %broadcast_in_dim3A_628, %broadcast_in_dim3A_643 : vector<64x1xi32>
    %ge3A_645 = arith.constant 64 : i32
    %ge3A_646 = vector.broadcast %ge3A_645 : i32 to vector<64x1xi32>
    %ge3A_647 = arith.cmpi sge, %add3A_644, %ge3A_646 : vector<64x1xi32>
    %select_n3A_648 = arith.select %ge3A_647, %add3A_637, %broadcast_in_dim3A_632 : vector<64x1xi1>, vector<64x1xi32>
    %select_n3A_649 = arith.select %ge3A_647, %broadcast_in_dim3A_630, %add3A_637 : vector<64x1xi1>, vector<64x1xi32>
    %sub3A_650 = arith.subi %select_n3A_648, %select_n3A_649 : vector<64x1xi32>
    %shift_right_arithmetic3A_651 = arith.constant 1 : i32
    %shift_right_arithmetic3A_652 = vector.broadcast %shift_right_arithmetic3A_651 : i32 to vector<64x1xi32>
    %shift_right_arithmetic3A_653 = arith.shrsi %sub3A_650, %shift_right_arithmetic3A_652 : vector<64x1xi32>
    %add3A_654 = arith.addi %select_n3A_649, %shift_right_arithmetic3A_653 : vector<64x1xi32>
    %le3A_655 = vector.broadcast %add3A_654 : vector<64x1xi32> to vector<64x4096xi32>
    %le3A_656 = arith.cmpi sle, %iota3A_124, %le3A_655 : vector<64x4096xi32>
    %and3A_657 = arith.andi %eq3A_624, %le3A_656 : vector<64x4096xi1>
    %convert_element_type3A_658 = arith.extui %and3A_657 : vector<64x4096xi1> to vector<64x4096xi32>
    %reduce_sum3A_659 = arith.constant dense<0> : vector<64xi32>
    %reduce_sum3A_660 = vector.multi_reduction <add>, %convert_element_type3A_658, %reduce_sum3A_659 [1] : vector<64x4096xi32> to vector<64xi32>
    %broadcast_in_dim3A_661 = vector.shape_cast %reduce_sum3A_660 : vector<64xi32> to vector<64x1xi32>
    %add3A_662 = arith.addi %broadcast_in_dim3A_628, %broadcast_in_dim3A_661 : vector<64x1xi32>
    %ge3A_663 = arith.constant 64 : i32
    %ge3A_664 = vector.broadcast %ge3A_663 : i32 to vector<64x1xi32>
    %ge3A_665 = arith.cmpi sge, %add3A_662, %ge3A_664 : vector<64x1xi32>
    %select_n3A_666 = arith.select %ge3A_665, %add3A_654, %select_n3A_648 : vector<64x1xi1>, vector<64x1xi32>
    %select_n3A_667 = arith.select %ge3A_665, %select_n3A_649, %add3A_654 : vector<64x1xi1>, vector<64x1xi32>
    %sub3A_668 = arith.subi %select_n3A_666, %select_n3A_667 : vector<64x1xi32>
    %shift_right_arithmetic3A_669 = arith.constant 1 : i32
    %shift_right_arithmetic3A_670 = vector.broadcast %shift_right_arithmetic3A_669 : i32 to vector<64x1xi32>
    %shift_right_arithmetic3A_671 = arith.shrsi %sub3A_668, %shift_right_arithmetic3A_670 : vector<64x1xi32>
    %add3A_672 = arith.addi %select_n3A_667, %shift_right_arithmetic3A_671 : vector<64x1xi32>
    %le3A_673 = vector.broadcast %add3A_672 : vector<64x1xi32> to vector<64x4096xi32>
    %le3A_674 = arith.cmpi sle, %iota3A_124, %le3A_673 : vector<64x4096xi32>
    %and3A_675 = arith.andi %eq3A_624, %le3A_674 : vector<64x4096xi1>
    %convert_element_type3A_676 = arith.extui %and3A_675 : vector<64x4096xi1> to vector<64x4096xi32>
    %reduce_sum3A_677 = arith.constant dense<0> : vector<64xi32>
    %reduce_sum3A_678 = vector.multi_reduction <add>, %convert_element_type3A_676, %reduce_sum3A_677 [1] : vector<64x4096xi32> to vector<64xi32>
    %broadcast_in_dim3A_679 = vector.shape_cast %reduce_sum3A_678 : vector<64xi32> to vector<64x1xi32>
    %add3A_680 = arith.addi %broadcast_in_dim3A_628, %broadcast_in_dim3A_679 : vector<64x1xi32>
    %ge3A_681 = arith.constant 64 : i32
    %ge3A_682 = vector.broadcast %ge3A_681 : i32 to vector<64x1xi32>
    %ge3A_683 = arith.cmpi sge, %add3A_680, %ge3A_682 : vector<64x1xi32>
    %select_n3A_684 = arith.select %ge3A_683, %add3A_672, %select_n3A_666 : vector<64x1xi1>, vector<64x1xi32>
    %select_n3A_685 = arith.select %ge3A_683, %select_n3A_667, %add3A_672 : vector<64x1xi1>, vector<64x1xi32>
    %sub3A_686 = arith.subi %select_n3A_684, %select_n3A_685 : vector<64x1xi32>
    %shift_right_arithmetic3A_687 = arith.constant 1 : i32
    %shift_right_arithmetic3A_688 = vector.broadcast %shift_right_arithmetic3A_687 : i32 to vector<64x1xi32>
    %shift_right_arithmetic3A_689 = arith.shrsi %sub3A_686, %shift_right_arithmetic3A_688 : vector<64x1xi32>
    %add3A_690 = arith.addi %select_n3A_685, %shift_right_arithmetic3A_689 : vector<64x1xi32>
    %le3A_691 = vector.broadcast %add3A_690 : vector<64x1xi32> to vector<64x4096xi32>
    %le3A_692 = arith.cmpi sle, %iota3A_124, %le3A_691 : vector<64x4096xi32>
    %and3A_693 = arith.andi %eq3A_624, %le3A_692 : vector<64x4096xi1>
    %convert_element_type3A_694 = arith.extui %and3A_693 : vector<64x4096xi1> to vector<64x4096xi32>
    %reduce_sum3A_695 = arith.constant dense<0> : vector<64xi32>
    %reduce_sum3A_696 = vector.multi_reduction <add>, %convert_element_type3A_694, %reduce_sum3A_695 [1] : vector<64x4096xi32> to vector<64xi32>
    %broadcast_in_dim3A_697 = vector.shape_cast %reduce_sum3A_696 : vector<64xi32> to vector<64x1xi32>
    %add3A_698 = arith.addi %broadcast_in_dim3A_628, %broadcast_in_dim3A_697 : vector<64x1xi32>
    %ge3A_699 = arith.constant 64 : i32
    %ge3A_700 = vector.broadcast %ge3A_699 : i32 to vector<64x1xi32>
    %ge3A_701 = arith.cmpi sge, %add3A_698, %ge3A_700 : vector<64x1xi32>
    %select_n3A_702 = arith.select %ge3A_701, %add3A_690, %select_n3A_684 : vector<64x1xi1>, vector<64x1xi32>
    %select_n3A_703 = arith.select %ge3A_701, %select_n3A_685, %add3A_690 : vector<64x1xi1>, vector<64x1xi32>
    %sub3A_704 = arith.subi %select_n3A_702, %select_n3A_703 : vector<64x1xi32>
    %shift_right_arithmetic3A_705 = arith.constant 1 : i32
    %shift_right_arithmetic3A_706 = vector.broadcast %shift_right_arithmetic3A_705 : i32 to vector<64x1xi32>
    %shift_right_arithmetic3A_707 = arith.shrsi %sub3A_704, %shift_right_arithmetic3A_706 : vector<64x1xi32>
    %add3A_708 = arith.addi %select_n3A_703, %shift_right_arithmetic3A_707 : vector<64x1xi32>
    %le3A_709 = vector.broadcast %add3A_708 : vector<64x1xi32> to vector<64x4096xi32>
    %le3A_710 = arith.cmpi sle, %iota3A_124, %le3A_709 : vector<64x4096xi32>
    %and3A_711 = arith.andi %eq3A_624, %le3A_710 : vector<64x4096xi1>
    %convert_element_type3A_712 = arith.extui %and3A_711 : vector<64x4096xi1> to vector<64x4096xi32>
    %reduce_sum3A_713 = arith.constant dense<0> : vector<64xi32>
    %reduce_sum3A_714 = vector.multi_reduction <add>, %convert_element_type3A_712, %reduce_sum3A_713 [1] : vector<64x4096xi32> to vector<64xi32>
    %broadcast_in_dim3A_715 = vector.shape_cast %reduce_sum3A_714 : vector<64xi32> to vector<64x1xi32>
    %add3A_716 = arith.addi %broadcast_in_dim3A_628, %broadcast_in_dim3A_715 : vector<64x1xi32>
    %ge3A_717 = arith.constant 64 : i32
    %ge3A_718 = vector.broadcast %ge3A_717 : i32 to vector<64x1xi32>
    %ge3A_719 = arith.cmpi sge, %add3A_716, %ge3A_718 : vector<64x1xi32>
    %select_n3A_720 = arith.select %ge3A_719, %add3A_708, %select_n3A_702 : vector<64x1xi1>, vector<64x1xi32>
    %select_n3A_721 = arith.select %ge3A_719, %select_n3A_703, %add3A_708 : vector<64x1xi1>, vector<64x1xi32>
    %sub3A_722 = arith.subi %select_n3A_720, %select_n3A_721 : vector<64x1xi32>
    %shift_right_arithmetic3A_723 = arith.constant 1 : i32
    %shift_right_arithmetic3A_724 = vector.broadcast %shift_right_arithmetic3A_723 : i32 to vector<64x1xi32>
    %shift_right_arithmetic3A_725 = arith.shrsi %sub3A_722, %shift_right_arithmetic3A_724 : vector<64x1xi32>
    %add3A_726 = arith.addi %select_n3A_721, %shift_right_arithmetic3A_725 : vector<64x1xi32>
    %le3A_727 = vector.broadcast %add3A_726 : vector<64x1xi32> to vector<64x4096xi32>
    %le3A_728 = arith.cmpi sle, %iota3A_124, %le3A_727 : vector<64x4096xi32>
    %and3A_729 = arith.andi %eq3A_624, %le3A_728 : vector<64x4096xi1>
    %convert_element_type3A_730 = arith.extui %and3A_729 : vector<64x4096xi1> to vector<64x4096xi32>
    %reduce_sum3A_731 = arith.constant dense<0> : vector<64xi32>
    %reduce_sum3A_732 = vector.multi_reduction <add>, %convert_element_type3A_730, %reduce_sum3A_731 [1] : vector<64x4096xi32> to vector<64xi32>
    %broadcast_in_dim3A_733 = vector.shape_cast %reduce_sum3A_732 : vector<64xi32> to vector<64x1xi32>
    %add3A_734 = arith.addi %broadcast_in_dim3A_628, %broadcast_in_dim3A_733 : vector<64x1xi32>
    %ge3A_735 = arith.constant 64 : i32
    %ge3A_736 = vector.broadcast %ge3A_735 : i32 to vector<64x1xi32>
    %ge3A_737 = arith.cmpi sge, %add3A_734, %ge3A_736 : vector<64x1xi32>
    %select_n3A_738 = arith.select %ge3A_737, %add3A_726, %select_n3A_720 : vector<64x1xi1>, vector<64x1xi32>
    %select_n3A_739 = arith.select %ge3A_737, %select_n3A_721, %add3A_726 : vector<64x1xi1>, vector<64x1xi32>
    %sub3A_740 = arith.subi %select_n3A_738, %select_n3A_739 : vector<64x1xi32>
    %shift_right_arithmetic3A_741 = arith.constant 1 : i32
    %shift_right_arithmetic3A_742 = vector.broadcast %shift_right_arithmetic3A_741 : i32 to vector<64x1xi32>
    %shift_right_arithmetic3A_743 = arith.shrsi %sub3A_740, %shift_right_arithmetic3A_742 : vector<64x1xi32>
    %add3A_744 = arith.addi %select_n3A_739, %shift_right_arithmetic3A_743 : vector<64x1xi32>
    %le3A_745 = vector.broadcast %add3A_744 : vector<64x1xi32> to vector<64x4096xi32>
    %le3A_746 = arith.cmpi sle, %iota3A_124, %le3A_745 : vector<64x4096xi32>
    %and3A_747 = arith.andi %eq3A_624, %le3A_746 : vector<64x4096xi1>
    %convert_element_type3A_748 = arith.extui %and3A_747 : vector<64x4096xi1> to vector<64x4096xi32>
    %reduce_sum3A_749 = arith.constant dense<0> : vector<64xi32>
    %reduce_sum3A_750 = vector.multi_reduction <add>, %convert_element_type3A_748, %reduce_sum3A_749 [1] : vector<64x4096xi32> to vector<64xi32>
    %broadcast_in_dim3A_751 = vector.shape_cast %reduce_sum3A_750 : vector<64xi32> to vector<64x1xi32>
    %add3A_752 = arith.addi %broadcast_in_dim3A_628, %broadcast_in_dim3A_751 : vector<64x1xi32>
    %ge3A_753 = arith.constant 64 : i32
    %ge3A_754 = vector.broadcast %ge3A_753 : i32 to vector<64x1xi32>
    %ge3A_755 = arith.cmpi sge, %add3A_752, %ge3A_754 : vector<64x1xi32>
    %select_n3A_756 = arith.select %ge3A_755, %add3A_744, %select_n3A_738 : vector<64x1xi1>, vector<64x1xi32>
    %select_n3A_757 = arith.select %ge3A_755, %select_n3A_739, %add3A_744 : vector<64x1xi1>, vector<64x1xi32>
    %sub3A_758 = arith.subi %select_n3A_756, %select_n3A_757 : vector<64x1xi32>
    %shift_right_arithmetic3A_759 = arith.constant 1 : i32
    %shift_right_arithmetic3A_760 = vector.broadcast %shift_right_arithmetic3A_759 : i32 to vector<64x1xi32>
    %shift_right_arithmetic3A_761 = arith.shrsi %sub3A_758, %shift_right_arithmetic3A_760 : vector<64x1xi32>
    %add3A_762 = arith.addi %select_n3A_757, %shift_right_arithmetic3A_761 : vector<64x1xi32>
    %le3A_763 = vector.broadcast %add3A_762 : vector<64x1xi32> to vector<64x4096xi32>
    %le3A_764 = arith.cmpi sle, %iota3A_124, %le3A_763 : vector<64x4096xi32>
    %and3A_765 = arith.andi %eq3A_624, %le3A_764 : vector<64x4096xi1>
    %convert_element_type3A_766 = arith.extui %and3A_765 : vector<64x4096xi1> to vector<64x4096xi32>
    %reduce_sum3A_767 = arith.constant dense<0> : vector<64xi32>
    %reduce_sum3A_768 = vector.multi_reduction <add>, %convert_element_type3A_766, %reduce_sum3A_767 [1] : vector<64x4096xi32> to vector<64xi32>
    %broadcast_in_dim3A_769 = vector.shape_cast %reduce_sum3A_768 : vector<64xi32> to vector<64x1xi32>
    %add3A_770 = arith.addi %broadcast_in_dim3A_628, %broadcast_in_dim3A_769 : vector<64x1xi32>
    %ge3A_771 = arith.constant 64 : i32
    %ge3A_772 = vector.broadcast %ge3A_771 : i32 to vector<64x1xi32>
    %ge3A_773 = arith.cmpi sge, %add3A_770, %ge3A_772 : vector<64x1xi32>
    %select_n3A_774 = arith.select %ge3A_773, %add3A_762, %select_n3A_756 : vector<64x1xi1>, vector<64x1xi32>
    %select_n3A_775 = arith.select %ge3A_773, %select_n3A_757, %add3A_762 : vector<64x1xi1>, vector<64x1xi32>
    %sub3A_776 = arith.subi %select_n3A_774, %select_n3A_775 : vector<64x1xi32>
    %shift_right_arithmetic3A_777 = arith.constant 1 : i32
    %shift_right_arithmetic3A_778 = vector.broadcast %shift_right_arithmetic3A_777 : i32 to vector<64x1xi32>
    %shift_right_arithmetic3A_779 = arith.shrsi %sub3A_776, %shift_right_arithmetic3A_778 : vector<64x1xi32>
    %add3A_780 = arith.addi %select_n3A_775, %shift_right_arithmetic3A_779 : vector<64x1xi32>
    %le3A_781 = vector.broadcast %add3A_780 : vector<64x1xi32> to vector<64x4096xi32>
    %le3A_782 = arith.cmpi sle, %iota3A_124, %le3A_781 : vector<64x4096xi32>
    %and3A_783 = arith.andi %eq3A_624, %le3A_782 : vector<64x4096xi1>
    %convert_element_type3A_784 = arith.extui %and3A_783 : vector<64x4096xi1> to vector<64x4096xi32>
    %reduce_sum3A_785 = arith.constant dense<0> : vector<64xi32>
    %reduce_sum3A_786 = vector.multi_reduction <add>, %convert_element_type3A_784, %reduce_sum3A_785 [1] : vector<64x4096xi32> to vector<64xi32>
    %broadcast_in_dim3A_787 = vector.shape_cast %reduce_sum3A_786 : vector<64xi32> to vector<64x1xi32>
    %add3A_788 = arith.addi %broadcast_in_dim3A_628, %broadcast_in_dim3A_787 : vector<64x1xi32>
    %ge3A_789 = arith.constant 64 : i32
    %ge3A_790 = vector.broadcast %ge3A_789 : i32 to vector<64x1xi32>
    %ge3A_791 = arith.cmpi sge, %add3A_788, %ge3A_790 : vector<64x1xi32>
    %select_n3A_792 = arith.select %ge3A_791, %add3A_780, %select_n3A_774 : vector<64x1xi1>, vector<64x1xi32>
    %select_n3A_793 = arith.select %ge3A_791, %select_n3A_775, %add3A_780 : vector<64x1xi1>, vector<64x1xi32>
    %sub3A_794 = arith.subi %select_n3A_792, %select_n3A_793 : vector<64x1xi32>
    %shift_right_arithmetic3A_795 = arith.constant 1 : i32
    %shift_right_arithmetic3A_796 = vector.broadcast %shift_right_arithmetic3A_795 : i32 to vector<64x1xi32>
    %shift_right_arithmetic3A_797 = arith.shrsi %sub3A_794, %shift_right_arithmetic3A_796 : vector<64x1xi32>
    %add3A_798 = arith.addi %select_n3A_793, %shift_right_arithmetic3A_797 : vector<64x1xi32>
    %le3A_799 = vector.broadcast %add3A_798 : vector<64x1xi32> to vector<64x4096xi32>
    %le3A_800 = arith.cmpi sle, %iota3A_124, %le3A_799 : vector<64x4096xi32>
    %and3A_801 = arith.andi %eq3A_624, %le3A_800 : vector<64x4096xi1>
    %convert_element_type3A_802 = arith.extui %and3A_801 : vector<64x4096xi1> to vector<64x4096xi32>
    %reduce_sum3A_803 = arith.constant dense<0> : vector<64xi32>
    %reduce_sum3A_804 = vector.multi_reduction <add>, %convert_element_type3A_802, %reduce_sum3A_803 [1] : vector<64x4096xi32> to vector<64xi32>
    %broadcast_in_dim3A_805 = vector.shape_cast %reduce_sum3A_804 : vector<64xi32> to vector<64x1xi32>
    %add3A_806 = arith.addi %broadcast_in_dim3A_628, %broadcast_in_dim3A_805 : vector<64x1xi32>
    %ge3A_807 = arith.constant 64 : i32
    %ge3A_808 = vector.broadcast %ge3A_807 : i32 to vector<64x1xi32>
    %ge3A_809 = arith.cmpi sge, %add3A_806, %ge3A_808 : vector<64x1xi32>
    %select_n3A_810 = arith.select %ge3A_809, %add3A_798, %select_n3A_792 : vector<64x1xi1>, vector<64x1xi32>
    %select_n3A_811 = arith.select %ge3A_809, %select_n3A_793, %add3A_798 : vector<64x1xi1>, vector<64x1xi32>
    %sub3A_812 = arith.subi %select_n3A_810, %select_n3A_811 : vector<64x1xi32>
    %shift_right_arithmetic3A_813 = arith.constant 1 : i32
    %shift_right_arithmetic3A_814 = vector.broadcast %shift_right_arithmetic3A_813 : i32 to vector<64x1xi32>
    %shift_right_arithmetic3A_815 = arith.shrsi %sub3A_812, %shift_right_arithmetic3A_814 : vector<64x1xi32>
    %add3A_816 = arith.addi %select_n3A_811, %shift_right_arithmetic3A_815 : vector<64x1xi32>
    %le3A_817 = vector.broadcast %add3A_816 : vector<64x1xi32> to vector<64x4096xi32>
    %le3A_818 = arith.cmpi sle, %iota3A_124, %le3A_817 : vector<64x4096xi32>
    %and3A_819 = arith.andi %eq3A_624, %le3A_818 : vector<64x4096xi1>
    %convert_element_type3A_820 = arith.extui %and3A_819 : vector<64x4096xi1> to vector<64x4096xi32>
    %reduce_sum3A_821 = arith.constant dense<0> : vector<64xi32>
    %reduce_sum3A_822 = vector.multi_reduction <add>, %convert_element_type3A_820, %reduce_sum3A_821 [1] : vector<64x4096xi32> to vector<64xi32>
    %broadcast_in_dim3A_823 = vector.shape_cast %reduce_sum3A_822 : vector<64xi32> to vector<64x1xi32>
    %add3A_824 = arith.addi %broadcast_in_dim3A_628, %broadcast_in_dim3A_823 : vector<64x1xi32>
    %ge3A_825 = arith.constant 64 : i32
    %ge3A_826 = vector.broadcast %ge3A_825 : i32 to vector<64x1xi32>
    %ge3A_827 = arith.cmpi sge, %add3A_824, %ge3A_826 : vector<64x1xi32>
    %select_n3A_828 = arith.select %ge3A_827, %add3A_816, %select_n3A_810 : vector<64x1xi1>, vector<64x1xi32>
    %select_n3A_829 = arith.select %ge3A_827, %select_n3A_811, %add3A_816 : vector<64x1xi1>, vector<64x1xi32>
    %sub3A_830 = arith.subi %select_n3A_828, %select_n3A_829 : vector<64x1xi32>
    %shift_right_arithmetic3A_831 = arith.constant 1 : i32
    %shift_right_arithmetic3A_832 = vector.broadcast %shift_right_arithmetic3A_831 : i32 to vector<64x1xi32>
    %shift_right_arithmetic3A_833 = arith.shrsi %sub3A_830, %shift_right_arithmetic3A_832 : vector<64x1xi32>
    %add3A_834 = arith.addi %select_n3A_829, %shift_right_arithmetic3A_833 : vector<64x1xi32>
    %le3A_835 = vector.broadcast %add3A_834 : vector<64x1xi32> to vector<64x4096xi32>
    %le3A_836 = arith.cmpi sle, %iota3A_124, %le3A_835 : vector<64x4096xi32>
    %and3A_837 = arith.andi %eq3A_624, %le3A_836 : vector<64x4096xi1>
    %convert_element_type3A_838 = arith.extui %and3A_837 : vector<64x4096xi1> to vector<64x4096xi32>
    %reduce_sum3A_839 = arith.constant dense<0> : vector<64xi32>
    %reduce_sum3A_840 = vector.multi_reduction <add>, %convert_element_type3A_838, %reduce_sum3A_839 [1] : vector<64x4096xi32> to vector<64xi32>
    %broadcast_in_dim3A_841 = vector.shape_cast %reduce_sum3A_840 : vector<64xi32> to vector<64x1xi32>
    %add3A_842 = arith.addi %broadcast_in_dim3A_628, %broadcast_in_dim3A_841 : vector<64x1xi32>
    %ge3A_843 = arith.constant 64 : i32
    %ge3A_844 = vector.broadcast %ge3A_843 : i32 to vector<64x1xi32>
    %ge3A_845 = arith.cmpi sge, %add3A_842, %ge3A_844 : vector<64x1xi32>
    %select_n3A_846 = arith.select %ge3A_845, %add3A_834, %select_n3A_828 : vector<64x1xi1>, vector<64x1xi32>
    %le3A_847 = vector.broadcast %select_n3A_846 : vector<64x1xi32> to vector<64x4096xi32>
    %le3A_848 = arith.cmpi sle, %iota3A_124, %le3A_847 : vector<64x4096xi32>
    %and3A_849 = arith.andi %eq3A_624, %le3A_848 : vector<64x4096xi1>
    %or3A = arith.ori %lt3A_622, %and3A_849 : vector<64x4096xi1>
    %iota3A_850 = tpu.iota {dimensions = array<i32: 1>} : vector<64x64xi32>
    %broadcast_in_dim3A_851 = arith.constant 0.000000e+00 : f32
    %broadcast_in_dim3A_852 = vector.broadcast %broadcast_in_dim3A_851 : f32 to vector<64x64xf32>
    %slice3A = vector.extract_strided_slice %max3A_43 {offsets = [0, 0], sizes = [1, 4096], strides = [1, 1]} : vector<64x4096xf32> to vector<1x4096xf32>
    %jit3A = arith.constant -3.000000e+38 : f32
    %broadcast_in_dim3A_853 = vector.shape_cast %slice3A : vector<1x4096xf32> to vector<1x4096xf32>
    %broadcast_in_dim3A_854 = vector.broadcast %broadcast_in_dim3A_853 : vector<1x4096xf32> to vector<64x4096xf32>
    %broadcast_in_dim3A_855 = vector.broadcast %jit3A : f32 to vector<64x4096xf32>
    %select_n3A_856 = arith.select %or3A, %broadcast_in_dim3A_854, %broadcast_in_dim3A_855 : vector<64x4096xi1>, vector<64x4096xf32>
    %reduce_max3A = arith.constant dense<0xFF800000> : vector<64xf32>
    %reduce_max3A_857 = vector.multi_reduction <maximumf>, %select_n3A_856, %reduce_max3A [1] : vector<64x4096xf32> to vector<64xf32>
    %broadcast_in_dim3A_858 = vector.shape_cast %reduce_max3A_857 : vector<64xf32> to vector<64x1xf32>
    %eq3A_859 = arith.constant 0 : i32
    %eq3A_860 = vector.broadcast %eq3A_859 : i32 to vector<64x64xi32>
    %eq3A_861 = arith.cmpi eq, %iota3A_850, %eq3A_860 : vector<64x64xi32>
    %broadcast_in_dim3A_862 = vector.shape_cast %broadcast_in_dim3A_858 : vector<64x1xf32> to vector<64x1xf32>
    %broadcast_in_dim3A_863 = vector.broadcast %broadcast_in_dim3A_862 : vector<64x1xf32> to vector<64x64xf32>
    %select_n3A_864 = arith.select %eq3A_861, %broadcast_in_dim3A_863, %broadcast_in_dim3A_852 : vector<64x64xi1>, vector<64x64xf32>
    %slice3A_865 = vector.extract_strided_slice %max3A_43 {offsets = [1, 0], sizes = [1, 4096], strides = [1, 1]} : vector<64x4096xf32> to vector<1x4096xf32>
    %jit3A_866 = arith.constant -3.000000e+38 : f32
    %broadcast_in_dim3A_867 = vector.shape_cast %slice3A_865 : vector<1x4096xf32> to vector<1x4096xf32>
    %broadcast_in_dim3A_868 = vector.broadcast %broadcast_in_dim3A_867 : vector<1x4096xf32> to vector<64x4096xf32>
    %broadcast_in_dim3A_869 = vector.broadcast %jit3A_866 : f32 to vector<64x4096xf32>
    %select_n3A_870 = arith.select %or3A, %broadcast_in_dim3A_868, %broadcast_in_dim3A_869 : vector<64x4096xi1>, vector<64x4096xf32>
    %reduce_max3A_871 = arith.constant dense<0xFF800000> : vector<64xf32>
    %reduce_max3A_872 = vector.multi_reduction <maximumf>, %select_n3A_870, %reduce_max3A_871 [1] : vector<64x4096xf32> to vector<64xf32>
    %broadcast_in_dim3A_873 = vector.shape_cast %reduce_max3A_872 : vector<64xf32> to vector<64x1xf32>
    %eq3A_874 = arith.constant 1 : i32
    %eq3A_875 = vector.broadcast %eq3A_874 : i32 to vector<64x64xi32>
    %eq3A_876 = arith.cmpi eq, %iota3A_850, %eq3A_875 : vector<64x64xi32>
    %broadcast_in_dim3A_877 = vector.shape_cast %broadcast_in_dim3A_873 : vector<64x1xf32> to vector<64x1xf32>
    %broadcast_in_dim3A_878 = vector.broadcast %broadcast_in_dim3A_877 : vector<64x1xf32> to vector<64x64xf32>
    %select_n3A_879 = arith.select %eq3A_876, %broadcast_in_dim3A_878, %select_n3A_864 : vector<64x64xi1>, vector<64x64xf32>
    %slice3A_880 = vector.extract_strided_slice %max3A_43 {offsets = [2, 0], sizes = [1, 4096], strides = [1, 1]} : vector<64x4096xf32> to vector<1x4096xf32>
    %jit3A_881 = arith.constant -3.000000e+38 : f32
    %broadcast_in_dim3A_882 = vector.shape_cast %slice3A_880 : vector<1x4096xf32> to vector<1x4096xf32>
    %broadcast_in_dim3A_883 = vector.broadcast %broadcast_in_dim3A_882 : vector<1x4096xf32> to vector<64x4096xf32>
    %broadcast_in_dim3A_884 = vector.broadcast %jit3A_881 : f32 to vector<64x4096xf32>
    %select_n3A_885 = arith.select %or3A, %broadcast_in_dim3A_883, %broadcast_in_dim3A_884 : vector<64x4096xi1>, vector<64x4096xf32>
    %reduce_max3A_886 = arith.constant dense<0xFF800000> : vector<64xf32>
    %reduce_max3A_887 = vector.multi_reduction <maximumf>, %select_n3A_885, %reduce_max3A_886 [1] : vector<64x4096xf32> to vector<64xf32>
    %broadcast_in_dim3A_888 = vector.shape_cast %reduce_max3A_887 : vector<64xf32> to vector<64x1xf32>
    %eq3A_889 = arith.constant 2 : i32
    %eq3A_890 = vector.broadcast %eq3A_889 : i32 to vector<64x64xi32>
    %eq3A_891 = arith.cmpi eq, %iota3A_850, %eq3A_890 : vector<64x64xi32>
    %broadcast_in_dim3A_892 = vector.shape_cast %broadcast_in_dim3A_888 : vector<64x1xf32> to vector<64x1xf32>
    %broadcast_in_dim3A_893 = vector.broadcast %broadcast_in_dim3A_892 : vector<64x1xf32> to vector<64x64xf32>
    %select_n3A_894 = arith.select %eq3A_891, %broadcast_in_dim3A_893, %select_n3A_879 : vector<64x64xi1>, vector<64x64xf32>
    %slice3A_895 = vector.extract_strided_slice %max3A_43 {offsets = [3, 0], sizes = [1, 4096], strides = [1, 1]} : vector<64x4096xf32> to vector<1x4096xf32>
    %jit3A_896 = arith.constant -3.000000e+38 : f32
    %broadcast_in_dim3A_897 = vector.shape_cast %slice3A_895 : vector<1x4096xf32> to vector<1x4096xf32>
    %broadcast_in_dim3A_898 = vector.broadcast %broadcast_in_dim3A_897 : vector<1x4096xf32> to vector<64x4096xf32>
    %broadcast_in_dim3A_899 = vector.broadcast %jit3A_896 : f32 to vector<64x4096xf32>
    %select_n3A_900 = arith.select %or3A, %broadcast_in_dim3A_898, %broadcast_in_dim3A_899 : vector<64x4096xi1>, vector<64x4096xf32>
    %reduce_max3A_901 = arith.constant dense<0xFF800000> : vector<64xf32>
    %reduce_max3A_902 = vector.multi_reduction <maximumf>, %select_n3A_900, %reduce_max3A_901 [1] : vector<64x4096xf32> to vector<64xf32>
    %broadcast_in_dim3A_903 = vector.shape_cast %reduce_max3A_902 : vector<64xf32> to vector<64x1xf32>
    %eq3A_904 = arith.constant 3 : i32
    %eq3A_905 = vector.broadcast %eq3A_904 : i32 to vector<64x64xi32>
    %eq3A_906 = arith.cmpi eq, %iota3A_850, %eq3A_905 : vector<64x64xi32>
    %broadcast_in_dim3A_907 = vector.shape_cast %broadcast_in_dim3A_903 : vector<64x1xf32> to vector<64x1xf32>
    %broadcast_in_dim3A_908 = vector.broadcast %broadcast_in_dim3A_907 : vector<64x1xf32> to vector<64x64xf32>
    %select_n3A_909 = arith.select %eq3A_906, %broadcast_in_dim3A_908, %select_n3A_894 : vector<64x64xi1>, vector<64x64xf32>
    %slice3A_910 = vector.extract_strided_slice %max3A_43 {offsets = [4, 0], sizes = [1, 4096], strides = [1, 1]} : vector<64x4096xf32> to vector<1x4096xf32>
    %jit3A_911 = arith.constant -3.000000e+38 : f32
    %broadcast_in_dim3A_912 = vector.shape_cast %slice3A_910 : vector<1x4096xf32> to vector<1x4096xf32>
    %broadcast_in_dim3A_913 = vector.broadcast %broadcast_in_dim3A_912 : vector<1x4096xf32> to vector<64x4096xf32>
    %broadcast_in_dim3A_914 = vector.broadcast %jit3A_911 : f32 to vector<64x4096xf32>
    %select_n3A_915 = arith.select %or3A, %broadcast_in_dim3A_913, %broadcast_in_dim3A_914 : vector<64x4096xi1>, vector<64x4096xf32>
    %reduce_max3A_916 = arith.constant dense<0xFF800000> : vector<64xf32>
    %reduce_max3A_917 = vector.multi_reduction <maximumf>, %select_n3A_915, %reduce_max3A_916 [1] : vector<64x4096xf32> to vector<64xf32>
    %broadcast_in_dim3A_918 = vector.shape_cast %reduce_max3A_917 : vector<64xf32> to vector<64x1xf32>
    %eq3A_919 = arith.constant 4 : i32
    %eq3A_920 = vector.broadcast %eq3A_919 : i32 to vector<64x64xi32>
    %eq3A_921 = arith.cmpi eq, %iota3A_850, %eq3A_920 : vector<64x64xi32>
    %broadcast_in_dim3A_922 = vector.shape_cast %broadcast_in_dim3A_918 : vector<64x1xf32> to vector<64x1xf32>
    %broadcast_in_dim3A_923 = vector.broadcast %broadcast_in_dim3A_922 : vector<64x1xf32> to vector<64x64xf32>
    %select_n3A_924 = arith.select %eq3A_921, %broadcast_in_dim3A_923, %select_n3A_909 : vector<64x64xi1>, vector<64x64xf32>
    %slice3A_925 = vector.extract_strided_slice %max3A_43 {offsets = [5, 0], sizes = [1, 4096], strides = [1, 1]} : vector<64x4096xf32> to vector<1x4096xf32>
    %jit3A_926 = arith.constant -3.000000e+38 : f32
    %broadcast_in_dim3A_927 = vector.shape_cast %slice3A_925 : vector<1x4096xf32> to vector<1x4096xf32>
    %broadcast_in_dim3A_928 = vector.broadcast %broadcast_in_dim3A_927 : vector<1x4096xf32> to vector<64x4096xf32>
    %broadcast_in_dim3A_929 = vector.broadcast %jit3A_926 : f32 to vector<64x4096xf32>
    %select_n3A_930 = arith.select %or3A, %broadcast_in_dim3A_928, %broadcast_in_dim3A_929 : vector<64x4096xi1>, vector<64x4096xf32>
    %reduce_max3A_931 = arith.constant dense<0xFF800000> : vector<64xf32>
    %reduce_max3A_932 = vector.multi_reduction <maximumf>, %select_n3A_930, %reduce_max3A_931 [1] : vector<64x4096xf32> to vector<64xf32>
    %broadcast_in_dim3A_933 = vector.shape_cast %reduce_max3A_932 : vector<64xf32> to vector<64x1xf32>
    %eq3A_934 = arith.constant 5 : i32
    %eq3A_935 = vector.broadcast %eq3A_934 : i32 to vector<64x64xi32>
    %eq3A_936 = arith.cmpi eq, %iota3A_850, %eq3A_935 : vector<64x64xi32>
    %broadcast_in_dim3A_937 = vector.shape_cast %broadcast_in_dim3A_933 : vector<64x1xf32> to vector<64x1xf32>
    %broadcast_in_dim3A_938 = vector.broadcast %broadcast_in_dim3A_937 : vector<64x1xf32> to vector<64x64xf32>
    %select_n3A_939 = arith.select %eq3A_936, %broadcast_in_dim3A_938, %select_n3A_924 : vector<64x64xi1>, vector<64x64xf32>
    %slice3A_940 = vector.extract_strided_slice %max3A_43 {offsets = [6, 0], sizes = [1, 4096], strides = [1, 1]} : vector<64x4096xf32> to vector<1x4096xf32>
    %jit3A_941 = arith.constant -3.000000e+38 : f32
    %broadcast_in_dim3A_942 = vector.shape_cast %slice3A_940 : vector<1x4096xf32> to vector<1x4096xf32>
    %broadcast_in_dim3A_943 = vector.broadcast %broadcast_in_dim3A_942 : vector<1x4096xf32> to vector<64x4096xf32>
    %broadcast_in_dim3A_944 = vector.broadcast %jit3A_941 : f32 to vector<64x4096xf32>
    %select_n3A_945 = arith.select %or3A, %broadcast_in_dim3A_943, %broadcast_in_dim3A_944 : vector<64x4096xi1>, vector<64x4096xf32>
    %reduce_max3A_946 = arith.constant dense<0xFF800000> : vector<64xf32>
    %reduce_max3A_947 = vector.multi_reduction <maximumf>, %select_n3A_945, %reduce_max3A_946 [1] : vector<64x4096xf32> to vector<64xf32>
    %broadcast_in_dim3A_948 = vector.shape_cast %reduce_max3A_947 : vector<64xf32> to vector<64x1xf32>
    %eq3A_949 = arith.constant 6 : i32
    %eq3A_950 = vector.broadcast %eq3A_949 : i32 to vector<64x64xi32>
    %eq3A_951 = arith.cmpi eq, %iota3A_850, %eq3A_950 : vector<64x64xi32>
    %broadcast_in_dim3A_952 = vector.shape_cast %broadcast_in_dim3A_948 : vector<64x1xf32> to vector<64x1xf32>
    %broadcast_in_dim3A_953 = vector.broadcast %broadcast_in_dim3A_952 : vector<64x1xf32> to vector<64x64xf32>
    %select_n3A_954 = arith.select %eq3A_951, %broadcast_in_dim3A_953, %select_n3A_939 : vector<64x64xi1>, vector<64x64xf32>
    %slice3A_955 = vector.extract_strided_slice %max3A_43 {offsets = [7, 0], sizes = [1, 4096], strides = [1, 1]} : vector<64x4096xf32> to vector<1x4096xf32>
    %jit3A_956 = arith.constant -3.000000e+38 : f32
    %broadcast_in_dim3A_957 = vector.shape_cast %slice3A_955 : vector<1x4096xf32> to vector<1x4096xf32>
    %broadcast_in_dim3A_958 = vector.broadcast %broadcast_in_dim3A_957 : vector<1x4096xf32> to vector<64x4096xf32>
    %broadcast_in_dim3A_959 = vector.broadcast %jit3A_956 : f32 to vector<64x4096xf32>
    %select_n3A_960 = arith.select %or3A, %broadcast_in_dim3A_958, %broadcast_in_dim3A_959 : vector<64x4096xi1>, vector<64x4096xf32>
    %reduce_max3A_961 = arith.constant dense<0xFF800000> : vector<64xf32>
    %reduce_max3A_962 = vector.multi_reduction <maximumf>, %select_n3A_960, %reduce_max3A_961 [1] : vector<64x4096xf32> to vector<64xf32>
    %broadcast_in_dim3A_963 = vector.shape_cast %reduce_max3A_962 : vector<64xf32> to vector<64x1xf32>
    %eq3A_964 = arith.constant 7 : i32
    %eq3A_965 = vector.broadcast %eq3A_964 : i32 to vector<64x64xi32>
    %eq3A_966 = arith.cmpi eq, %iota3A_850, %eq3A_965 : vector<64x64xi32>
    %broadcast_in_dim3A_967 = vector.shape_cast %broadcast_in_dim3A_963 : vector<64x1xf32> to vector<64x1xf32>
    %broadcast_in_dim3A_968 = vector.broadcast %broadcast_in_dim3A_967 : vector<64x1xf32> to vector<64x64xf32>
    %select_n3A_969 = arith.select %eq3A_966, %broadcast_in_dim3A_968, %select_n3A_954 : vector<64x64xi1>, vector<64x64xf32>
    %slice3A_970 = vector.extract_strided_slice %max3A_43 {offsets = [8, 0], sizes = [1, 4096], strides = [1, 1]} : vector<64x4096xf32> to vector<1x4096xf32>
    %jit3A_971 = arith.constant -3.000000e+38 : f32
    %broadcast_in_dim3A_972 = vector.shape_cast %slice3A_970 : vector<1x4096xf32> to vector<1x4096xf32>
    %broadcast_in_dim3A_973 = vector.broadcast %broadcast_in_dim3A_972 : vector<1x4096xf32> to vector<64x4096xf32>
    %broadcast_in_dim3A_974 = vector.broadcast %jit3A_971 : f32 to vector<64x4096xf32>
    %select_n3A_975 = arith.select %or3A, %broadcast_in_dim3A_973, %broadcast_in_dim3A_974 : vector<64x4096xi1>, vector<64x4096xf32>
    %reduce_max3A_976 = arith.constant dense<0xFF800000> : vector<64xf32>
    %reduce_max3A_977 = vector.multi_reduction <maximumf>, %select_n3A_975, %reduce_max3A_976 [1] : vector<64x4096xf32> to vector<64xf32>
    %broadcast_in_dim3A_978 = vector.shape_cast %reduce_max3A_977 : vector<64xf32> to vector<64x1xf32>
    %eq3A_979 = arith.constant 8 : i32
    %eq3A_980 = vector.broadcast %eq3A_979 : i32 to vector<64x64xi32>
    %eq3A_981 = arith.cmpi eq, %iota3A_850, %eq3A_980 : vector<64x64xi32>
    %broadcast_in_dim3A_982 = vector.shape_cast %broadcast_in_dim3A_978 : vector<64x1xf32> to vector<64x1xf32>
    %broadcast_in_dim3A_983 = vector.broadcast %broadcast_in_dim3A_982 : vector<64x1xf32> to vector<64x64xf32>
    %select_n3A_984 = arith.select %eq3A_981, %broadcast_in_dim3A_983, %select_n3A_969 : vector<64x64xi1>, vector<64x64xf32>
    %slice3A_985 = vector.extract_strided_slice %max3A_43 {offsets = [9, 0], sizes = [1, 4096], strides = [1, 1]} : vector<64x4096xf32> to vector<1x4096xf32>
    %jit3A_986 = arith.constant -3.000000e+38 : f32
    %broadcast_in_dim3A_987 = vector.shape_cast %slice3A_985 : vector<1x4096xf32> to vector<1x4096xf32>
    %broadcast_in_dim3A_988 = vector.broadcast %broadcast_in_dim3A_987 : vector<1x4096xf32> to vector<64x4096xf32>
    %broadcast_in_dim3A_989 = vector.broadcast %jit3A_986 : f32 to vector<64x4096xf32>
    %select_n3A_990 = arith.select %or3A, %broadcast_in_dim3A_988, %broadcast_in_dim3A_989 : vector<64x4096xi1>, vector<64x4096xf32>
    %reduce_max3A_991 = arith.constant dense<0xFF800000> : vector<64xf32>
    %reduce_max3A_992 = vector.multi_reduction <maximumf>, %select_n3A_990, %reduce_max3A_991 [1] : vector<64x4096xf32> to vector<64xf32>
    %broadcast_in_dim3A_993 = vector.shape_cast %reduce_max3A_992 : vector<64xf32> to vector<64x1xf32>
    %eq3A_994 = arith.constant 9 : i32
    %eq3A_995 = vector.broadcast %eq3A_994 : i32 to vector<64x64xi32>
    %eq3A_996 = arith.cmpi eq, %iota3A_850, %eq3A_995 : vector<64x64xi32>
    %broadcast_in_dim3A_997 = vector.shape_cast %broadcast_in_dim3A_993 : vector<64x1xf32> to vector<64x1xf32>
    %broadcast_in_dim3A_998 = vector.broadcast %broadcast_in_dim3A_997 : vector<64x1xf32> to vector<64x64xf32>
    %select_n3A_999 = arith.select %eq3A_996, %broadcast_in_dim3A_998, %select_n3A_984 : vector<64x64xi1>, vector<64x64xf32>
    %slice3A_1000 = vector.extract_strided_slice %max3A_43 {offsets = [10, 0], sizes = [1, 4096], strides = [1, 1]} : vector<64x4096xf32> to vector<1x4096xf32>
    %jit3A_1001 = arith.constant -3.000000e+38 : f32
    %broadcast_in_dim3A_1002 = vector.shape_cast %slice3A_1000 : vector<1x4096xf32> to vector<1x4096xf32>
    %broadcast_in_dim3A_1003 = vector.broadcast %broadcast_in_dim3A_1002 : vector<1x4096xf32> to vector<64x4096xf32>
    %broadcast_in_dim3A_1004 = vector.broadcast %jit3A_1001 : f32 to vector<64x4096xf32>
    %select_n3A_1005 = arith.select %or3A, %broadcast_in_dim3A_1003, %broadcast_in_dim3A_1004 : vector<64x4096xi1>, vector<64x4096xf32>
    %reduce_max3A_1006 = arith.constant dense<0xFF800000> : vector<64xf32>
    %reduce_max3A_1007 = vector.multi_reduction <maximumf>, %select_n3A_1005, %reduce_max3A_1006 [1] : vector<64x4096xf32> to vector<64xf32>
    %broadcast_in_dim3A_1008 = vector.shape_cast %reduce_max3A_1007 : vector<64xf32> to vector<64x1xf32>
    %eq3A_1009 = arith.constant 10 : i32
    %eq3A_1010 = vector.broadcast %eq3A_1009 : i32 to vector<64x64xi32>
    %eq3A_1011 = arith.cmpi eq, %iota3A_850, %eq3A_1010 : vector<64x64xi32>
    %broadcast_in_dim3A_1012 = vector.shape_cast %broadcast_in_dim3A_1008 : vector<64x1xf32> to vector<64x1xf32>
    %broadcast_in_dim3A_1013 = vector.broadcast %broadcast_in_dim3A_1012 : vector<64x1xf32> to vector<64x64xf32>
    %select_n3A_1014 = arith.select %eq3A_1011, %broadcast_in_dim3A_1013, %select_n3A_999 : vector<64x64xi1>, vector<64x64xf32>
    %slice3A_1015 = vector.extract_strided_slice %max3A_43 {offsets = [11, 0], sizes = [1, 4096], strides = [1, 1]} : vector<64x4096xf32> to vector<1x4096xf32>
    %jit3A_1016 = arith.constant -3.000000e+38 : f32
    %broadcast_in_dim3A_1017 = vector.shape_cast %slice3A_1015 : vector<1x4096xf32> to vector<1x4096xf32>
    %broadcast_in_dim3A_1018 = vector.broadcast %broadcast_in_dim3A_1017 : vector<1x4096xf32> to vector<64x4096xf32>
    %broadcast_in_dim3A_1019 = vector.broadcast %jit3A_1016 : f32 to vector<64x4096xf32>
    %select_n3A_1020 = arith.select %or3A, %broadcast_in_dim3A_1018, %broadcast_in_dim3A_1019 : vector<64x4096xi1>, vector<64x4096xf32>
    %reduce_max3A_1021 = arith.constant dense<0xFF800000> : vector<64xf32>
    %reduce_max3A_1022 = vector.multi_reduction <maximumf>, %select_n3A_1020, %reduce_max3A_1021 [1] : vector<64x4096xf32> to vector<64xf32>
    %broadcast_in_dim3A_1023 = vector.shape_cast %reduce_max3A_1022 : vector<64xf32> to vector<64x1xf32>
    %eq3A_1024 = arith.constant 11 : i32
    %eq3A_1025 = vector.broadcast %eq3A_1024 : i32 to vector<64x64xi32>
    %eq3A_1026 = arith.cmpi eq, %iota3A_850, %eq3A_1025 : vector<64x64xi32>
    %broadcast_in_dim3A_1027 = vector.shape_cast %broadcast_in_dim3A_1023 : vector<64x1xf32> to vector<64x1xf32>
    %broadcast_in_dim3A_1028 = vector.broadcast %broadcast_in_dim3A_1027 : vector<64x1xf32> to vector<64x64xf32>
    %select_n3A_1029 = arith.select %eq3A_1026, %broadcast_in_dim3A_1028, %select_n3A_1014 : vector<64x64xi1>, vector<64x64xf32>
    %slice3A_1030 = vector.extract_strided_slice %max3A_43 {offsets = [12, 0], sizes = [1, 4096], strides = [1, 1]} : vector<64x4096xf32> to vector<1x4096xf32>
    %jit3A_1031 = arith.constant -3.000000e+38 : f32
    %broadcast_in_dim3A_1032 = vector.shape_cast %slice3A_1030 : vector<1x4096xf32> to vector<1x4096xf32>
    %broadcast_in_dim3A_1033 = vector.broadcast %broadcast_in_dim3A_1032 : vector<1x4096xf32> to vector<64x4096xf32>
    %broadcast_in_dim3A_1034 = vector.broadcast %jit3A_1031 : f32 to vector<64x4096xf32>
    %select_n3A_1035 = arith.select %or3A, %broadcast_in_dim3A_1033, %broadcast_in_dim3A_1034 : vector<64x4096xi1>, vector<64x4096xf32>
    %reduce_max3A_1036 = arith.constant dense<0xFF800000> : vector<64xf32>
    %reduce_max3A_1037 = vector.multi_reduction <maximumf>, %select_n3A_1035, %reduce_max3A_1036 [1] : vector<64x4096xf32> to vector<64xf32>
    %broadcast_in_dim3A_1038 = vector.shape_cast %reduce_max3A_1037 : vector<64xf32> to vector<64x1xf32>
    %eq3A_1039 = arith.constant 12 : i32
    %eq3A_1040 = vector.broadcast %eq3A_1039 : i32 to vector<64x64xi32>
    %eq3A_1041 = arith.cmpi eq, %iota3A_850, %eq3A_1040 : vector<64x64xi32>
    %broadcast_in_dim3A_1042 = vector.shape_cast %broadcast_in_dim3A_1038 : vector<64x1xf32> to vector<64x1xf32>
    %broadcast_in_dim3A_1043 = vector.broadcast %broadcast_in_dim3A_1042 : vector<64x1xf32> to vector<64x64xf32>
    %select_n3A_1044 = arith.select %eq3A_1041, %broadcast_in_dim3A_1043, %select_n3A_1029 : vector<64x64xi1>, vector<64x64xf32>
    %slice3A_1045 = vector.extract_strided_slice %max3A_43 {offsets = [13, 0], sizes = [1, 4096], strides = [1, 1]} : vector<64x4096xf32> to vector<1x4096xf32>
    %jit3A_1046 = arith.constant -3.000000e+38 : f32
    %broadcast_in_dim3A_1047 = vector.shape_cast %slice3A_1045 : vector<1x4096xf32> to vector<1x4096xf32>
    %broadcast_in_dim3A_1048 = vector.broadcast %broadcast_in_dim3A_1047 : vector<1x4096xf32> to vector<64x4096xf32>
    %broadcast_in_dim3A_1049 = vector.broadcast %jit3A_1046 : f32 to vector<64x4096xf32>
    %select_n3A_1050 = arith.select %or3A, %broadcast_in_dim3A_1048, %broadcast_in_dim3A_1049 : vector<64x4096xi1>, vector<64x4096xf32>
    %reduce_max3A_1051 = arith.constant dense<0xFF800000> : vector<64xf32>
    %reduce_max3A_1052 = vector.multi_reduction <maximumf>, %select_n3A_1050, %reduce_max3A_1051 [1] : vector<64x4096xf32> to vector<64xf32>
    %broadcast_in_dim3A_1053 = vector.shape_cast %reduce_max3A_1052 : vector<64xf32> to vector<64x1xf32>
    %eq3A_1054 = arith.constant 13 : i32
    %eq3A_1055 = vector.broadcast %eq3A_1054 : i32 to vector<64x64xi32>
    %eq3A_1056 = arith.cmpi eq, %iota3A_850, %eq3A_1055 : vector<64x64xi32>
    %broadcast_in_dim3A_1057 = vector.shape_cast %broadcast_in_dim3A_1053 : vector<64x1xf32> to vector<64x1xf32>
    %broadcast_in_dim3A_1058 = vector.broadcast %broadcast_in_dim3A_1057 : vector<64x1xf32> to vector<64x64xf32>
    %select_n3A_1059 = arith.select %eq3A_1056, %broadcast_in_dim3A_1058, %select_n3A_1044 : vector<64x64xi1>, vector<64x64xf32>
    %slice3A_1060 = vector.extract_strided_slice %max3A_43 {offsets = [14, 0], sizes = [1, 4096], strides = [1, 1]} : vector<64x4096xf32> to vector<1x4096xf32>
    %jit3A_1061 = arith.constant -3.000000e+38 : f32
    %broadcast_in_dim3A_1062 = vector.shape_cast %slice3A_1060 : vector<1x4096xf32> to vector<1x4096xf32>
    %broadcast_in_dim3A_1063 = vector.broadcast %broadcast_in_dim3A_1062 : vector<1x4096xf32> to vector<64x4096xf32>
    %broadcast_in_dim3A_1064 = vector.broadcast %jit3A_1061 : f32 to vector<64x4096xf32>
    %select_n3A_1065 = arith.select %or3A, %broadcast_in_dim3A_1063, %broadcast_in_dim3A_1064 : vector<64x4096xi1>, vector<64x4096xf32>
    %reduce_max3A_1066 = arith.constant dense<0xFF800000> : vector<64xf32>
    %reduce_max3A_1067 = vector.multi_reduction <maximumf>, %select_n3A_1065, %reduce_max3A_1066 [1] : vector<64x4096xf32> to vector<64xf32>
    %broadcast_in_dim3A_1068 = vector.shape_cast %reduce_max3A_1067 : vector<64xf32> to vector<64x1xf32>
    %eq3A_1069 = arith.constant 14 : i32
    %eq3A_1070 = vector.broadcast %eq3A_1069 : i32 to vector<64x64xi32>
    %eq3A_1071 = arith.cmpi eq, %iota3A_850, %eq3A_1070 : vector<64x64xi32>
    %broadcast_in_dim3A_1072 = vector.shape_cast %broadcast_in_dim3A_1068 : vector<64x1xf32> to vector<64x1xf32>
    %broadcast_in_dim3A_1073 = vector.broadcast %broadcast_in_dim3A_1072 : vector<64x1xf32> to vector<64x64xf32>
    %select_n3A_1074 = arith.select %eq3A_1071, %broadcast_in_dim3A_1073, %select_n3A_1059 : vector<64x64xi1>, vector<64x64xf32>
    %slice3A_1075 = vector.extract_strided_slice %max3A_43 {offsets = [15, 0], sizes = [1, 4096], strides = [1, 1]} : vector<64x4096xf32> to vector<1x4096xf32>
    %jit3A_1076 = arith.constant -3.000000e+38 : f32
    %broadcast_in_dim3A_1077 = vector.shape_cast %slice3A_1075 : vector<1x4096xf32> to vector<1x4096xf32>
    %broadcast_in_dim3A_1078 = vector.broadcast %broadcast_in_dim3A_1077 : vector<1x4096xf32> to vector<64x4096xf32>
    %broadcast_in_dim3A_1079 = vector.broadcast %jit3A_1076 : f32 to vector<64x4096xf32>
    %select_n3A_1080 = arith.select %or3A, %broadcast_in_dim3A_1078, %broadcast_in_dim3A_1079 : vector<64x4096xi1>, vector<64x4096xf32>
    %reduce_max3A_1081 = arith.constant dense<0xFF800000> : vector<64xf32>
    %reduce_max3A_1082 = vector.multi_reduction <maximumf>, %select_n3A_1080, %reduce_max3A_1081 [1] : vector<64x4096xf32> to vector<64xf32>
    %broadcast_in_dim3A_1083 = vector.shape_cast %reduce_max3A_1082 : vector<64xf32> to vector<64x1xf32>
    %eq3A_1084 = arith.constant 15 : i32
    %eq3A_1085 = vector.broadcast %eq3A_1084 : i32 to vector<64x64xi32>
    %eq3A_1086 = arith.cmpi eq, %iota3A_850, %eq3A_1085 : vector<64x64xi32>
    %broadcast_in_dim3A_1087 = vector.shape_cast %broadcast_in_dim3A_1083 : vector<64x1xf32> to vector<64x1xf32>
    %broadcast_in_dim3A_1088 = vector.broadcast %broadcast_in_dim3A_1087 : vector<64x1xf32> to vector<64x64xf32>
    %select_n3A_1089 = arith.select %eq3A_1086, %broadcast_in_dim3A_1088, %select_n3A_1074 : vector<64x64xi1>, vector<64x64xf32>
    %slice3A_1090 = vector.extract_strided_slice %max3A_43 {offsets = [16, 0], sizes = [1, 4096], strides = [1, 1]} : vector<64x4096xf32> to vector<1x4096xf32>
    %jit3A_1091 = arith.constant -3.000000e+38 : f32
    %broadcast_in_dim3A_1092 = vector.shape_cast %slice3A_1090 : vector<1x4096xf32> to vector<1x4096xf32>
    %broadcast_in_dim3A_1093 = vector.broadcast %broadcast_in_dim3A_1092 : vector<1x4096xf32> to vector<64x4096xf32>
    %broadcast_in_dim3A_1094 = vector.broadcast %jit3A_1091 : f32 to vector<64x4096xf32>
    %select_n3A_1095 = arith.select %or3A, %broadcast_in_dim3A_1093, %broadcast_in_dim3A_1094 : vector<64x4096xi1>, vector<64x4096xf32>
    %reduce_max3A_1096 = arith.constant dense<0xFF800000> : vector<64xf32>
    %reduce_max3A_1097 = vector.multi_reduction <maximumf>, %select_n3A_1095, %reduce_max3A_1096 [1] : vector<64x4096xf32> to vector<64xf32>
    %broadcast_in_dim3A_1098 = vector.shape_cast %reduce_max3A_1097 : vector<64xf32> to vector<64x1xf32>
    %eq3A_1099 = arith.constant 16 : i32
    %eq3A_1100 = vector.broadcast %eq3A_1099 : i32 to vector<64x64xi32>
    %eq3A_1101 = arith.cmpi eq, %iota3A_850, %eq3A_1100 : vector<64x64xi32>
    %broadcast_in_dim3A_1102 = vector.shape_cast %broadcast_in_dim3A_1098 : vector<64x1xf32> to vector<64x1xf32>
    %broadcast_in_dim3A_1103 = vector.broadcast %broadcast_in_dim3A_1102 : vector<64x1xf32> to vector<64x64xf32>
    %select_n3A_1104 = arith.select %eq3A_1101, %broadcast_in_dim3A_1103, %select_n3A_1089 : vector<64x64xi1>, vector<64x64xf32>
    %slice3A_1105 = vector.extract_strided_slice %max3A_43 {offsets = [17, 0], sizes = [1, 4096], strides = [1, 1]} : vector<64x4096xf32> to vector<1x4096xf32>
    %jit3A_1106 = arith.constant -3.000000e+38 : f32
    %broadcast_in_dim3A_1107 = vector.shape_cast %slice3A_1105 : vector<1x4096xf32> to vector<1x4096xf32>
    %broadcast_in_dim3A_1108 = vector.broadcast %broadcast_in_dim3A_1107 : vector<1x4096xf32> to vector<64x4096xf32>
    %broadcast_in_dim3A_1109 = vector.broadcast %jit3A_1106 : f32 to vector<64x4096xf32>
    %select_n3A_1110 = arith.select %or3A, %broadcast_in_dim3A_1108, %broadcast_in_dim3A_1109 : vector<64x4096xi1>, vector<64x4096xf32>
    %reduce_max3A_1111 = arith.constant dense<0xFF800000> : vector<64xf32>
    %reduce_max3A_1112 = vector.multi_reduction <maximumf>, %select_n3A_1110, %reduce_max3A_1111 [1] : vector<64x4096xf32> to vector<64xf32>
    %broadcast_in_dim3A_1113 = vector.shape_cast %reduce_max3A_1112 : vector<64xf32> to vector<64x1xf32>
    %eq3A_1114 = arith.constant 17 : i32
    %eq3A_1115 = vector.broadcast %eq3A_1114 : i32 to vector<64x64xi32>
    %eq3A_1116 = arith.cmpi eq, %iota3A_850, %eq3A_1115 : vector<64x64xi32>
    %broadcast_in_dim3A_1117 = vector.shape_cast %broadcast_in_dim3A_1113 : vector<64x1xf32> to vector<64x1xf32>
    %broadcast_in_dim3A_1118 = vector.broadcast %broadcast_in_dim3A_1117 : vector<64x1xf32> to vector<64x64xf32>
    %select_n3A_1119 = arith.select %eq3A_1116, %broadcast_in_dim3A_1118, %select_n3A_1104 : vector<64x64xi1>, vector<64x64xf32>
    %slice3A_1120 = vector.extract_strided_slice %max3A_43 {offsets = [18, 0], sizes = [1, 4096], strides = [1, 1]} : vector<64x4096xf32> to vector<1x4096xf32>
    %jit3A_1121 = arith.constant -3.000000e+38 : f32
    %broadcast_in_dim3A_1122 = vector.shape_cast %slice3A_1120 : vector<1x4096xf32> to vector<1x4096xf32>
    %broadcast_in_dim3A_1123 = vector.broadcast %broadcast_in_dim3A_1122 : vector<1x4096xf32> to vector<64x4096xf32>
    %broadcast_in_dim3A_1124 = vector.broadcast %jit3A_1121 : f32 to vector<64x4096xf32>
    %select_n3A_1125 = arith.select %or3A, %broadcast_in_dim3A_1123, %broadcast_in_dim3A_1124 : vector<64x4096xi1>, vector<64x4096xf32>
    %reduce_max3A_1126 = arith.constant dense<0xFF800000> : vector<64xf32>
    %reduce_max3A_1127 = vector.multi_reduction <maximumf>, %select_n3A_1125, %reduce_max3A_1126 [1] : vector<64x4096xf32> to vector<64xf32>
    %broadcast_in_dim3A_1128 = vector.shape_cast %reduce_max3A_1127 : vector<64xf32> to vector<64x1xf32>
    %eq3A_1129 = arith.constant 18 : i32
    %eq3A_1130 = vector.broadcast %eq3A_1129 : i32 to vector<64x64xi32>
    %eq3A_1131 = arith.cmpi eq, %iota3A_850, %eq3A_1130 : vector<64x64xi32>
    %broadcast_in_dim3A_1132 = vector.shape_cast %broadcast_in_dim3A_1128 : vector<64x1xf32> to vector<64x1xf32>
    %broadcast_in_dim3A_1133 = vector.broadcast %broadcast_in_dim3A_1132 : vector<64x1xf32> to vector<64x64xf32>
    %select_n3A_1134 = arith.select %eq3A_1131, %broadcast_in_dim3A_1133, %select_n3A_1119 : vector<64x64xi1>, vector<64x64xf32>
    %slice3A_1135 = vector.extract_strided_slice %max3A_43 {offsets = [19, 0], sizes = [1, 4096], strides = [1, 1]} : vector<64x4096xf32> to vector<1x4096xf32>
    %jit3A_1136 = arith.constant -3.000000e+38 : f32
    %broadcast_in_dim3A_1137 = vector.shape_cast %slice3A_1135 : vector<1x4096xf32> to vector<1x4096xf32>
    %broadcast_in_dim3A_1138 = vector.broadcast %broadcast_in_dim3A_1137 : vector<1x4096xf32> to vector<64x4096xf32>
    %broadcast_in_dim3A_1139 = vector.broadcast %jit3A_1136 : f32 to vector<64x4096xf32>
    %select_n3A_1140 = arith.select %or3A, %broadcast_in_dim3A_1138, %broadcast_in_dim3A_1139 : vector<64x4096xi1>, vector<64x4096xf32>
    %reduce_max3A_1141 = arith.constant dense<0xFF800000> : vector<64xf32>
    %reduce_max3A_1142 = vector.multi_reduction <maximumf>, %select_n3A_1140, %reduce_max3A_1141 [1] : vector<64x4096xf32> to vector<64xf32>
    %broadcast_in_dim3A_1143 = vector.shape_cast %reduce_max3A_1142 : vector<64xf32> to vector<64x1xf32>
    %eq3A_1144 = arith.constant 19 : i32
    %eq3A_1145 = vector.broadcast %eq3A_1144 : i32 to vector<64x64xi32>
    %eq3A_1146 = arith.cmpi eq, %iota3A_850, %eq3A_1145 : vector<64x64xi32>
    %broadcast_in_dim3A_1147 = vector.shape_cast %broadcast_in_dim3A_1143 : vector<64x1xf32> to vector<64x1xf32>
    %broadcast_in_dim3A_1148 = vector.broadcast %broadcast_in_dim3A_1147 : vector<64x1xf32> to vector<64x64xf32>
    %select_n3A_1149 = arith.select %eq3A_1146, %broadcast_in_dim3A_1148, %select_n3A_1134 : vector<64x64xi1>, vector<64x64xf32>
    %slice3A_1150 = vector.extract_strided_slice %max3A_43 {offsets = [20, 0], sizes = [1, 4096], strides = [1, 1]} : vector<64x4096xf32> to vector<1x4096xf32>
    %jit3A_1151 = arith.constant -3.000000e+38 : f32
    %broadcast_in_dim3A_1152 = vector.shape_cast %slice3A_1150 : vector<1x4096xf32> to vector<1x4096xf32>
    %broadcast_in_dim3A_1153 = vector.broadcast %broadcast_in_dim3A_1152 : vector<1x4096xf32> to vector<64x4096xf32>
    %broadcast_in_dim3A_1154 = vector.broadcast %jit3A_1151 : f32 to vector<64x4096xf32>
    %select_n3A_1155 = arith.select %or3A, %broadcast_in_dim3A_1153, %broadcast_in_dim3A_1154 : vector<64x4096xi1>, vector<64x4096xf32>
    %reduce_max3A_1156 = arith.constant dense<0xFF800000> : vector<64xf32>
    %reduce_max3A_1157 = vector.multi_reduction <maximumf>, %select_n3A_1155, %reduce_max3A_1156 [1] : vector<64x4096xf32> to vector<64xf32>
    %broadcast_in_dim3A_1158 = vector.shape_cast %reduce_max3A_1157 : vector<64xf32> to vector<64x1xf32>
    %eq3A_1159 = arith.constant 20 : i32
    %eq3A_1160 = vector.broadcast %eq3A_1159 : i32 to vector<64x64xi32>
    %eq3A_1161 = arith.cmpi eq, %iota3A_850, %eq3A_1160 : vector<64x64xi32>
    %broadcast_in_dim3A_1162 = vector.shape_cast %broadcast_in_dim3A_1158 : vector<64x1xf32> to vector<64x1xf32>
    %broadcast_in_dim3A_1163 = vector.broadcast %broadcast_in_dim3A_1162 : vector<64x1xf32> to vector<64x64xf32>
    %select_n3A_1164 = arith.select %eq3A_1161, %broadcast_in_dim3A_1163, %select_n3A_1149 : vector<64x64xi1>, vector<64x64xf32>
    %slice3A_1165 = vector.extract_strided_slice %max3A_43 {offsets = [21, 0], sizes = [1, 4096], strides = [1, 1]} : vector<64x4096xf32> to vector<1x4096xf32>
    %jit3A_1166 = arith.constant -3.000000e+38 : f32
    %broadcast_in_dim3A_1167 = vector.shape_cast %slice3A_1165 : vector<1x4096xf32> to vector<1x4096xf32>
    %broadcast_in_dim3A_1168 = vector.broadcast %broadcast_in_dim3A_1167 : vector<1x4096xf32> to vector<64x4096xf32>
    %broadcast_in_dim3A_1169 = vector.broadcast %jit3A_1166 : f32 to vector<64x4096xf32>
    %select_n3A_1170 = arith.select %or3A, %broadcast_in_dim3A_1168, %broadcast_in_dim3A_1169 : vector<64x4096xi1>, vector<64x4096xf32>
    %reduce_max3A_1171 = arith.constant dense<0xFF800000> : vector<64xf32>
    %reduce_max3A_1172 = vector.multi_reduction <maximumf>, %select_n3A_1170, %reduce_max3A_1171 [1] : vector<64x4096xf32> to vector<64xf32>
    %broadcast_in_dim3A_1173 = vector.shape_cast %reduce_max3A_1172 : vector<64xf32> to vector<64x1xf32>
    %eq3A_1174 = arith.constant 21 : i32
    %eq3A_1175 = vector.broadcast %eq3A_1174 : i32 to vector<64x64xi32>
    %eq3A_1176 = arith.cmpi eq, %iota3A_850, %eq3A_1175 : vector<64x64xi32>
    %broadcast_in_dim3A_1177 = vector.shape_cast %broadcast_in_dim3A_1173 : vector<64x1xf32> to vector<64x1xf32>
    %broadcast_in_dim3A_1178 = vector.broadcast %broadcast_in_dim3A_1177 : vector<64x1xf32> to vector<64x64xf32>
    %select_n3A_1179 = arith.select %eq3A_1176, %broadcast_in_dim3A_1178, %select_n3A_1164 : vector<64x64xi1>, vector<64x64xf32>
    %slice3A_1180 = vector.extract_strided_slice %max3A_43 {offsets = [22, 0], sizes = [1, 4096], strides = [1, 1]} : vector<64x4096xf32> to vector<1x4096xf32>
    %jit3A_1181 = arith.constant -3.000000e+38 : f32
    %broadcast_in_dim3A_1182 = vector.shape_cast %slice3A_1180 : vector<1x4096xf32> to vector<1x4096xf32>
    %broadcast_in_dim3A_1183 = vector.broadcast %broadcast_in_dim3A_1182 : vector<1x4096xf32> to vector<64x4096xf32>
    %broadcast_in_dim3A_1184 = vector.broadcast %jit3A_1181 : f32 to vector<64x4096xf32>
    %select_n3A_1185 = arith.select %or3A, %broadcast_in_dim3A_1183, %broadcast_in_dim3A_1184 : vector<64x4096xi1>, vector<64x4096xf32>
    %reduce_max3A_1186 = arith.constant dense<0xFF800000> : vector<64xf32>
    %reduce_max3A_1187 = vector.multi_reduction <maximumf>, %select_n3A_1185, %reduce_max3A_1186 [1] : vector<64x4096xf32> to vector<64xf32>
    %broadcast_in_dim3A_1188 = vector.shape_cast %reduce_max3A_1187 : vector<64xf32> to vector<64x1xf32>
    %eq3A_1189 = arith.constant 22 : i32
    %eq3A_1190 = vector.broadcast %eq3A_1189 : i32 to vector<64x64xi32>
    %eq3A_1191 = arith.cmpi eq, %iota3A_850, %eq3A_1190 : vector<64x64xi32>
    %broadcast_in_dim3A_1192 = vector.shape_cast %broadcast_in_dim3A_1188 : vector<64x1xf32> to vector<64x1xf32>
    %broadcast_in_dim3A_1193 = vector.broadcast %broadcast_in_dim3A_1192 : vector<64x1xf32> to vector<64x64xf32>
    %select_n3A_1194 = arith.select %eq3A_1191, %broadcast_in_dim3A_1193, %select_n3A_1179 : vector<64x64xi1>, vector<64x64xf32>
    %slice3A_1195 = vector.extract_strided_slice %max3A_43 {offsets = [23, 0], sizes = [1, 4096], strides = [1, 1]} : vector<64x4096xf32> to vector<1x4096xf32>
    %jit3A_1196 = arith.constant -3.000000e+38 : f32
    %broadcast_in_dim3A_1197 = vector.shape_cast %slice3A_1195 : vector<1x4096xf32> to vector<1x4096xf32>
    %broadcast_in_dim3A_1198 = vector.broadcast %broadcast_in_dim3A_1197 : vector<1x4096xf32> to vector<64x4096xf32>
    %broadcast_in_dim3A_1199 = vector.broadcast %jit3A_1196 : f32 to vector<64x4096xf32>
    %select_n3A_1200 = arith.select %or3A, %broadcast_in_dim3A_1198, %broadcast_in_dim3A_1199 : vector<64x4096xi1>, vector<64x4096xf32>
    %reduce_max3A_1201 = arith.constant dense<0xFF800000> : vector<64xf32>
    %reduce_max3A_1202 = vector.multi_reduction <maximumf>, %select_n3A_1200, %reduce_max3A_1201 [1] : vector<64x4096xf32> to vector<64xf32>
    %broadcast_in_dim3A_1203 = vector.shape_cast %reduce_max3A_1202 : vector<64xf32> to vector<64x1xf32>
    %eq3A_1204 = arith.constant 23 : i32
    %eq3A_1205 = vector.broadcast %eq3A_1204 : i32 to vector<64x64xi32>
    %eq3A_1206 = arith.cmpi eq, %iota3A_850, %eq3A_1205 : vector<64x64xi32>
    %broadcast_in_dim3A_1207 = vector.shape_cast %broadcast_in_dim3A_1203 : vector<64x1xf32> to vector<64x1xf32>
    %broadcast_in_dim3A_1208 = vector.broadcast %broadcast_in_dim3A_1207 : vector<64x1xf32> to vector<64x64xf32>
    %select_n3A_1209 = arith.select %eq3A_1206, %broadcast_in_dim3A_1208, %select_n3A_1194 : vector<64x64xi1>, vector<64x64xf32>
    %slice3A_1210 = vector.extract_strided_slice %max3A_43 {offsets = [24, 0], sizes = [1, 4096], strides = [1, 1]} : vector<64x4096xf32> to vector<1x4096xf32>
    %jit3A_1211 = arith.constant -3.000000e+38 : f32
    %broadcast_in_dim3A_1212 = vector.shape_cast %slice3A_1210 : vector<1x4096xf32> to vector<1x4096xf32>
    %broadcast_in_dim3A_1213 = vector.broadcast %broadcast_in_dim3A_1212 : vector<1x4096xf32> to vector<64x4096xf32>
    %broadcast_in_dim3A_1214 = vector.broadcast %jit3A_1211 : f32 to vector<64x4096xf32>
    %select_n3A_1215 = arith.select %or3A, %broadcast_in_dim3A_1213, %broadcast_in_dim3A_1214 : vector<64x4096xi1>, vector<64x4096xf32>
    %reduce_max3A_1216 = arith.constant dense<0xFF800000> : vector<64xf32>
    %reduce_max3A_1217 = vector.multi_reduction <maximumf>, %select_n3A_1215, %reduce_max3A_1216 [1] : vector<64x4096xf32> to vector<64xf32>
    %broadcast_in_dim3A_1218 = vector.shape_cast %reduce_max3A_1217 : vector<64xf32> to vector<64x1xf32>
    %eq3A_1219 = arith.constant 24 : i32
    %eq3A_1220 = vector.broadcast %eq3A_1219 : i32 to vector<64x64xi32>
    %eq3A_1221 = arith.cmpi eq, %iota3A_850, %eq3A_1220 : vector<64x64xi32>
    %broadcast_in_dim3A_1222 = vector.shape_cast %broadcast_in_dim3A_1218 : vector<64x1xf32> to vector<64x1xf32>
    %broadcast_in_dim3A_1223 = vector.broadcast %broadcast_in_dim3A_1222 : vector<64x1xf32> to vector<64x64xf32>
    %select_n3A_1224 = arith.select %eq3A_1221, %broadcast_in_dim3A_1223, %select_n3A_1209 : vector<64x64xi1>, vector<64x64xf32>
    %slice3A_1225 = vector.extract_strided_slice %max3A_43 {offsets = [25, 0], sizes = [1, 4096], strides = [1, 1]} : vector<64x4096xf32> to vector<1x4096xf32>
    %jit3A_1226 = arith.constant -3.000000e+38 : f32
    %broadcast_in_dim3A_1227 = vector.shape_cast %slice3A_1225 : vector<1x4096xf32> to vector<1x4096xf32>
    %broadcast_in_dim3A_1228 = vector.broadcast %broadcast_in_dim3A_1227 : vector<1x4096xf32> to vector<64x4096xf32>
    %broadcast_in_dim3A_1229 = vector.broadcast %jit3A_1226 : f32 to vector<64x4096xf32>
    %select_n3A_1230 = arith.select %or3A, %broadcast_in_dim3A_1228, %broadcast_in_dim3A_1229 : vector<64x4096xi1>, vector<64x4096xf32>
    %reduce_max3A_1231 = arith.constant dense<0xFF800000> : vector<64xf32>
    %reduce_max3A_1232 = vector.multi_reduction <maximumf>, %select_n3A_1230, %reduce_max3A_1231 [1] : vector<64x4096xf32> to vector<64xf32>
    %broadcast_in_dim3A_1233 = vector.shape_cast %reduce_max3A_1232 : vector<64xf32> to vector<64x1xf32>
    %eq3A_1234 = arith.constant 25 : i32
    %eq3A_1235 = vector.broadcast %eq3A_1234 : i32 to vector<64x64xi32>
    %eq3A_1236 = arith.cmpi eq, %iota3A_850, %eq3A_1235 : vector<64x64xi32>
    %broadcast_in_dim3A_1237 = vector.shape_cast %broadcast_in_dim3A_1233 : vector<64x1xf32> to vector<64x1xf32>
    %broadcast_in_dim3A_1238 = vector.broadcast %broadcast_in_dim3A_1237 : vector<64x1xf32> to vector<64x64xf32>
    %select_n3A_1239 = arith.select %eq3A_1236, %broadcast_in_dim3A_1238, %select_n3A_1224 : vector<64x64xi1>, vector<64x64xf32>
    %slice3A_1240 = vector.extract_strided_slice %max3A_43 {offsets = [26, 0], sizes = [1, 4096], strides = [1, 1]} : vector<64x4096xf32> to vector<1x4096xf32>
    %jit3A_1241 = arith.constant -3.000000e+38 : f32
    %broadcast_in_dim3A_1242 = vector.shape_cast %slice3A_1240 : vector<1x4096xf32> to vector<1x4096xf32>
    %broadcast_in_dim3A_1243 = vector.broadcast %broadcast_in_dim3A_1242 : vector<1x4096xf32> to vector<64x4096xf32>
    %broadcast_in_dim3A_1244 = vector.broadcast %jit3A_1241 : f32 to vector<64x4096xf32>
    %select_n3A_1245 = arith.select %or3A, %broadcast_in_dim3A_1243, %broadcast_in_dim3A_1244 : vector<64x4096xi1>, vector<64x4096xf32>
    %reduce_max3A_1246 = arith.constant dense<0xFF800000> : vector<64xf32>
    %reduce_max3A_1247 = vector.multi_reduction <maximumf>, %select_n3A_1245, %reduce_max3A_1246 [1] : vector<64x4096xf32> to vector<64xf32>
    %broadcast_in_dim3A_1248 = vector.shape_cast %reduce_max3A_1247 : vector<64xf32> to vector<64x1xf32>
    %eq3A_1249 = arith.constant 26 : i32
    %eq3A_1250 = vector.broadcast %eq3A_1249 : i32 to vector<64x64xi32>
    %eq3A_1251 = arith.cmpi eq, %iota3A_850, %eq3A_1250 : vector<64x64xi32>
    %broadcast_in_dim3A_1252 = vector.shape_cast %broadcast_in_dim3A_1248 : vector<64x1xf32> to vector<64x1xf32>
    %broadcast_in_dim3A_1253 = vector.broadcast %broadcast_in_dim3A_1252 : vector<64x1xf32> to vector<64x64xf32>
    %select_n3A_1254 = arith.select %eq3A_1251, %broadcast_in_dim3A_1253, %select_n3A_1239 : vector<64x64xi1>, vector<64x64xf32>
    %slice3A_1255 = vector.extract_strided_slice %max3A_43 {offsets = [27, 0], sizes = [1, 4096], strides = [1, 1]} : vector<64x4096xf32> to vector<1x4096xf32>
    %jit3A_1256 = arith.constant -3.000000e+38 : f32
    %broadcast_in_dim3A_1257 = vector.shape_cast %slice3A_1255 : vector<1x4096xf32> to vector<1x4096xf32>
    %broadcast_in_dim3A_1258 = vector.broadcast %broadcast_in_dim3A_1257 : vector<1x4096xf32> to vector<64x4096xf32>
    %broadcast_in_dim3A_1259 = vector.broadcast %jit3A_1256 : f32 to vector<64x4096xf32>
    %select_n3A_1260 = arith.select %or3A, %broadcast_in_dim3A_1258, %broadcast_in_dim3A_1259 : vector<64x4096xi1>, vector<64x4096xf32>
    %reduce_max3A_1261 = arith.constant dense<0xFF800000> : vector<64xf32>
    %reduce_max3A_1262 = vector.multi_reduction <maximumf>, %select_n3A_1260, %reduce_max3A_1261 [1] : vector<64x4096xf32> to vector<64xf32>
    %broadcast_in_dim3A_1263 = vector.shape_cast %reduce_max3A_1262 : vector<64xf32> to vector<64x1xf32>
    %eq3A_1264 = arith.constant 27 : i32
    %eq3A_1265 = vector.broadcast %eq3A_1264 : i32 to vector<64x64xi32>
    %eq3A_1266 = arith.cmpi eq, %iota3A_850, %eq3A_1265 : vector<64x64xi32>
    %broadcast_in_dim3A_1267 = vector.shape_cast %broadcast_in_dim3A_1263 : vector<64x1xf32> to vector<64x1xf32>
    %broadcast_in_dim3A_1268 = vector.broadcast %broadcast_in_dim3A_1267 : vector<64x1xf32> to vector<64x64xf32>
    %select_n3A_1269 = arith.select %eq3A_1266, %broadcast_in_dim3A_1268, %select_n3A_1254 : vector<64x64xi1>, vector<64x64xf32>
    %slice3A_1270 = vector.extract_strided_slice %max3A_43 {offsets = [28, 0], sizes = [1, 4096], strides = [1, 1]} : vector<64x4096xf32> to vector<1x4096xf32>
    %jit3A_1271 = arith.constant -3.000000e+38 : f32
    %broadcast_in_dim3A_1272 = vector.shape_cast %slice3A_1270 : vector<1x4096xf32> to vector<1x4096xf32>
    %broadcast_in_dim3A_1273 = vector.broadcast %broadcast_in_dim3A_1272 : vector<1x4096xf32> to vector<64x4096xf32>
    %broadcast_in_dim3A_1274 = vector.broadcast %jit3A_1271 : f32 to vector<64x4096xf32>
    %select_n3A_1275 = arith.select %or3A, %broadcast_in_dim3A_1273, %broadcast_in_dim3A_1274 : vector<64x4096xi1>, vector<64x4096xf32>
    %reduce_max3A_1276 = arith.constant dense<0xFF800000> : vector<64xf32>
    %reduce_max3A_1277 = vector.multi_reduction <maximumf>, %select_n3A_1275, %reduce_max3A_1276 [1] : vector<64x4096xf32> to vector<64xf32>
    %broadcast_in_dim3A_1278 = vector.shape_cast %reduce_max3A_1277 : vector<64xf32> to vector<64x1xf32>
    %eq3A_1279 = arith.constant 28 : i32
    %eq3A_1280 = vector.broadcast %eq3A_1279 : i32 to vector<64x64xi32>
    %eq3A_1281 = arith.cmpi eq, %iota3A_850, %eq3A_1280 : vector<64x64xi32>
    %broadcast_in_dim3A_1282 = vector.shape_cast %broadcast_in_dim3A_1278 : vector<64x1xf32> to vector<64x1xf32>
    %broadcast_in_dim3A_1283 = vector.broadcast %broadcast_in_dim3A_1282 : vector<64x1xf32> to vector<64x64xf32>
    %select_n3A_1284 = arith.select %eq3A_1281, %broadcast_in_dim3A_1283, %select_n3A_1269 : vector<64x64xi1>, vector<64x64xf32>
    %slice3A_1285 = vector.extract_strided_slice %max3A_43 {offsets = [29, 0], sizes = [1, 4096], strides = [1, 1]} : vector<64x4096xf32> to vector<1x4096xf32>
    %jit3A_1286 = arith.constant -3.000000e+38 : f32
    %broadcast_in_dim3A_1287 = vector.shape_cast %slice3A_1285 : vector<1x4096xf32> to vector<1x4096xf32>
    %broadcast_in_dim3A_1288 = vector.broadcast %broadcast_in_dim3A_1287 : vector<1x4096xf32> to vector<64x4096xf32>
    %broadcast_in_dim3A_1289 = vector.broadcast %jit3A_1286 : f32 to vector<64x4096xf32>
    %select_n3A_1290 = arith.select %or3A, %broadcast_in_dim3A_1288, %broadcast_in_dim3A_1289 : vector<64x4096xi1>, vector<64x4096xf32>
    %reduce_max3A_1291 = arith.constant dense<0xFF800000> : vector<64xf32>
    %reduce_max3A_1292 = vector.multi_reduction <maximumf>, %select_n3A_1290, %reduce_max3A_1291 [1] : vector<64x4096xf32> to vector<64xf32>
    %broadcast_in_dim3A_1293 = vector.shape_cast %reduce_max3A_1292 : vector<64xf32> to vector<64x1xf32>
    %eq3A_1294 = arith.constant 29 : i32
    %eq3A_1295 = vector.broadcast %eq3A_1294 : i32 to vector<64x64xi32>
    %eq3A_1296 = arith.cmpi eq, %iota3A_850, %eq3A_1295 : vector<64x64xi32>
    %broadcast_in_dim3A_1297 = vector.shape_cast %broadcast_in_dim3A_1293 : vector<64x1xf32> to vector<64x1xf32>
    %broadcast_in_dim3A_1298 = vector.broadcast %broadcast_in_dim3A_1297 : vector<64x1xf32> to vector<64x64xf32>
    %select_n3A_1299 = arith.select %eq3A_1296, %broadcast_in_dim3A_1298, %select_n3A_1284 : vector<64x64xi1>, vector<64x64xf32>
    %slice3A_1300 = vector.extract_strided_slice %max3A_43 {offsets = [30, 0], sizes = [1, 4096], strides = [1, 1]} : vector<64x4096xf32> to vector<1x4096xf32>
    %jit3A_1301 = arith.constant -3.000000e+38 : f32
    %broadcast_in_dim3A_1302 = vector.shape_cast %slice3A_1300 : vector<1x4096xf32> to vector<1x4096xf32>
    %broadcast_in_dim3A_1303 = vector.broadcast %broadcast_in_dim3A_1302 : vector<1x4096xf32> to vector<64x4096xf32>
    %broadcast_in_dim3A_1304 = vector.broadcast %jit3A_1301 : f32 to vector<64x4096xf32>
    %select_n3A_1305 = arith.select %or3A, %broadcast_in_dim3A_1303, %broadcast_in_dim3A_1304 : vector<64x4096xi1>, vector<64x4096xf32>
    %reduce_max3A_1306 = arith.constant dense<0xFF800000> : vector<64xf32>
    %reduce_max3A_1307 = vector.multi_reduction <maximumf>, %select_n3A_1305, %reduce_max3A_1306 [1] : vector<64x4096xf32> to vector<64xf32>
    %broadcast_in_dim3A_1308 = vector.shape_cast %reduce_max3A_1307 : vector<64xf32> to vector<64x1xf32>
    %eq3A_1309 = arith.constant 30 : i32
    %eq3A_1310 = vector.broadcast %eq3A_1309 : i32 to vector<64x64xi32>
    %eq3A_1311 = arith.cmpi eq, %iota3A_850, %eq3A_1310 : vector<64x64xi32>
    %broadcast_in_dim3A_1312 = vector.shape_cast %broadcast_in_dim3A_1308 : vector<64x1xf32> to vector<64x1xf32>
    %broadcast_in_dim3A_1313 = vector.broadcast %broadcast_in_dim3A_1312 : vector<64x1xf32> to vector<64x64xf32>
    %select_n3A_1314 = arith.select %eq3A_1311, %broadcast_in_dim3A_1313, %select_n3A_1299 : vector<64x64xi1>, vector<64x64xf32>
    %slice3A_1315 = vector.extract_strided_slice %max3A_43 {offsets = [31, 0], sizes = [1, 4096], strides = [1, 1]} : vector<64x4096xf32> to vector<1x4096xf32>
    %jit3A_1316 = arith.constant -3.000000e+38 : f32
    %broadcast_in_dim3A_1317 = vector.shape_cast %slice3A_1315 : vector<1x4096xf32> to vector<1x4096xf32>
    %broadcast_in_dim3A_1318 = vector.broadcast %broadcast_in_dim3A_1317 : vector<1x4096xf32> to vector<64x4096xf32>
    %broadcast_in_dim3A_1319 = vector.broadcast %jit3A_1316 : f32 to vector<64x4096xf32>
    %select_n3A_1320 = arith.select %or3A, %broadcast_in_dim3A_1318, %broadcast_in_dim3A_1319 : vector<64x4096xi1>, vector<64x4096xf32>
    %reduce_max3A_1321 = arith.constant dense<0xFF800000> : vector<64xf32>
    %reduce_max3A_1322 = vector.multi_reduction <maximumf>, %select_n3A_1320, %reduce_max3A_1321 [1] : vector<64x4096xf32> to vector<64xf32>
    %broadcast_in_dim3A_1323 = vector.shape_cast %reduce_max3A_1322 : vector<64xf32> to vector<64x1xf32>
    %eq3A_1324 = arith.constant 31 : i32
    %eq3A_1325 = vector.broadcast %eq3A_1324 : i32 to vector<64x64xi32>
    %eq3A_1326 = arith.cmpi eq, %iota3A_850, %eq3A_1325 : vector<64x64xi32>
    %broadcast_in_dim3A_1327 = vector.shape_cast %broadcast_in_dim3A_1323 : vector<64x1xf32> to vector<64x1xf32>
    %broadcast_in_dim3A_1328 = vector.broadcast %broadcast_in_dim3A_1327 : vector<64x1xf32> to vector<64x64xf32>
    %select_n3A_1329 = arith.select %eq3A_1326, %broadcast_in_dim3A_1328, %select_n3A_1314 : vector<64x64xi1>, vector<64x64xf32>
    %slice3A_1330 = vector.extract_strided_slice %max3A_43 {offsets = [32, 0], sizes = [1, 4096], strides = [1, 1]} : vector<64x4096xf32> to vector<1x4096xf32>
    %jit3A_1331 = arith.constant -3.000000e+38 : f32
    %broadcast_in_dim3A_1332 = vector.shape_cast %slice3A_1330 : vector<1x4096xf32> to vector<1x4096xf32>
    %broadcast_in_dim3A_1333 = vector.broadcast %broadcast_in_dim3A_1332 : vector<1x4096xf32> to vector<64x4096xf32>
    %broadcast_in_dim3A_1334 = vector.broadcast %jit3A_1331 : f32 to vector<64x4096xf32>
    %select_n3A_1335 = arith.select %or3A, %broadcast_in_dim3A_1333, %broadcast_in_dim3A_1334 : vector<64x4096xi1>, vector<64x4096xf32>
    %reduce_max3A_1336 = arith.constant dense<0xFF800000> : vector<64xf32>
    %reduce_max3A_1337 = vector.multi_reduction <maximumf>, %select_n3A_1335, %reduce_max3A_1336 [1] : vector<64x4096xf32> to vector<64xf32>
    %broadcast_in_dim3A_1338 = vector.shape_cast %reduce_max3A_1337 : vector<64xf32> to vector<64x1xf32>
    %eq3A_1339 = arith.constant 32 : i32
    %eq3A_1340 = vector.broadcast %eq3A_1339 : i32 to vector<64x64xi32>
    %eq3A_1341 = arith.cmpi eq, %iota3A_850, %eq3A_1340 : vector<64x64xi32>
    %broadcast_in_dim3A_1342 = vector.shape_cast %broadcast_in_dim3A_1338 : vector<64x1xf32> to vector<64x1xf32>
    %broadcast_in_dim3A_1343 = vector.broadcast %broadcast_in_dim3A_1342 : vector<64x1xf32> to vector<64x64xf32>
    %select_n3A_1344 = arith.select %eq3A_1341, %broadcast_in_dim3A_1343, %select_n3A_1329 : vector<64x64xi1>, vector<64x64xf32>
    %slice3A_1345 = vector.extract_strided_slice %max3A_43 {offsets = [33, 0], sizes = [1, 4096], strides = [1, 1]} : vector<64x4096xf32> to vector<1x4096xf32>
    %jit3A_1346 = arith.constant -3.000000e+38 : f32
    %broadcast_in_dim3A_1347 = vector.shape_cast %slice3A_1345 : vector<1x4096xf32> to vector<1x4096xf32>
    %broadcast_in_dim3A_1348 = vector.broadcast %broadcast_in_dim3A_1347 : vector<1x4096xf32> to vector<64x4096xf32>
    %broadcast_in_dim3A_1349 = vector.broadcast %jit3A_1346 : f32 to vector<64x4096xf32>
    %select_n3A_1350 = arith.select %or3A, %broadcast_in_dim3A_1348, %broadcast_in_dim3A_1349 : vector<64x4096xi1>, vector<64x4096xf32>
    %reduce_max3A_1351 = arith.constant dense<0xFF800000> : vector<64xf32>
    %reduce_max3A_1352 = vector.multi_reduction <maximumf>, %select_n3A_1350, %reduce_max3A_1351 [1] : vector<64x4096xf32> to vector<64xf32>
    %broadcast_in_dim3A_1353 = vector.shape_cast %reduce_max3A_1352 : vector<64xf32> to vector<64x1xf32>
    %eq3A_1354 = arith.constant 33 : i32
    %eq3A_1355 = vector.broadcast %eq3A_1354 : i32 to vector<64x64xi32>
    %eq3A_1356 = arith.cmpi eq, %iota3A_850, %eq3A_1355 : vector<64x64xi32>
    %broadcast_in_dim3A_1357 = vector.shape_cast %broadcast_in_dim3A_1353 : vector<64x1xf32> to vector<64x1xf32>
    %broadcast_in_dim3A_1358 = vector.broadcast %broadcast_in_dim3A_1357 : vector<64x1xf32> to vector<64x64xf32>
    %select_n3A_1359 = arith.select %eq3A_1356, %broadcast_in_dim3A_1358, %select_n3A_1344 : vector<64x64xi1>, vector<64x64xf32>
    %slice3A_1360 = vector.extract_strided_slice %max3A_43 {offsets = [34, 0], sizes = [1, 4096], strides = [1, 1]} : vector<64x4096xf32> to vector<1x4096xf32>
    %jit3A_1361 = arith.constant -3.000000e+38 : f32
    %broadcast_in_dim3A_1362 = vector.shape_cast %slice3A_1360 : vector<1x4096xf32> to vector<1x4096xf32>
    %broadcast_in_dim3A_1363 = vector.broadcast %broadcast_in_dim3A_1362 : vector<1x4096xf32> to vector<64x4096xf32>
    %broadcast_in_dim3A_1364 = vector.broadcast %jit3A_1361 : f32 to vector<64x4096xf32>
    %select_n3A_1365 = arith.select %or3A, %broadcast_in_dim3A_1363, %broadcast_in_dim3A_1364 : vector<64x4096xi1>, vector<64x4096xf32>
    %reduce_max3A_1366 = arith.constant dense<0xFF800000> : vector<64xf32>
    %reduce_max3A_1367 = vector.multi_reduction <maximumf>, %select_n3A_1365, %reduce_max3A_1366 [1] : vector<64x4096xf32> to vector<64xf32>
    %broadcast_in_dim3A_1368 = vector.shape_cast %reduce_max3A_1367 : vector<64xf32> to vector<64x1xf32>
    %eq3A_1369 = arith.constant 34 : i32
    %eq3A_1370 = vector.broadcast %eq3A_1369 : i32 to vector<64x64xi32>
    %eq3A_1371 = arith.cmpi eq, %iota3A_850, %eq3A_1370 : vector<64x64xi32>
    %broadcast_in_dim3A_1372 = vector.shape_cast %broadcast_in_dim3A_1368 : vector<64x1xf32> to vector<64x1xf32>
    %broadcast_in_dim3A_1373 = vector.broadcast %broadcast_in_dim3A_1372 : vector<64x1xf32> to vector<64x64xf32>
    %select_n3A_1374 = arith.select %eq3A_1371, %broadcast_in_dim3A_1373, %select_n3A_1359 : vector<64x64xi1>, vector<64x64xf32>
    %slice3A_1375 = vector.extract_strided_slice %max3A_43 {offsets = [35, 0], sizes = [1, 4096], strides = [1, 1]} : vector<64x4096xf32> to vector<1x4096xf32>
    %jit3A_1376 = arith.constant -3.000000e+38 : f32
    %broadcast_in_dim3A_1377 = vector.shape_cast %slice3A_1375 : vector<1x4096xf32> to vector<1x4096xf32>
    %broadcast_in_dim3A_1378 = vector.broadcast %broadcast_in_dim3A_1377 : vector<1x4096xf32> to vector<64x4096xf32>
    %broadcast_in_dim3A_1379 = vector.broadcast %jit3A_1376 : f32 to vector<64x4096xf32>
    %select_n3A_1380 = arith.select %or3A, %broadcast_in_dim3A_1378, %broadcast_in_dim3A_1379 : vector<64x4096xi1>, vector<64x4096xf32>
    %reduce_max3A_1381 = arith.constant dense<0xFF800000> : vector<64xf32>
    %reduce_max3A_1382 = vector.multi_reduction <maximumf>, %select_n3A_1380, %reduce_max3A_1381 [1] : vector<64x4096xf32> to vector<64xf32>
    %broadcast_in_dim3A_1383 = vector.shape_cast %reduce_max3A_1382 : vector<64xf32> to vector<64x1xf32>
    %eq3A_1384 = arith.constant 35 : i32
    %eq3A_1385 = vector.broadcast %eq3A_1384 : i32 to vector<64x64xi32>
    %eq3A_1386 = arith.cmpi eq, %iota3A_850, %eq3A_1385 : vector<64x64xi32>
    %broadcast_in_dim3A_1387 = vector.shape_cast %broadcast_in_dim3A_1383 : vector<64x1xf32> to vector<64x1xf32>
    %broadcast_in_dim3A_1388 = vector.broadcast %broadcast_in_dim3A_1387 : vector<64x1xf32> to vector<64x64xf32>
    %select_n3A_1389 = arith.select %eq3A_1386, %broadcast_in_dim3A_1388, %select_n3A_1374 : vector<64x64xi1>, vector<64x64xf32>
    %slice3A_1390 = vector.extract_strided_slice %max3A_43 {offsets = [36, 0], sizes = [1, 4096], strides = [1, 1]} : vector<64x4096xf32> to vector<1x4096xf32>
    %jit3A_1391 = arith.constant -3.000000e+38 : f32
    %broadcast_in_dim3A_1392 = vector.shape_cast %slice3A_1390 : vector<1x4096xf32> to vector<1x4096xf32>
    %broadcast_in_dim3A_1393 = vector.broadcast %broadcast_in_dim3A_1392 : vector<1x4096xf32> to vector<64x4096xf32>
    %broadcast_in_dim3A_1394 = vector.broadcast %jit3A_1391 : f32 to vector<64x4096xf32>
    %select_n3A_1395 = arith.select %or3A, %broadcast_in_dim3A_1393, %broadcast_in_dim3A_1394 : vector<64x4096xi1>, vector<64x4096xf32>
    %reduce_max3A_1396 = arith.constant dense<0xFF800000> : vector<64xf32>
    %reduce_max3A_1397 = vector.multi_reduction <maximumf>, %select_n3A_1395, %reduce_max3A_1396 [1] : vector<64x4096xf32> to vector<64xf32>
    %broadcast_in_dim3A_1398 = vector.shape_cast %reduce_max3A_1397 : vector<64xf32> to vector<64x1xf32>
    %eq3A_1399 = arith.constant 36 : i32
    %eq3A_1400 = vector.broadcast %eq3A_1399 : i32 to vector<64x64xi32>
    %eq3A_1401 = arith.cmpi eq, %iota3A_850, %eq3A_1400 : vector<64x64xi32>
    %broadcast_in_dim3A_1402 = vector.shape_cast %broadcast_in_dim3A_1398 : vector<64x1xf32> to vector<64x1xf32>
    %broadcast_in_dim3A_1403 = vector.broadcast %broadcast_in_dim3A_1402 : vector<64x1xf32> to vector<64x64xf32>
    %select_n3A_1404 = arith.select %eq3A_1401, %broadcast_in_dim3A_1403, %select_n3A_1389 : vector<64x64xi1>, vector<64x64xf32>
    %slice3A_1405 = vector.extract_strided_slice %max3A_43 {offsets = [37, 0], sizes = [1, 4096], strides = [1, 1]} : vector<64x4096xf32> to vector<1x4096xf32>
    %jit3A_1406 = arith.constant -3.000000e+38 : f32
    %broadcast_in_dim3A_1407 = vector.shape_cast %slice3A_1405 : vector<1x4096xf32> to vector<1x4096xf32>
    %broadcast_in_dim3A_1408 = vector.broadcast %broadcast_in_dim3A_1407 : vector<1x4096xf32> to vector<64x4096xf32>
    %broadcast_in_dim3A_1409 = vector.broadcast %jit3A_1406 : f32 to vector<64x4096xf32>
    %select_n3A_1410 = arith.select %or3A, %broadcast_in_dim3A_1408, %broadcast_in_dim3A_1409 : vector<64x4096xi1>, vector<64x4096xf32>
    %reduce_max3A_1411 = arith.constant dense<0xFF800000> : vector<64xf32>
    %reduce_max3A_1412 = vector.multi_reduction <maximumf>, %select_n3A_1410, %reduce_max3A_1411 [1] : vector<64x4096xf32> to vector<64xf32>
    %broadcast_in_dim3A_1413 = vector.shape_cast %reduce_max3A_1412 : vector<64xf32> to vector<64x1xf32>
    %eq3A_1414 = arith.constant 37 : i32
    %eq3A_1415 = vector.broadcast %eq3A_1414 : i32 to vector<64x64xi32>
    %eq3A_1416 = arith.cmpi eq, %iota3A_850, %eq3A_1415 : vector<64x64xi32>
    %broadcast_in_dim3A_1417 = vector.shape_cast %broadcast_in_dim3A_1413 : vector<64x1xf32> to vector<64x1xf32>
    %broadcast_in_dim3A_1418 = vector.broadcast %broadcast_in_dim3A_1417 : vector<64x1xf32> to vector<64x64xf32>
    %select_n3A_1419 = arith.select %eq3A_1416, %broadcast_in_dim3A_1418, %select_n3A_1404 : vector<64x64xi1>, vector<64x64xf32>
    %slice3A_1420 = vector.extract_strided_slice %max3A_43 {offsets = [38, 0], sizes = [1, 4096], strides = [1, 1]} : vector<64x4096xf32> to vector<1x4096xf32>
    %jit3A_1421 = arith.constant -3.000000e+38 : f32
    %broadcast_in_dim3A_1422 = vector.shape_cast %slice3A_1420 : vector<1x4096xf32> to vector<1x4096xf32>
    %broadcast_in_dim3A_1423 = vector.broadcast %broadcast_in_dim3A_1422 : vector<1x4096xf32> to vector<64x4096xf32>
    %broadcast_in_dim3A_1424 = vector.broadcast %jit3A_1421 : f32 to vector<64x4096xf32>
    %select_n3A_1425 = arith.select %or3A, %broadcast_in_dim3A_1423, %broadcast_in_dim3A_1424 : vector<64x4096xi1>, vector<64x4096xf32>
    %reduce_max3A_1426 = arith.constant dense<0xFF800000> : vector<64xf32>
    %reduce_max3A_1427 = vector.multi_reduction <maximumf>, %select_n3A_1425, %reduce_max3A_1426 [1] : vector<64x4096xf32> to vector<64xf32>
    %broadcast_in_dim3A_1428 = vector.shape_cast %reduce_max3A_1427 : vector<64xf32> to vector<64x1xf32>
    %eq3A_1429 = arith.constant 38 : i32
    %eq3A_1430 = vector.broadcast %eq3A_1429 : i32 to vector<64x64xi32>
    %eq3A_1431 = arith.cmpi eq, %iota3A_850, %eq3A_1430 : vector<64x64xi32>
    %broadcast_in_dim3A_1432 = vector.shape_cast %broadcast_in_dim3A_1428 : vector<64x1xf32> to vector<64x1xf32>
    %broadcast_in_dim3A_1433 = vector.broadcast %broadcast_in_dim3A_1432 : vector<64x1xf32> to vector<64x64xf32>
    %select_n3A_1434 = arith.select %eq3A_1431, %broadcast_in_dim3A_1433, %select_n3A_1419 : vector<64x64xi1>, vector<64x64xf32>
    %slice3A_1435 = vector.extract_strided_slice %max3A_43 {offsets = [39, 0], sizes = [1, 4096], strides = [1, 1]} : vector<64x4096xf32> to vector<1x4096xf32>
    %jit3A_1436 = arith.constant -3.000000e+38 : f32
    %broadcast_in_dim3A_1437 = vector.shape_cast %slice3A_1435 : vector<1x4096xf32> to vector<1x4096xf32>
    %broadcast_in_dim3A_1438 = vector.broadcast %broadcast_in_dim3A_1437 : vector<1x4096xf32> to vector<64x4096xf32>
    %broadcast_in_dim3A_1439 = vector.broadcast %jit3A_1436 : f32 to vector<64x4096xf32>
    %select_n3A_1440 = arith.select %or3A, %broadcast_in_dim3A_1438, %broadcast_in_dim3A_1439 : vector<64x4096xi1>, vector<64x4096xf32>
    %reduce_max3A_1441 = arith.constant dense<0xFF800000> : vector<64xf32>
    %reduce_max3A_1442 = vector.multi_reduction <maximumf>, %select_n3A_1440, %reduce_max3A_1441 [1] : vector<64x4096xf32> to vector<64xf32>
    %broadcast_in_dim3A_1443 = vector.shape_cast %reduce_max3A_1442 : vector<64xf32> to vector<64x1xf32>
    %eq3A_1444 = arith.constant 39 : i32
    %eq3A_1445 = vector.broadcast %eq3A_1444 : i32 to vector<64x64xi32>
    %eq3A_1446 = arith.cmpi eq, %iota3A_850, %eq3A_1445 : vector<64x64xi32>
    %broadcast_in_dim3A_1447 = vector.shape_cast %broadcast_in_dim3A_1443 : vector<64x1xf32> to vector<64x1xf32>
    %broadcast_in_dim3A_1448 = vector.broadcast %broadcast_in_dim3A_1447 : vector<64x1xf32> to vector<64x64xf32>
    %select_n3A_1449 = arith.select %eq3A_1446, %broadcast_in_dim3A_1448, %select_n3A_1434 : vector<64x64xi1>, vector<64x64xf32>
    %slice3A_1450 = vector.extract_strided_slice %max3A_43 {offsets = [40, 0], sizes = [1, 4096], strides = [1, 1]} : vector<64x4096xf32> to vector<1x4096xf32>
    %jit3A_1451 = arith.constant -3.000000e+38 : f32
    %broadcast_in_dim3A_1452 = vector.shape_cast %slice3A_1450 : vector<1x4096xf32> to vector<1x4096xf32>
    %broadcast_in_dim3A_1453 = vector.broadcast %broadcast_in_dim3A_1452 : vector<1x4096xf32> to vector<64x4096xf32>
    %broadcast_in_dim3A_1454 = vector.broadcast %jit3A_1451 : f32 to vector<64x4096xf32>
    %select_n3A_1455 = arith.select %or3A, %broadcast_in_dim3A_1453, %broadcast_in_dim3A_1454 : vector<64x4096xi1>, vector<64x4096xf32>
    %reduce_max3A_1456 = arith.constant dense<0xFF800000> : vector<64xf32>
    %reduce_max3A_1457 = vector.multi_reduction <maximumf>, %select_n3A_1455, %reduce_max3A_1456 [1] : vector<64x4096xf32> to vector<64xf32>
    %broadcast_in_dim3A_1458 = vector.shape_cast %reduce_max3A_1457 : vector<64xf32> to vector<64x1xf32>
    %eq3A_1459 = arith.constant 40 : i32
    %eq3A_1460 = vector.broadcast %eq3A_1459 : i32 to vector<64x64xi32>
    %eq3A_1461 = arith.cmpi eq, %iota3A_850, %eq3A_1460 : vector<64x64xi32>
    %broadcast_in_dim3A_1462 = vector.shape_cast %broadcast_in_dim3A_1458 : vector<64x1xf32> to vector<64x1xf32>
    %broadcast_in_dim3A_1463 = vector.broadcast %broadcast_in_dim3A_1462 : vector<64x1xf32> to vector<64x64xf32>
    %select_n3A_1464 = arith.select %eq3A_1461, %broadcast_in_dim3A_1463, %select_n3A_1449 : vector<64x64xi1>, vector<64x64xf32>
    %slice3A_1465 = vector.extract_strided_slice %max3A_43 {offsets = [41, 0], sizes = [1, 4096], strides = [1, 1]} : vector<64x4096xf32> to vector<1x4096xf32>
    %jit3A_1466 = arith.constant -3.000000e+38 : f32
    %broadcast_in_dim3A_1467 = vector.shape_cast %slice3A_1465 : vector<1x4096xf32> to vector<1x4096xf32>
    %broadcast_in_dim3A_1468 = vector.broadcast %broadcast_in_dim3A_1467 : vector<1x4096xf32> to vector<64x4096xf32>
    %broadcast_in_dim3A_1469 = vector.broadcast %jit3A_1466 : f32 to vector<64x4096xf32>
    %select_n3A_1470 = arith.select %or3A, %broadcast_in_dim3A_1468, %broadcast_in_dim3A_1469 : vector<64x4096xi1>, vector<64x4096xf32>
    %reduce_max3A_1471 = arith.constant dense<0xFF800000> : vector<64xf32>
    %reduce_max3A_1472 = vector.multi_reduction <maximumf>, %select_n3A_1470, %reduce_max3A_1471 [1] : vector<64x4096xf32> to vector<64xf32>
    %broadcast_in_dim3A_1473 = vector.shape_cast %reduce_max3A_1472 : vector<64xf32> to vector<64x1xf32>
    %eq3A_1474 = arith.constant 41 : i32
    %eq3A_1475 = vector.broadcast %eq3A_1474 : i32 to vector<64x64xi32>
    %eq3A_1476 = arith.cmpi eq, %iota3A_850, %eq3A_1475 : vector<64x64xi32>
    %broadcast_in_dim3A_1477 = vector.shape_cast %broadcast_in_dim3A_1473 : vector<64x1xf32> to vector<64x1xf32>
    %broadcast_in_dim3A_1478 = vector.broadcast %broadcast_in_dim3A_1477 : vector<64x1xf32> to vector<64x64xf32>
    %select_n3A_1479 = arith.select %eq3A_1476, %broadcast_in_dim3A_1478, %select_n3A_1464 : vector<64x64xi1>, vector<64x64xf32>
    %slice3A_1480 = vector.extract_strided_slice %max3A_43 {offsets = [42, 0], sizes = [1, 4096], strides = [1, 1]} : vector<64x4096xf32> to vector<1x4096xf32>
    %jit3A_1481 = arith.constant -3.000000e+38 : f32
    %broadcast_in_dim3A_1482 = vector.shape_cast %slice3A_1480 : vector<1x4096xf32> to vector<1x4096xf32>
    %broadcast_in_dim3A_1483 = vector.broadcast %broadcast_in_dim3A_1482 : vector<1x4096xf32> to vector<64x4096xf32>
    %broadcast_in_dim3A_1484 = vector.broadcast %jit3A_1481 : f32 to vector<64x4096xf32>
    %select_n3A_1485 = arith.select %or3A, %broadcast_in_dim3A_1483, %broadcast_in_dim3A_1484 : vector<64x4096xi1>, vector<64x4096xf32>
    %reduce_max3A_1486 = arith.constant dense<0xFF800000> : vector<64xf32>
    %reduce_max3A_1487 = vector.multi_reduction <maximumf>, %select_n3A_1485, %reduce_max3A_1486 [1] : vector<64x4096xf32> to vector<64xf32>
    %broadcast_in_dim3A_1488 = vector.shape_cast %reduce_max3A_1487 : vector<64xf32> to vector<64x1xf32>
    %eq3A_1489 = arith.constant 42 : i32
    %eq3A_1490 = vector.broadcast %eq3A_1489 : i32 to vector<64x64xi32>
    %eq3A_1491 = arith.cmpi eq, %iota3A_850, %eq3A_1490 : vector<64x64xi32>
    %broadcast_in_dim3A_1492 = vector.shape_cast %broadcast_in_dim3A_1488 : vector<64x1xf32> to vector<64x1xf32>
    %broadcast_in_dim3A_1493 = vector.broadcast %broadcast_in_dim3A_1492 : vector<64x1xf32> to vector<64x64xf32>
    %select_n3A_1494 = arith.select %eq3A_1491, %broadcast_in_dim3A_1493, %select_n3A_1479 : vector<64x64xi1>, vector<64x64xf32>
    %slice3A_1495 = vector.extract_strided_slice %max3A_43 {offsets = [43, 0], sizes = [1, 4096], strides = [1, 1]} : vector<64x4096xf32> to vector<1x4096xf32>
    %jit3A_1496 = arith.constant -3.000000e+38 : f32
    %broadcast_in_dim3A_1497 = vector.shape_cast %slice3A_1495 : vector<1x4096xf32> to vector<1x4096xf32>
    %broadcast_in_dim3A_1498 = vector.broadcast %broadcast_in_dim3A_1497 : vector<1x4096xf32> to vector<64x4096xf32>
    %broadcast_in_dim3A_1499 = vector.broadcast %jit3A_1496 : f32 to vector<64x4096xf32>
    %select_n3A_1500 = arith.select %or3A, %broadcast_in_dim3A_1498, %broadcast_in_dim3A_1499 : vector<64x4096xi1>, vector<64x4096xf32>
    %reduce_max3A_1501 = arith.constant dense<0xFF800000> : vector<64xf32>
    %reduce_max3A_1502 = vector.multi_reduction <maximumf>, %select_n3A_1500, %reduce_max3A_1501 [1] : vector<64x4096xf32> to vector<64xf32>
    %broadcast_in_dim3A_1503 = vector.shape_cast %reduce_max3A_1502 : vector<64xf32> to vector<64x1xf32>
    %eq3A_1504 = arith.constant 43 : i32
    %eq3A_1505 = vector.broadcast %eq3A_1504 : i32 to vector<64x64xi32>
    %eq3A_1506 = arith.cmpi eq, %iota3A_850, %eq3A_1505 : vector<64x64xi32>
    %broadcast_in_dim3A_1507 = vector.shape_cast %broadcast_in_dim3A_1503 : vector<64x1xf32> to vector<64x1xf32>
    %broadcast_in_dim3A_1508 = vector.broadcast %broadcast_in_dim3A_1507 : vector<64x1xf32> to vector<64x64xf32>
    %select_n3A_1509 = arith.select %eq3A_1506, %broadcast_in_dim3A_1508, %select_n3A_1494 : vector<64x64xi1>, vector<64x64xf32>
    %slice3A_1510 = vector.extract_strided_slice %max3A_43 {offsets = [44, 0], sizes = [1, 4096], strides = [1, 1]} : vector<64x4096xf32> to vector<1x4096xf32>
    %jit3A_1511 = arith.constant -3.000000e+38 : f32
    %broadcast_in_dim3A_1512 = vector.shape_cast %slice3A_1510 : vector<1x4096xf32> to vector<1x4096xf32>
    %broadcast_in_dim3A_1513 = vector.broadcast %broadcast_in_dim3A_1512 : vector<1x4096xf32> to vector<64x4096xf32>
    %broadcast_in_dim3A_1514 = vector.broadcast %jit3A_1511 : f32 to vector<64x4096xf32>
    %select_n3A_1515 = arith.select %or3A, %broadcast_in_dim3A_1513, %broadcast_in_dim3A_1514 : vector<64x4096xi1>, vector<64x4096xf32>
    %reduce_max3A_1516 = arith.constant dense<0xFF800000> : vector<64xf32>
    %reduce_max3A_1517 = vector.multi_reduction <maximumf>, %select_n3A_1515, %reduce_max3A_1516 [1] : vector<64x4096xf32> to vector<64xf32>
    %broadcast_in_dim3A_1518 = vector.shape_cast %reduce_max3A_1517 : vector<64xf32> to vector<64x1xf32>
    %eq3A_1519 = arith.constant 44 : i32
    %eq3A_1520 = vector.broadcast %eq3A_1519 : i32 to vector<64x64xi32>
    %eq3A_1521 = arith.cmpi eq, %iota3A_850, %eq3A_1520 : vector<64x64xi32>
    %broadcast_in_dim3A_1522 = vector.shape_cast %broadcast_in_dim3A_1518 : vector<64x1xf32> to vector<64x1xf32>
    %broadcast_in_dim3A_1523 = vector.broadcast %broadcast_in_dim3A_1522 : vector<64x1xf32> to vector<64x64xf32>
    %select_n3A_1524 = arith.select %eq3A_1521, %broadcast_in_dim3A_1523, %select_n3A_1509 : vector<64x64xi1>, vector<64x64xf32>
    %slice3A_1525 = vector.extract_strided_slice %max3A_43 {offsets = [45, 0], sizes = [1, 4096], strides = [1, 1]} : vector<64x4096xf32> to vector<1x4096xf32>
    %jit3A_1526 = arith.constant -3.000000e+38 : f32
    %broadcast_in_dim3A_1527 = vector.shape_cast %slice3A_1525 : vector<1x4096xf32> to vector<1x4096xf32>
    %broadcast_in_dim3A_1528 = vector.broadcast %broadcast_in_dim3A_1527 : vector<1x4096xf32> to vector<64x4096xf32>
    %broadcast_in_dim3A_1529 = vector.broadcast %jit3A_1526 : f32 to vector<64x4096xf32>
    %select_n3A_1530 = arith.select %or3A, %broadcast_in_dim3A_1528, %broadcast_in_dim3A_1529 : vector<64x4096xi1>, vector<64x4096xf32>
    %reduce_max3A_1531 = arith.constant dense<0xFF800000> : vector<64xf32>
    %reduce_max3A_1532 = vector.multi_reduction <maximumf>, %select_n3A_1530, %reduce_max3A_1531 [1] : vector<64x4096xf32> to vector<64xf32>
    %broadcast_in_dim3A_1533 = vector.shape_cast %reduce_max3A_1532 : vector<64xf32> to vector<64x1xf32>
    %eq3A_1534 = arith.constant 45 : i32
    %eq3A_1535 = vector.broadcast %eq3A_1534 : i32 to vector<64x64xi32>
    %eq3A_1536 = arith.cmpi eq, %iota3A_850, %eq3A_1535 : vector<64x64xi32>
    %broadcast_in_dim3A_1537 = vector.shape_cast %broadcast_in_dim3A_1533 : vector<64x1xf32> to vector<64x1xf32>
    %broadcast_in_dim3A_1538 = vector.broadcast %broadcast_in_dim3A_1537 : vector<64x1xf32> to vector<64x64xf32>
    %select_n3A_1539 = arith.select %eq3A_1536, %broadcast_in_dim3A_1538, %select_n3A_1524 : vector<64x64xi1>, vector<64x64xf32>
    %slice3A_1540 = vector.extract_strided_slice %max3A_43 {offsets = [46, 0], sizes = [1, 4096], strides = [1, 1]} : vector<64x4096xf32> to vector<1x4096xf32>
    %jit3A_1541 = arith.constant -3.000000e+38 : f32
    %broadcast_in_dim3A_1542 = vector.shape_cast %slice3A_1540 : vector<1x4096xf32> to vector<1x4096xf32>
    %broadcast_in_dim3A_1543 = vector.broadcast %broadcast_in_dim3A_1542 : vector<1x4096xf32> to vector<64x4096xf32>
    %broadcast_in_dim3A_1544 = vector.broadcast %jit3A_1541 : f32 to vector<64x4096xf32>
    %select_n3A_1545 = arith.select %or3A, %broadcast_in_dim3A_1543, %broadcast_in_dim3A_1544 : vector<64x4096xi1>, vector<64x4096xf32>
    %reduce_max3A_1546 = arith.constant dense<0xFF800000> : vector<64xf32>
    %reduce_max3A_1547 = vector.multi_reduction <maximumf>, %select_n3A_1545, %reduce_max3A_1546 [1] : vector<64x4096xf32> to vector<64xf32>
    %broadcast_in_dim3A_1548 = vector.shape_cast %reduce_max3A_1547 : vector<64xf32> to vector<64x1xf32>
    %eq3A_1549 = arith.constant 46 : i32
    %eq3A_1550 = vector.broadcast %eq3A_1549 : i32 to vector<64x64xi32>
    %eq3A_1551 = arith.cmpi eq, %iota3A_850, %eq3A_1550 : vector<64x64xi32>
    %broadcast_in_dim3A_1552 = vector.shape_cast %broadcast_in_dim3A_1548 : vector<64x1xf32> to vector<64x1xf32>
    %broadcast_in_dim3A_1553 = vector.broadcast %broadcast_in_dim3A_1552 : vector<64x1xf32> to vector<64x64xf32>
    %select_n3A_1554 = arith.select %eq3A_1551, %broadcast_in_dim3A_1553, %select_n3A_1539 : vector<64x64xi1>, vector<64x64xf32>
    %slice3A_1555 = vector.extract_strided_slice %max3A_43 {offsets = [47, 0], sizes = [1, 4096], strides = [1, 1]} : vector<64x4096xf32> to vector<1x4096xf32>
    %jit3A_1556 = arith.constant -3.000000e+38 : f32
    %broadcast_in_dim3A_1557 = vector.shape_cast %slice3A_1555 : vector<1x4096xf32> to vector<1x4096xf32>
    %broadcast_in_dim3A_1558 = vector.broadcast %broadcast_in_dim3A_1557 : vector<1x4096xf32> to vector<64x4096xf32>
    %broadcast_in_dim3A_1559 = vector.broadcast %jit3A_1556 : f32 to vector<64x4096xf32>
    %select_n3A_1560 = arith.select %or3A, %broadcast_in_dim3A_1558, %broadcast_in_dim3A_1559 : vector<64x4096xi1>, vector<64x4096xf32>
    %reduce_max3A_1561 = arith.constant dense<0xFF800000> : vector<64xf32>
    %reduce_max3A_1562 = vector.multi_reduction <maximumf>, %select_n3A_1560, %reduce_max3A_1561 [1] : vector<64x4096xf32> to vector<64xf32>
    %broadcast_in_dim3A_1563 = vector.shape_cast %reduce_max3A_1562 : vector<64xf32> to vector<64x1xf32>
    %eq3A_1564 = arith.constant 47 : i32
    %eq3A_1565 = vector.broadcast %eq3A_1564 : i32 to vector<64x64xi32>
    %eq3A_1566 = arith.cmpi eq, %iota3A_850, %eq3A_1565 : vector<64x64xi32>
    %broadcast_in_dim3A_1567 = vector.shape_cast %broadcast_in_dim3A_1563 : vector<64x1xf32> to vector<64x1xf32>
    %broadcast_in_dim3A_1568 = vector.broadcast %broadcast_in_dim3A_1567 : vector<64x1xf32> to vector<64x64xf32>
    %select_n3A_1569 = arith.select %eq3A_1566, %broadcast_in_dim3A_1568, %select_n3A_1554 : vector<64x64xi1>, vector<64x64xf32>
    %slice3A_1570 = vector.extract_strided_slice %max3A_43 {offsets = [48, 0], sizes = [1, 4096], strides = [1, 1]} : vector<64x4096xf32> to vector<1x4096xf32>
    %jit3A_1571 = arith.constant -3.000000e+38 : f32
    %broadcast_in_dim3A_1572 = vector.shape_cast %slice3A_1570 : vector<1x4096xf32> to vector<1x4096xf32>
    %broadcast_in_dim3A_1573 = vector.broadcast %broadcast_in_dim3A_1572 : vector<1x4096xf32> to vector<64x4096xf32>
    %broadcast_in_dim3A_1574 = vector.broadcast %jit3A_1571 : f32 to vector<64x4096xf32>
    %select_n3A_1575 = arith.select %or3A, %broadcast_in_dim3A_1573, %broadcast_in_dim3A_1574 : vector<64x4096xi1>, vector<64x4096xf32>
    %reduce_max3A_1576 = arith.constant dense<0xFF800000> : vector<64xf32>
    %reduce_max3A_1577 = vector.multi_reduction <maximumf>, %select_n3A_1575, %reduce_max3A_1576 [1] : vector<64x4096xf32> to vector<64xf32>
    %broadcast_in_dim3A_1578 = vector.shape_cast %reduce_max3A_1577 : vector<64xf32> to vector<64x1xf32>
    %eq3A_1579 = arith.constant 48 : i32
    %eq3A_1580 = vector.broadcast %eq3A_1579 : i32 to vector<64x64xi32>
    %eq3A_1581 = arith.cmpi eq, %iota3A_850, %eq3A_1580 : vector<64x64xi32>
    %broadcast_in_dim3A_1582 = vector.shape_cast %broadcast_in_dim3A_1578 : vector<64x1xf32> to vector<64x1xf32>
    %broadcast_in_dim3A_1583 = vector.broadcast %broadcast_in_dim3A_1582 : vector<64x1xf32> to vector<64x64xf32>
    %select_n3A_1584 = arith.select %eq3A_1581, %broadcast_in_dim3A_1583, %select_n3A_1569 : vector<64x64xi1>, vector<64x64xf32>
    %slice3A_1585 = vector.extract_strided_slice %max3A_43 {offsets = [49, 0], sizes = [1, 4096], strides = [1, 1]} : vector<64x4096xf32> to vector<1x4096xf32>
    %jit3A_1586 = arith.constant -3.000000e+38 : f32
    %broadcast_in_dim3A_1587 = vector.shape_cast %slice3A_1585 : vector<1x4096xf32> to vector<1x4096xf32>
    %broadcast_in_dim3A_1588 = vector.broadcast %broadcast_in_dim3A_1587 : vector<1x4096xf32> to vector<64x4096xf32>
    %broadcast_in_dim3A_1589 = vector.broadcast %jit3A_1586 : f32 to vector<64x4096xf32>
    %select_n3A_1590 = arith.select %or3A, %broadcast_in_dim3A_1588, %broadcast_in_dim3A_1589 : vector<64x4096xi1>, vector<64x4096xf32>
    %reduce_max3A_1591 = arith.constant dense<0xFF800000> : vector<64xf32>
    %reduce_max3A_1592 = vector.multi_reduction <maximumf>, %select_n3A_1590, %reduce_max3A_1591 [1] : vector<64x4096xf32> to vector<64xf32>
    %broadcast_in_dim3A_1593 = vector.shape_cast %reduce_max3A_1592 : vector<64xf32> to vector<64x1xf32>
    %eq3A_1594 = arith.constant 49 : i32
    %eq3A_1595 = vector.broadcast %eq3A_1594 : i32 to vector<64x64xi32>
    %eq3A_1596 = arith.cmpi eq, %iota3A_850, %eq3A_1595 : vector<64x64xi32>
    %broadcast_in_dim3A_1597 = vector.shape_cast %broadcast_in_dim3A_1593 : vector<64x1xf32> to vector<64x1xf32>
    %broadcast_in_dim3A_1598 = vector.broadcast %broadcast_in_dim3A_1597 : vector<64x1xf32> to vector<64x64xf32>
    %select_n3A_1599 = arith.select %eq3A_1596, %broadcast_in_dim3A_1598, %select_n3A_1584 : vector<64x64xi1>, vector<64x64xf32>
    %slice3A_1600 = vector.extract_strided_slice %max3A_43 {offsets = [50, 0], sizes = [1, 4096], strides = [1, 1]} : vector<64x4096xf32> to vector<1x4096xf32>
    %jit3A_1601 = arith.constant -3.000000e+38 : f32
    %broadcast_in_dim3A_1602 = vector.shape_cast %slice3A_1600 : vector<1x4096xf32> to vector<1x4096xf32>
    %broadcast_in_dim3A_1603 = vector.broadcast %broadcast_in_dim3A_1602 : vector<1x4096xf32> to vector<64x4096xf32>
    %broadcast_in_dim3A_1604 = vector.broadcast %jit3A_1601 : f32 to vector<64x4096xf32>
    %select_n3A_1605 = arith.select %or3A, %broadcast_in_dim3A_1603, %broadcast_in_dim3A_1604 : vector<64x4096xi1>, vector<64x4096xf32>
    %reduce_max3A_1606 = arith.constant dense<0xFF800000> : vector<64xf32>
    %reduce_max3A_1607 = vector.multi_reduction <maximumf>, %select_n3A_1605, %reduce_max3A_1606 [1] : vector<64x4096xf32> to vector<64xf32>
    %broadcast_in_dim3A_1608 = vector.shape_cast %reduce_max3A_1607 : vector<64xf32> to vector<64x1xf32>
    %eq3A_1609 = arith.constant 50 : i32
    %eq3A_1610 = vector.broadcast %eq3A_1609 : i32 to vector<64x64xi32>
    %eq3A_1611 = arith.cmpi eq, %iota3A_850, %eq3A_1610 : vector<64x64xi32>
    %broadcast_in_dim3A_1612 = vector.shape_cast %broadcast_in_dim3A_1608 : vector<64x1xf32> to vector<64x1xf32>
    %broadcast_in_dim3A_1613 = vector.broadcast %broadcast_in_dim3A_1612 : vector<64x1xf32> to vector<64x64xf32>
    %select_n3A_1614 = arith.select %eq3A_1611, %broadcast_in_dim3A_1613, %select_n3A_1599 : vector<64x64xi1>, vector<64x64xf32>
    %slice3A_1615 = vector.extract_strided_slice %max3A_43 {offsets = [51, 0], sizes = [1, 4096], strides = [1, 1]} : vector<64x4096xf32> to vector<1x4096xf32>
    %jit3A_1616 = arith.constant -3.000000e+38 : f32
    %broadcast_in_dim3A_1617 = vector.shape_cast %slice3A_1615 : vector<1x4096xf32> to vector<1x4096xf32>
    %broadcast_in_dim3A_1618 = vector.broadcast %broadcast_in_dim3A_1617 : vector<1x4096xf32> to vector<64x4096xf32>
    %broadcast_in_dim3A_1619 = vector.broadcast %jit3A_1616 : f32 to vector<64x4096xf32>
    %select_n3A_1620 = arith.select %or3A, %broadcast_in_dim3A_1618, %broadcast_in_dim3A_1619 : vector<64x4096xi1>, vector<64x4096xf32>
    %reduce_max3A_1621 = arith.constant dense<0xFF800000> : vector<64xf32>
    %reduce_max3A_1622 = vector.multi_reduction <maximumf>, %select_n3A_1620, %reduce_max3A_1621 [1] : vector<64x4096xf32> to vector<64xf32>
    %broadcast_in_dim3A_1623 = vector.shape_cast %reduce_max3A_1622 : vector<64xf32> to vector<64x1xf32>
    %eq3A_1624 = arith.constant 51 : i32
    %eq3A_1625 = vector.broadcast %eq3A_1624 : i32 to vector<64x64xi32>
    %eq3A_1626 = arith.cmpi eq, %iota3A_850, %eq3A_1625 : vector<64x64xi32>
    %broadcast_in_dim3A_1627 = vector.shape_cast %broadcast_in_dim3A_1623 : vector<64x1xf32> to vector<64x1xf32>
    %broadcast_in_dim3A_1628 = vector.broadcast %broadcast_in_dim3A_1627 : vector<64x1xf32> to vector<64x64xf32>
    %select_n3A_1629 = arith.select %eq3A_1626, %broadcast_in_dim3A_1628, %select_n3A_1614 : vector<64x64xi1>, vector<64x64xf32>
    %slice3A_1630 = vector.extract_strided_slice %max3A_43 {offsets = [52, 0], sizes = [1, 4096], strides = [1, 1]} : vector<64x4096xf32> to vector<1x4096xf32>
    %jit3A_1631 = arith.constant -3.000000e+38 : f32
    %broadcast_in_dim3A_1632 = vector.shape_cast %slice3A_1630 : vector<1x4096xf32> to vector<1x4096xf32>
    %broadcast_in_dim3A_1633 = vector.broadcast %broadcast_in_dim3A_1632 : vector<1x4096xf32> to vector<64x4096xf32>
    %broadcast_in_dim3A_1634 = vector.broadcast %jit3A_1631 : f32 to vector<64x4096xf32>
    %select_n3A_1635 = arith.select %or3A, %broadcast_in_dim3A_1633, %broadcast_in_dim3A_1634 : vector<64x4096xi1>, vector<64x4096xf32>
    %reduce_max3A_1636 = arith.constant dense<0xFF800000> : vector<64xf32>
    %reduce_max3A_1637 = vector.multi_reduction <maximumf>, %select_n3A_1635, %reduce_max3A_1636 [1] : vector<64x4096xf32> to vector<64xf32>
    %broadcast_in_dim3A_1638 = vector.shape_cast %reduce_max3A_1637 : vector<64xf32> to vector<64x1xf32>
    %eq3A_1639 = arith.constant 52 : i32
    %eq3A_1640 = vector.broadcast %eq3A_1639 : i32 to vector<64x64xi32>
    %eq3A_1641 = arith.cmpi eq, %iota3A_850, %eq3A_1640 : vector<64x64xi32>
    %broadcast_in_dim3A_1642 = vector.shape_cast %broadcast_in_dim3A_1638 : vector<64x1xf32> to vector<64x1xf32>
    %broadcast_in_dim3A_1643 = vector.broadcast %broadcast_in_dim3A_1642 : vector<64x1xf32> to vector<64x64xf32>
    %select_n3A_1644 = arith.select %eq3A_1641, %broadcast_in_dim3A_1643, %select_n3A_1629 : vector<64x64xi1>, vector<64x64xf32>
    %slice3A_1645 = vector.extract_strided_slice %max3A_43 {offsets = [53, 0], sizes = [1, 4096], strides = [1, 1]} : vector<64x4096xf32> to vector<1x4096xf32>
    %jit3A_1646 = arith.constant -3.000000e+38 : f32
    %broadcast_in_dim3A_1647 = vector.shape_cast %slice3A_1645 : vector<1x4096xf32> to vector<1x4096xf32>
    %broadcast_in_dim3A_1648 = vector.broadcast %broadcast_in_dim3A_1647 : vector<1x4096xf32> to vector<64x4096xf32>
    %broadcast_in_dim3A_1649 = vector.broadcast %jit3A_1646 : f32 to vector<64x4096xf32>
    %select_n3A_1650 = arith.select %or3A, %broadcast_in_dim3A_1648, %broadcast_in_dim3A_1649 : vector<64x4096xi1>, vector<64x4096xf32>
    %reduce_max3A_1651 = arith.constant dense<0xFF800000> : vector<64xf32>
    %reduce_max3A_1652 = vector.multi_reduction <maximumf>, %select_n3A_1650, %reduce_max3A_1651 [1] : vector<64x4096xf32> to vector<64xf32>
    %broadcast_in_dim3A_1653 = vector.shape_cast %reduce_max3A_1652 : vector<64xf32> to vector<64x1xf32>
    %eq3A_1654 = arith.constant 53 : i32
    %eq3A_1655 = vector.broadcast %eq3A_1654 : i32 to vector<64x64xi32>
    %eq3A_1656 = arith.cmpi eq, %iota3A_850, %eq3A_1655 : vector<64x64xi32>
    %broadcast_in_dim3A_1657 = vector.shape_cast %broadcast_in_dim3A_1653 : vector<64x1xf32> to vector<64x1xf32>
    %broadcast_in_dim3A_1658 = vector.broadcast %broadcast_in_dim3A_1657 : vector<64x1xf32> to vector<64x64xf32>
    %select_n3A_1659 = arith.select %eq3A_1656, %broadcast_in_dim3A_1658, %select_n3A_1644 : vector<64x64xi1>, vector<64x64xf32>
    %slice3A_1660 = vector.extract_strided_slice %max3A_43 {offsets = [54, 0], sizes = [1, 4096], strides = [1, 1]} : vector<64x4096xf32> to vector<1x4096xf32>
    %jit3A_1661 = arith.constant -3.000000e+38 : f32
    %broadcast_in_dim3A_1662 = vector.shape_cast %slice3A_1660 : vector<1x4096xf32> to vector<1x4096xf32>
    %broadcast_in_dim3A_1663 = vector.broadcast %broadcast_in_dim3A_1662 : vector<1x4096xf32> to vector<64x4096xf32>
    %broadcast_in_dim3A_1664 = vector.broadcast %jit3A_1661 : f32 to vector<64x4096xf32>
    %select_n3A_1665 = arith.select %or3A, %broadcast_in_dim3A_1663, %broadcast_in_dim3A_1664 : vector<64x4096xi1>, vector<64x4096xf32>
    %reduce_max3A_1666 = arith.constant dense<0xFF800000> : vector<64xf32>
    %reduce_max3A_1667 = vector.multi_reduction <maximumf>, %select_n3A_1665, %reduce_max3A_1666 [1] : vector<64x4096xf32> to vector<64xf32>
    %broadcast_in_dim3A_1668 = vector.shape_cast %reduce_max3A_1667 : vector<64xf32> to vector<64x1xf32>
    %eq3A_1669 = arith.constant 54 : i32
    %eq3A_1670 = vector.broadcast %eq3A_1669 : i32 to vector<64x64xi32>
    %eq3A_1671 = arith.cmpi eq, %iota3A_850, %eq3A_1670 : vector<64x64xi32>
    %broadcast_in_dim3A_1672 = vector.shape_cast %broadcast_in_dim3A_1668 : vector<64x1xf32> to vector<64x1xf32>
    %broadcast_in_dim3A_1673 = vector.broadcast %broadcast_in_dim3A_1672 : vector<64x1xf32> to vector<64x64xf32>
    %select_n3A_1674 = arith.select %eq3A_1671, %broadcast_in_dim3A_1673, %select_n3A_1659 : vector<64x64xi1>, vector<64x64xf32>
    %slice3A_1675 = vector.extract_strided_slice %max3A_43 {offsets = [55, 0], sizes = [1, 4096], strides = [1, 1]} : vector<64x4096xf32> to vector<1x4096xf32>
    %jit3A_1676 = arith.constant -3.000000e+38 : f32
    %broadcast_in_dim3A_1677 = vector.shape_cast %slice3A_1675 : vector<1x4096xf32> to vector<1x4096xf32>
    %broadcast_in_dim3A_1678 = vector.broadcast %broadcast_in_dim3A_1677 : vector<1x4096xf32> to vector<64x4096xf32>
    %broadcast_in_dim3A_1679 = vector.broadcast %jit3A_1676 : f32 to vector<64x4096xf32>
    %select_n3A_1680 = arith.select %or3A, %broadcast_in_dim3A_1678, %broadcast_in_dim3A_1679 : vector<64x4096xi1>, vector<64x4096xf32>
    %reduce_max3A_1681 = arith.constant dense<0xFF800000> : vector<64xf32>
    %reduce_max3A_1682 = vector.multi_reduction <maximumf>, %select_n3A_1680, %reduce_max3A_1681 [1] : vector<64x4096xf32> to vector<64xf32>
    %broadcast_in_dim3A_1683 = vector.shape_cast %reduce_max3A_1682 : vector<64xf32> to vector<64x1xf32>
    %eq3A_1684 = arith.constant 55 : i32
    %eq3A_1685 = vector.broadcast %eq3A_1684 : i32 to vector<64x64xi32>
    %eq3A_1686 = arith.cmpi eq, %iota3A_850, %eq3A_1685 : vector<64x64xi32>
    %broadcast_in_dim3A_1687 = vector.shape_cast %broadcast_in_dim3A_1683 : vector<64x1xf32> to vector<64x1xf32>
    %broadcast_in_dim3A_1688 = vector.broadcast %broadcast_in_dim3A_1687 : vector<64x1xf32> to vector<64x64xf32>
    %select_n3A_1689 = arith.select %eq3A_1686, %broadcast_in_dim3A_1688, %select_n3A_1674 : vector<64x64xi1>, vector<64x64xf32>
    %slice3A_1690 = vector.extract_strided_slice %max3A_43 {offsets = [56, 0], sizes = [1, 4096], strides = [1, 1]} : vector<64x4096xf32> to vector<1x4096xf32>
    %jit3A_1691 = arith.constant -3.000000e+38 : f32
    %broadcast_in_dim3A_1692 = vector.shape_cast %slice3A_1690 : vector<1x4096xf32> to vector<1x4096xf32>
    %broadcast_in_dim3A_1693 = vector.broadcast %broadcast_in_dim3A_1692 : vector<1x4096xf32> to vector<64x4096xf32>
    %broadcast_in_dim3A_1694 = vector.broadcast %jit3A_1691 : f32 to vector<64x4096xf32>
    %select_n3A_1695 = arith.select %or3A, %broadcast_in_dim3A_1693, %broadcast_in_dim3A_1694 : vector<64x4096xi1>, vector<64x4096xf32>
    %reduce_max3A_1696 = arith.constant dense<0xFF800000> : vector<64xf32>
    %reduce_max3A_1697 = vector.multi_reduction <maximumf>, %select_n3A_1695, %reduce_max3A_1696 [1] : vector<64x4096xf32> to vector<64xf32>
    %broadcast_in_dim3A_1698 = vector.shape_cast %reduce_max3A_1697 : vector<64xf32> to vector<64x1xf32>
    %eq3A_1699 = arith.constant 56 : i32
    %eq3A_1700 = vector.broadcast %eq3A_1699 : i32 to vector<64x64xi32>
    %eq3A_1701 = arith.cmpi eq, %iota3A_850, %eq3A_1700 : vector<64x64xi32>
    %broadcast_in_dim3A_1702 = vector.shape_cast %broadcast_in_dim3A_1698 : vector<64x1xf32> to vector<64x1xf32>
    %broadcast_in_dim3A_1703 = vector.broadcast %broadcast_in_dim3A_1702 : vector<64x1xf32> to vector<64x64xf32>
    %select_n3A_1704 = arith.select %eq3A_1701, %broadcast_in_dim3A_1703, %select_n3A_1689 : vector<64x64xi1>, vector<64x64xf32>
    %slice3A_1705 = vector.extract_strided_slice %max3A_43 {offsets = [57, 0], sizes = [1, 4096], strides = [1, 1]} : vector<64x4096xf32> to vector<1x4096xf32>
    %jit3A_1706 = arith.constant -3.000000e+38 : f32
    %broadcast_in_dim3A_1707 = vector.shape_cast %slice3A_1705 : vector<1x4096xf32> to vector<1x4096xf32>
    %broadcast_in_dim3A_1708 = vector.broadcast %broadcast_in_dim3A_1707 : vector<1x4096xf32> to vector<64x4096xf32>
    %broadcast_in_dim3A_1709 = vector.broadcast %jit3A_1706 : f32 to vector<64x4096xf32>
    %select_n3A_1710 = arith.select %or3A, %broadcast_in_dim3A_1708, %broadcast_in_dim3A_1709 : vector<64x4096xi1>, vector<64x4096xf32>
    %reduce_max3A_1711 = arith.constant dense<0xFF800000> : vector<64xf32>
    %reduce_max3A_1712 = vector.multi_reduction <maximumf>, %select_n3A_1710, %reduce_max3A_1711 [1] : vector<64x4096xf32> to vector<64xf32>
    %broadcast_in_dim3A_1713 = vector.shape_cast %reduce_max3A_1712 : vector<64xf32> to vector<64x1xf32>
    %eq3A_1714 = arith.constant 57 : i32
    %eq3A_1715 = vector.broadcast %eq3A_1714 : i32 to vector<64x64xi32>
    %eq3A_1716 = arith.cmpi eq, %iota3A_850, %eq3A_1715 : vector<64x64xi32>
    %broadcast_in_dim3A_1717 = vector.shape_cast %broadcast_in_dim3A_1713 : vector<64x1xf32> to vector<64x1xf32>
    %broadcast_in_dim3A_1718 = vector.broadcast %broadcast_in_dim3A_1717 : vector<64x1xf32> to vector<64x64xf32>
    %select_n3A_1719 = arith.select %eq3A_1716, %broadcast_in_dim3A_1718, %select_n3A_1704 : vector<64x64xi1>, vector<64x64xf32>
    %slice3A_1720 = vector.extract_strided_slice %max3A_43 {offsets = [58, 0], sizes = [1, 4096], strides = [1, 1]} : vector<64x4096xf32> to vector<1x4096xf32>
    %jit3A_1721 = arith.constant -3.000000e+38 : f32
    %broadcast_in_dim3A_1722 = vector.shape_cast %slice3A_1720 : vector<1x4096xf32> to vector<1x4096xf32>
    %broadcast_in_dim3A_1723 = vector.broadcast %broadcast_in_dim3A_1722 : vector<1x4096xf32> to vector<64x4096xf32>
    %broadcast_in_dim3A_1724 = vector.broadcast %jit3A_1721 : f32 to vector<64x4096xf32>
    %select_n3A_1725 = arith.select %or3A, %broadcast_in_dim3A_1723, %broadcast_in_dim3A_1724 : vector<64x4096xi1>, vector<64x4096xf32>
    %reduce_max3A_1726 = arith.constant dense<0xFF800000> : vector<64xf32>
    %reduce_max3A_1727 = vector.multi_reduction <maximumf>, %select_n3A_1725, %reduce_max3A_1726 [1] : vector<64x4096xf32> to vector<64xf32>
    %broadcast_in_dim3A_1728 = vector.shape_cast %reduce_max3A_1727 : vector<64xf32> to vector<64x1xf32>
    %eq3A_1729 = arith.constant 58 : i32
    %eq3A_1730 = vector.broadcast %eq3A_1729 : i32 to vector<64x64xi32>
    %eq3A_1731 = arith.cmpi eq, %iota3A_850, %eq3A_1730 : vector<64x64xi32>
    %broadcast_in_dim3A_1732 = vector.shape_cast %broadcast_in_dim3A_1728 : vector<64x1xf32> to vector<64x1xf32>
    %broadcast_in_dim3A_1733 = vector.broadcast %broadcast_in_dim3A_1732 : vector<64x1xf32> to vector<64x64xf32>
    %select_n3A_1734 = arith.select %eq3A_1731, %broadcast_in_dim3A_1733, %select_n3A_1719 : vector<64x64xi1>, vector<64x64xf32>
    %slice3A_1735 = vector.extract_strided_slice %max3A_43 {offsets = [59, 0], sizes = [1, 4096], strides = [1, 1]} : vector<64x4096xf32> to vector<1x4096xf32>
    %jit3A_1736 = arith.constant -3.000000e+38 : f32
    %broadcast_in_dim3A_1737 = vector.shape_cast %slice3A_1735 : vector<1x4096xf32> to vector<1x4096xf32>
    %broadcast_in_dim3A_1738 = vector.broadcast %broadcast_in_dim3A_1737 : vector<1x4096xf32> to vector<64x4096xf32>
    %broadcast_in_dim3A_1739 = vector.broadcast %jit3A_1736 : f32 to vector<64x4096xf32>
    %select_n3A_1740 = arith.select %or3A, %broadcast_in_dim3A_1738, %broadcast_in_dim3A_1739 : vector<64x4096xi1>, vector<64x4096xf32>
    %reduce_max3A_1741 = arith.constant dense<0xFF800000> : vector<64xf32>
    %reduce_max3A_1742 = vector.multi_reduction <maximumf>, %select_n3A_1740, %reduce_max3A_1741 [1] : vector<64x4096xf32> to vector<64xf32>
    %broadcast_in_dim3A_1743 = vector.shape_cast %reduce_max3A_1742 : vector<64xf32> to vector<64x1xf32>
    %eq3A_1744 = arith.constant 59 : i32
    %eq3A_1745 = vector.broadcast %eq3A_1744 : i32 to vector<64x64xi32>
    %eq3A_1746 = arith.cmpi eq, %iota3A_850, %eq3A_1745 : vector<64x64xi32>
    %broadcast_in_dim3A_1747 = vector.shape_cast %broadcast_in_dim3A_1743 : vector<64x1xf32> to vector<64x1xf32>
    %broadcast_in_dim3A_1748 = vector.broadcast %broadcast_in_dim3A_1747 : vector<64x1xf32> to vector<64x64xf32>
    %select_n3A_1749 = arith.select %eq3A_1746, %broadcast_in_dim3A_1748, %select_n3A_1734 : vector<64x64xi1>, vector<64x64xf32>
    %slice3A_1750 = vector.extract_strided_slice %max3A_43 {offsets = [60, 0], sizes = [1, 4096], strides = [1, 1]} : vector<64x4096xf32> to vector<1x4096xf32>
    %jit3A_1751 = arith.constant -3.000000e+38 : f32
    %broadcast_in_dim3A_1752 = vector.shape_cast %slice3A_1750 : vector<1x4096xf32> to vector<1x4096xf32>
    %broadcast_in_dim3A_1753 = vector.broadcast %broadcast_in_dim3A_1752 : vector<1x4096xf32> to vector<64x4096xf32>
    %broadcast_in_dim3A_1754 = vector.broadcast %jit3A_1751 : f32 to vector<64x4096xf32>
    %select_n3A_1755 = arith.select %or3A, %broadcast_in_dim3A_1753, %broadcast_in_dim3A_1754 : vector<64x4096xi1>, vector<64x4096xf32>
    %reduce_max3A_1756 = arith.constant dense<0xFF800000> : vector<64xf32>
    %reduce_max3A_1757 = vector.multi_reduction <maximumf>, %select_n3A_1755, %reduce_max3A_1756 [1] : vector<64x4096xf32> to vector<64xf32>
    %broadcast_in_dim3A_1758 = vector.shape_cast %reduce_max3A_1757 : vector<64xf32> to vector<64x1xf32>
    %eq3A_1759 = arith.constant 60 : i32
    %eq3A_1760 = vector.broadcast %eq3A_1759 : i32 to vector<64x64xi32>
    %eq3A_1761 = arith.cmpi eq, %iota3A_850, %eq3A_1760 : vector<64x64xi32>
    %broadcast_in_dim3A_1762 = vector.shape_cast %broadcast_in_dim3A_1758 : vector<64x1xf32> to vector<64x1xf32>
    %broadcast_in_dim3A_1763 = vector.broadcast %broadcast_in_dim3A_1762 : vector<64x1xf32> to vector<64x64xf32>
    %select_n3A_1764 = arith.select %eq3A_1761, %broadcast_in_dim3A_1763, %select_n3A_1749 : vector<64x64xi1>, vector<64x64xf32>
    %slice3A_1765 = vector.extract_strided_slice %max3A_43 {offsets = [61, 0], sizes = [1, 4096], strides = [1, 1]} : vector<64x4096xf32> to vector<1x4096xf32>
    %jit3A_1766 = arith.constant -3.000000e+38 : f32
    %broadcast_in_dim3A_1767 = vector.shape_cast %slice3A_1765 : vector<1x4096xf32> to vector<1x4096xf32>
    %broadcast_in_dim3A_1768 = vector.broadcast %broadcast_in_dim3A_1767 : vector<1x4096xf32> to vector<64x4096xf32>
    %broadcast_in_dim3A_1769 = vector.broadcast %jit3A_1766 : f32 to vector<64x4096xf32>
    %select_n3A_1770 = arith.select %or3A, %broadcast_in_dim3A_1768, %broadcast_in_dim3A_1769 : vector<64x4096xi1>, vector<64x4096xf32>
    %reduce_max3A_1771 = arith.constant dense<0xFF800000> : vector<64xf32>
    %reduce_max3A_1772 = vector.multi_reduction <maximumf>, %select_n3A_1770, %reduce_max3A_1771 [1] : vector<64x4096xf32> to vector<64xf32>
    %broadcast_in_dim3A_1773 = vector.shape_cast %reduce_max3A_1772 : vector<64xf32> to vector<64x1xf32>
    %eq3A_1774 = arith.constant 61 : i32
    %eq3A_1775 = vector.broadcast %eq3A_1774 : i32 to vector<64x64xi32>
    %eq3A_1776 = arith.cmpi eq, %iota3A_850, %eq3A_1775 : vector<64x64xi32>
    %broadcast_in_dim3A_1777 = vector.shape_cast %broadcast_in_dim3A_1773 : vector<64x1xf32> to vector<64x1xf32>
    %broadcast_in_dim3A_1778 = vector.broadcast %broadcast_in_dim3A_1777 : vector<64x1xf32> to vector<64x64xf32>
    %select_n3A_1779 = arith.select %eq3A_1776, %broadcast_in_dim3A_1778, %select_n3A_1764 : vector<64x64xi1>, vector<64x64xf32>
    %slice3A_1780 = vector.extract_strided_slice %max3A_43 {offsets = [62, 0], sizes = [1, 4096], strides = [1, 1]} : vector<64x4096xf32> to vector<1x4096xf32>
    %jit3A_1781 = arith.constant -3.000000e+38 : f32
    %broadcast_in_dim3A_1782 = vector.shape_cast %slice3A_1780 : vector<1x4096xf32> to vector<1x4096xf32>
    %broadcast_in_dim3A_1783 = vector.broadcast %broadcast_in_dim3A_1782 : vector<1x4096xf32> to vector<64x4096xf32>
    %broadcast_in_dim3A_1784 = vector.broadcast %jit3A_1781 : f32 to vector<64x4096xf32>
    %select_n3A_1785 = arith.select %or3A, %broadcast_in_dim3A_1783, %broadcast_in_dim3A_1784 : vector<64x4096xi1>, vector<64x4096xf32>
    %reduce_max3A_1786 = arith.constant dense<0xFF800000> : vector<64xf32>
    %reduce_max3A_1787 = vector.multi_reduction <maximumf>, %select_n3A_1785, %reduce_max3A_1786 [1] : vector<64x4096xf32> to vector<64xf32>
    %broadcast_in_dim3A_1788 = vector.shape_cast %reduce_max3A_1787 : vector<64xf32> to vector<64x1xf32>
    %eq3A_1789 = arith.constant 62 : i32
    %eq3A_1790 = vector.broadcast %eq3A_1789 : i32 to vector<64x64xi32>
    %eq3A_1791 = arith.cmpi eq, %iota3A_850, %eq3A_1790 : vector<64x64xi32>
    %broadcast_in_dim3A_1792 = vector.shape_cast %broadcast_in_dim3A_1788 : vector<64x1xf32> to vector<64x1xf32>
    %broadcast_in_dim3A_1793 = vector.broadcast %broadcast_in_dim3A_1792 : vector<64x1xf32> to vector<64x64xf32>
    %select_n3A_1794 = arith.select %eq3A_1791, %broadcast_in_dim3A_1793, %select_n3A_1779 : vector<64x64xi1>, vector<64x64xf32>
    %slice3A_1795 = vector.extract_strided_slice %max3A_43 {offsets = [63, 0], sizes = [1, 4096], strides = [1, 1]} : vector<64x4096xf32> to vector<1x4096xf32>
    %jit3A_1796 = arith.constant -3.000000e+38 : f32
    %broadcast_in_dim3A_1797 = vector.shape_cast %slice3A_1795 : vector<1x4096xf32> to vector<1x4096xf32>
    %broadcast_in_dim3A_1798 = vector.broadcast %broadcast_in_dim3A_1797 : vector<1x4096xf32> to vector<64x4096xf32>
    %broadcast_in_dim3A_1799 = vector.broadcast %jit3A_1796 : f32 to vector<64x4096xf32>
    %select_n3A_1800 = arith.select %or3A, %broadcast_in_dim3A_1798, %broadcast_in_dim3A_1799 : vector<64x4096xi1>, vector<64x4096xf32>
    %reduce_max3A_1801 = arith.constant dense<0xFF800000> : vector<64xf32>
    %reduce_max3A_1802 = vector.multi_reduction <maximumf>, %select_n3A_1800, %reduce_max3A_1801 [1] : vector<64x4096xf32> to vector<64xf32>
    %broadcast_in_dim3A_1803 = vector.shape_cast %reduce_max3A_1802 : vector<64xf32> to vector<64x1xf32>
    %eq3A_1804 = arith.constant 63 : i32
    %eq3A_1805 = vector.broadcast %eq3A_1804 : i32 to vector<64x64xi32>
    %eq3A_1806 = arith.cmpi eq, %iota3A_850, %eq3A_1805 : vector<64x64xi32>
    %broadcast_in_dim3A_1807 = vector.shape_cast %broadcast_in_dim3A_1803 : vector<64x1xf32> to vector<64x1xf32>
    %broadcast_in_dim3A_1808 = vector.broadcast %broadcast_in_dim3A_1807 : vector<64x1xf32> to vector<64x64xf32>
    %select_n3A_1809 = arith.select %eq3A_1806, %broadcast_in_dim3A_1808, %select_n3A_1794 : vector<64x64xi1>, vector<64x64xf32>
    %dot_general3A_1810 = arith.constant dense<0.000000e+00> : vector<64x64xf32>
    %dot_general3A_1811 = tpu.matmul %select_n3A_1809, %convert_element_type3A_1, %dot_general3A_1810 {dimension_numbers = #tpu.dot_dimension_numbers<[0], [0], [1], [1], [0, 1, 1, 1], [], []>, precision = #tpu.contract_precision<fp32>, transpose_lhs_hint = false} : vector<64x64xf32>, vector<64x64xf32>, vector<64x64xf32> -> vector<64x64xf32>
    %swap3A = arith.constant 0 : index
    %swap3A_1812 = arith.constant 0 : index
    %swap3A_1813 = arith.constant 0 : index
    %swap3A_1814 = vector.load %arg11[%swap3A, %swap3A_1812, %swap3A_1813] : memref<1x64x64xf32, #tpu.memory_space<vmem>>, vector<1x64x64xf32>
    %swap3A_1815 = vector.shape_cast %swap3A_1814 : vector<1x64x64xf32> to vector<64x64xf32>
    %swap3A_1816 = vector.shape_cast %dot_general3A_1811 : vector<64x64xf32> to vector<1x64x64xf32>
    tpu.vector_store %arg11[%swap3A, %swap3A_1812, %swap3A_1813], %swap3A_1816 {strides = array<i32>} : memref<1x64x64xf32, #tpu.memory_space<vmem>>, vector<1x64x64xf32>,
    %iota3A_1817 = tpu.iota {dimensions = array<i32: 0>} : vector<64x4096xi32>
    %broadcast_in_dim3A_1818 = arith.constant 0.000000e+00 : f32
    %broadcast_in_dim3A_1819 = vector.broadcast %broadcast_in_dim3A_1818 : f32 to vector<64x4096xf32>
    %broadcast_in_dim3A_1820 = arith.constant 0.000000e+00 : f32
    %broadcast_in_dim3A_1821 = vector.broadcast %broadcast_in_dim3A_1820 : f32 to vector<1x4096xf32>
    %reduce_min3A = arith.constant dense<0x7F800000> : vector<4096xf32>
    %reduce_min3A_1822 = vector.multi_reduction <minimumf>, %add3A_119, %reduce_min3A [0] : vector<64x4096xf32> to vector<4096xf32>
    %broadcast_in_dim3A_1823 = vector.shape_cast %reduce_min3A_1822 : vector<4096xf32> to vector<1x4096xf32>
    %eq3A_1824 = vector.broadcast %broadcast_in_dim3A_1823 : vector<1x4096xf32> to vector<64x4096xf32>
    %eq3A_1825 = arith.cmpf oeq, %add3A_119, %eq3A_1824 : vector<64x4096xf32>
    %jit3A_1826 = arith.constant 64 : i32
    %broadcast_in_dim3A_1827 = vector.broadcast %jit3A_1826 : i32 to vector<64x4096xi32>
    %select_n3A_1828 = arith.select %eq3A_1825, %iota3A_1817, %broadcast_in_dim3A_1827 : vector<64x4096xi1>, vector<64x4096xi32>
    %reduce_min3A_1829 = arith.constant dense<2147483647> : vector<4096xi32>
    %reduce_min3A_1830 = vector.multi_reduction <minsi>, %select_n3A_1828, %reduce_min3A_1829 [0] : vector<64x4096xi32> to vector<4096xi32>
    %broadcast_in_dim3A_1831 = vector.shape_cast %reduce_min3A_1830 : vector<4096xi32> to vector<1x4096xi32>
    %eq3A_1832 = vector.broadcast %broadcast_in_dim3A_1831 : vector<1x4096xi32> to vector<64x4096xi32>
    %eq3A_1833 = arith.cmpi eq, %iota3A_1817, %eq3A_1832 : vector<64x4096xi32>
    %max3A_1834 = arith.constant 1.000000e-10 : f32
    %max3A_1835 = vector.broadcast %max3A_1834 : f32 to vector<1x4096xf32>
    %max3A_1836 = arith.maximumf %broadcast_in_dim3A_1823, %max3A_1835 : vector<1x4096xf32>
    %div3A_1837 = arith.constant 1.000000e+00 : f32
    %div3A_1838 = vector.broadcast %div3A_1837 : f32 to vector<1x4096xf32>
    %div3A_1839 = arith.divf %div3A_1838, %max3A_1836 : vector<1x4096xf32>
    %convert_element_type3A_1840 = arith.extui %eq3A_1833 : vector<64x4096xi1> to vector<64x4096xi32>
    %convert_element_type3A_1841 = arith.sitofp %convert_element_type3A_1840 : vector<64x4096xi32> to vector<64x4096xf32>
    %mul3A_1842 = vector.broadcast %div3A_1839 : vector<1x4096xf32> to vector<64x4096xf32>
    %mul3A_1843 = arith.mulf %mul3A_1842, %convert_element_type3A_1841 : vector<64x4096xf32>
    %add3A_1844 = arith.addf %broadcast_in_dim3A_1819, %mul3A_1843 : vector<64x4096xf32>
    %add3A_1845 = arith.addf %broadcast_in_dim3A_1821, %div3A_1839 : vector<1x4096xf32>
    %jit3A_1846 = arith.constant 3.000000e+38 : f32
    %broadcast_in_dim3A_1847 = vector.broadcast %jit3A_1846 : f32 to vector<64x4096xf32>
    %select_n3A_1848 = arith.select %eq3A_1833, %broadcast_in_dim3A_1847, %add3A_119 : vector<64x4096xi1>, vector<64x4096xf32>
    %reduce_min3A_1849 = arith.constant dense<0x7F800000> : vector<4096xf32>
    %reduce_min3A_1850 = vector.multi_reduction <minimumf>, %select_n3A_1848, %reduce_min3A_1849 [0] : vector<64x4096xf32> to vector<4096xf32>
    %broadcast_in_dim3A_1851 = vector.shape_cast %reduce_min3A_1850 : vector<4096xf32> to vector<1x4096xf32>
    %eq3A_1852 = vector.broadcast %broadcast_in_dim3A_1851 : vector<1x4096xf32> to vector<64x4096xf32>
    %eq3A_1853 = arith.cmpf oeq, %select_n3A_1848, %eq3A_1852 : vector<64x4096xf32>
    %jit3A_1854 = arith.constant 64 : i32
    %broadcast_in_dim3A_1855 = vector.broadcast %jit3A_1854 : i32 to vector<64x4096xi32>
    %select_n3A_1856 = arith.select %eq3A_1853, %iota3A_1817, %broadcast_in_dim3A_1855 : vector<64x4096xi1>, vector<64x4096xi32>
    %reduce_min3A_1857 = arith.constant dense<2147483647> : vector<4096xi32>
    %reduce_min3A_1858 = vector.multi_reduction <minsi>, %select_n3A_1856, %reduce_min3A_1857 [0] : vector<64x4096xi32> to vector<4096xi32>
    %broadcast_in_dim3A_1859 = vector.shape_cast %reduce_min3A_1858 : vector<4096xi32> to vector<1x4096xi32>
    %eq3A_1860 = vector.broadcast %broadcast_in_dim3A_1859 : vector<1x4096xi32> to vector<64x4096xi32>
    %eq3A_1861 = arith.cmpi eq, %iota3A_1817, %eq3A_1860 : vector<64x4096xi32>
    %max3A_1862 = arith.constant 1.000000e-10 : f32
    %max3A_1863 = vector.broadcast %max3A_1862 : f32 to vector<1x4096xf32>
    %max3A_1864 = arith.maximumf %broadcast_in_dim3A_1851, %max3A_1863 : vector<1x4096xf32>
    %div3A_1865 = arith.constant 1.000000e+00 : f32
    %div3A_1866 = vector.broadcast %div3A_1865 : f32 to vector<1x4096xf32>
    %div3A_1867 = arith.divf %div3A_1866, %max3A_1864 : vector<1x4096xf32>
    %convert_element_type3A_1868 = arith.extui %eq3A_1861 : vector<64x4096xi1> to vector<64x4096xi32>
    %convert_element_type3A_1869 = arith.sitofp %convert_element_type3A_1868 : vector<64x4096xi32> to vector<64x4096xf32>
    %mul3A_1870 = vector.broadcast %div3A_1867 : vector<1x4096xf32> to vector<64x4096xf32>
    %mul3A_1871 = arith.mulf %mul3A_1870, %convert_element_type3A_1869 : vector<64x4096xf32>
    %add3A_1872 = arith.addf %add3A_1844, %mul3A_1871 : vector<64x4096xf32>
    %add3A_1873 = arith.addf %add3A_1845, %div3A_1867 : vector<1x4096xf32>
    %jit3A_1874 = arith.constant 3.000000e+38 : f32
    %broadcast_in_dim3A_1875 = vector.broadcast %jit3A_1874 : f32 to vector<64x4096xf32>
    %select_n3A_1876 = arith.select %eq3A_1861, %broadcast_in_dim3A_1875, %select_n3A_1848 : vector<64x4096xi1>, vector<64x4096xf32>
    %reduce_min3A_1877 = arith.constant dense<0x7F800000> : vector<4096xf32>
    %reduce_min3A_1878 = vector.multi_reduction <minimumf>, %select_n3A_1876, %reduce_min3A_1877 [0] : vector<64x4096xf32> to vector<4096xf32>
    %broadcast_in_dim3A_1879 = vector.shape_cast %reduce_min3A_1878 : vector<4096xf32> to vector<1x4096xf32>
    %eq3A_1880 = vector.broadcast %broadcast_in_dim3A_1879 : vector<1x4096xf32> to vector<64x4096xf32>
    %eq3A_1881 = arith.cmpf oeq, %select_n3A_1876, %eq3A_1880 : vector<64x4096xf32>
    %jit3A_1882 = arith.constant 64 : i32
    %broadcast_in_dim3A_1883 = vector.broadcast %jit3A_1882 : i32 to vector<64x4096xi32>
    %select_n3A_1884 = arith.select %eq3A_1881, %iota3A_1817, %broadcast_in_dim3A_1883 : vector<64x4096xi1>, vector<64x4096xi32>
    %reduce_min3A_1885 = arith.constant dense<2147483647> : vector<4096xi32>
    %reduce_min3A_1886 = vector.multi_reduction <minsi>, %select_n3A_1884, %reduce_min3A_1885 [0] : vector<64x4096xi32> to vector<4096xi32>
    %broadcast_in_dim3A_1887 = vector.shape_cast %reduce_min3A_1886 : vector<4096xi32> to vector<1x4096xi32>
    %eq3A_1888 = vector.broadcast %broadcast_in_dim3A_1887 : vector<1x4096xi32> to vector<64x4096xi32>
    %eq3A_1889 = arith.cmpi eq, %iota3A_1817, %eq3A_1888 : vector<64x4096xi32>
    %max3A_1890 = arith.constant 1.000000e-10 : f32
    %max3A_1891 = vector.broadcast %max3A_1890 : f32 to vector<1x4096xf32>
    %max3A_1892 = arith.maximumf %broadcast_in_dim3A_1879, %max3A_1891 : vector<1x4096xf32>
    %div3A_1893 = arith.constant 1.000000e+00 : f32
    %div3A_1894 = vector.broadcast %div3A_1893 : f32 to vector<1x4096xf32>
    %div3A_1895 = arith.divf %div3A_1894, %max3A_1892 : vector<1x4096xf32>
    %convert_element_type3A_1896 = arith.extui %eq3A_1889 : vector<64x4096xi1> to vector<64x4096xi32>
    %convert_element_type3A_1897 = arith.sitofp %convert_element_type3A_1896 : vector<64x4096xi32> to vector<64x4096xf32>
    %mul3A_1898 = vector.broadcast %div3A_1895 : vector<1x4096xf32> to vector<64x4096xf32>
    %mul3A_1899 = arith.mulf %mul3A_1898, %convert_element_type3A_1897 : vector<64x4096xf32>
    %add3A_1900 = arith.addf %add3A_1872, %mul3A_1899 : vector<64x4096xf32>
    %add3A_1901 = arith.addf %add3A_1873, %div3A_1895 : vector<1x4096xf32>
    %div3A_1902 = vector.broadcast %add3A_1901 : vector<1x4096xf32> to vector<64x4096xf32>
    %div3A_1903 = arith.divf %add3A_1900, %div3A_1902 : vector<64x4096xf32>
    %dot_general3A_1904 = arith.constant dense<0.000000e+00> : vector<64x4096xf32>
    %dot_general3A_1905 = tpu.matmul %dot_general3A_1811, %div3A_1903, %dot_general3A_1904 {dimension_numbers = #tpu.dot_dimension_numbers<[1], [0], [0], [1], [0, 0, 1, 1], [], []>, precision = #tpu.contract_precision<fp32>, transpose_lhs_hint = false} : vector<64x64xf32>, vector<64x4096xf32>, vector<64x4096xf32> -> vector<64x4096xf32>
    %swap3A_1906 = arith.constant 0 : index
    %swap3A_1907 = arith.constant 0 : index
    %swap3A_1908 = arith.constant 0 : index
    %swap3A_1909 = vector.load %arg10[%swap3A_1906, %swap3A_1907, %swap3A_1908] : memref<1x64x4096xf32, #tpu.memory_space<vmem>>, vector<1x64x4096xf32>
    %swap3A_1910 = vector.shape_cast %swap3A_1909 : vector<1x64x4096xf32> to vector<64x4096xf32>
    %swap3A_1911 = vector.shape_cast %dot_general3A_1905 : vector<64x4096xf32> to vector<1x64x4096xf32>
    tpu.vector_store %arg10[%swap3A_1906, %swap3A_1907, %swap3A_1908], %swap3A_1911 {strides = array<i32>} : memref<1x64x4096xf32, #tpu.memory_space<vmem>>, vector<1x64x4096xf32>,
    return
  }
  func.func @transform_0(%arg0: i32) -> (i32, i32, i32) {
    %c0_i32 = arith.constant 0 : i32
    %c0_i32_0 = arith.constant 0 : i32
    %c0_i32_1 = arith.constant 0 : i32
    return %arg0, %c0_i32, %c0_i32_0 : i32, i32, i32
  }
  func.func @transform_1(%arg0: i32) -> (i32, i32, i32) {
    %c0_i32 = arith.constant 0 : i32
    %c0_i32_0 = arith.constant 0 : i32
    %c0_i32_1 = arith.constant 0 : i32
    return %arg0, %c0_i32, %c0_i32_0 : i32, i32, i32
  }
  func.func @transform_2(%arg0: i32) -> (i32, i32, i32) {
    %c0_i32 = arith.constant 0 : i32
    %c0_i32_0 = arith.constant 0 : i32
    %c0_i32_1 = arith.constant 0 : i32
    return %arg0, %c0_i32, %c0_i32_0 : i32, i32, i32
  }
  func.func @transform_3(%arg0: i32) -> (i32, i32) {
    %c0_i32 = arith.constant 0 : i32
    %c0_i32_0 = arith.constant 0 : i32
    %c0_i32_1 = arith.constant 0 : i32
    return %c0_i32, %c0_i32_0 : i32, i32
  }
  func.func @transform_4(%arg0: i32) -> (i32, i32) {
    %c0_i32 = arith.constant 0 : i32
    %c0_i32_0 = arith.constant 0 : i32
    %c0_i32_1 = arith.constant 0 : i32
    return %c0_i32, %c0_i32_0 : i32, i32
  }
  func.func @transform_5(%arg0: i32) -> (i32, i32) {
    %c0_i32 = arith.constant 0 : i32
    %c0_i32_0 = arith.constant 0 : i32
    %c0_i32_1 = arith.constant 0 : i32
    return %c0_i32, %c0_i32_0 : i32, i32
  }
  func.func @transform_6(%arg0: i32) -> (i32, i32) {
    %c0_i32 = arith.constant 0 : i32
    %c0_i32_0 = arith.constant 0 : i32
    %c0_i32_1 = arith.constant 0 : i32
    return %c0_i32, %c0_i32_0 : i32, i32
  }
  func.func @transform_7(%arg0: i32) -> (i32, i32) {
    %c0_i32 = arith.constant 0 : i32
    %c0_i32_0 = arith.constant 0 : i32
    %c0_i32_1 = arith.constant 0 : i32
    return %c0_i32, %c0_i32_0 : i32, i32
  }
  func.func @transform_8(%arg0: i32) -> (i32, i32) {
    %c0_i32 = arith.constant 0 : i32
    %c0_i32_0 = arith.constant 0 : i32
    %c0_i32_1 = arith.constant 0 : i32
    return %c0_i32, %c0_i32_0 : i32, i32
  }
  func.func @transform_9(%arg0: i32) -> (i32, i32, i32) {
    %c0_i32 = arith.constant 0 : i32
    %c0_i32_0 = arith.constant 0 : i32
    %c0_i32_1 = arith.constant 0 : i32
    return %arg0, %c0_i32, %c0_i32_0 : i32, i32, i32
  }
  func.func @transform_10(%arg0: i32) -> (i32, i32, i32) {
    %c0_i32 = arith.constant 0 : i32
    %c0_i32_0 = arith.constant 0 : i32
    %c0_i32_1 = arith.constant 0 : i32
    return %arg0, %c0_i32, %c0_i32_0 : i32, i32, i32
  }
}

</mosaic_0001>

<sc_bundles>
// kernel: sparse-core-data-format-call.cloned.1.call-start
scs
called_computation_lowered:
.L_overlay_start_0:
0x0: {  	s2 =	sld [smem:$0x3FD9]  }
0x1: {  	s3 =	sld [smem:$0x3FFE];
	_ =	sdelay $0x1  }
0x2: {  	s1 =	srdreg.scid  }
0x3: {  	s0 =	sand.u32 $0x1, s1  }
0x4: {  	s15 =	sshll.u32 s0, $0xA;
	s2 =	sadd.s32 s3, s2  }
0x5: {  	s2 =	sadd.s32 s2, s15  }
0x6: {  	[smem:$0x3FC1] =	sst s2  }
0x7: {  	_ = 	snop  }
0x8: {  	s2 =	sld [smem:$0x3FD0];
	_ =	sdelay $0x2  }
0x9: {  	s16 =	simm.s32 $0xA;
	s4 =	simm.s32 $0x10  }
0xa: {  	[smem:s4], [sflag:s16] =	dma.local [hbm:s2], $0x1  }
0xb: {  	_ =	swait.eq [sflag:s16], $0x1  }
0xc: {  	[sflag:s16] =	ssyncset.done $0x0  }
0xd: {  	[sflag:s16] =	ssyncadd.s32 $0xFFFFFFFF  }
0xe: {  	s17 =	sld [smem:$0x10];
	(tm) =	ssettm $0x1  }
0xf: {  	s18 =	sld [smem:$0x3FFB];
	_ =	sdelay $0x3  }
0x10: {  	_ =	strace s18  }
0x11: {  	s3 =	sld [smem:$0x3FFC];
	_ =	sdelay $0x3  }
0x12: {  	_ =	strace s3  }
0x13: {  	s3 =	sld [smem:$0x3FFD];
	_ =	sdelay $0x3  }
0x14: {  	_ =	strace s3  }
0x15: {  	_ =	strace $0x8FFFFFFF  }
0x16: {  	s19 =	sld [smem:$0x3FDB];
	_ =	sdelay $0x1  }
0x17: {  	s20 =	simm.s32 $_scs_section_size  }
0x18: {  	s5 =	simm.s32 $_size__tile_overlayer_lowered;
	s6 =	simm.s32 $_tile_overlayer_lowered  }
0x19: {  	s23 =	simm.s32 $0x1BFF;
	s22 =	sshll.u32 s6, $0x1;
	s3 =	sadd.s32 s20, s19  }
0x1a: {  	s7 =	simm.s32 $0x0;
	s21 =	sshll.u32 s5, $0x1;
	s5 =	sadd.s32 s22, s3  }
0x1b: {  	[timem:s7], [sflag:s23] =	dma.local [hbm:s5], s21  }
0x1c: {  	_ =	swait.ge [sflag:s23], s21  }
0x1d: {  	s4 =	ssub.s32 $0x0, s21;
	[sflag:s23] =	ssyncset.done $0x0  }
0x1e: {  	[sflag:s23] =	ssyncadd.s32 s4;
	_ =	sdelay $0x1  }
0x1f: {  	s24 =	simm.s32 $0x1B8B  }
0x20: {  	_ =	swait.ge [sflag:s24], $0x1  }
0x21: {  	[sflag:s24] =	ssyncset.done $0x0  }
0x22: {  	s26 =	simm.s32 $0x1B8E;
	s25 =	sld [smem:$0x3FFE];
	[sflag:s24] =	ssyncadd.s32 $0xFFFFFFFF  }
0x23: {  	s27 =	simm.s32 $execute0_lowered;
	[smem:$0x3FD2] =	sst s26  }
0x24: {  	s5 =	sshll.u32 s27, $0x1;
	_ =	strace $0x80000046;
	[dreg:$0x1] =	wrdreg $0xFFFFFFFF  }
0x25: {  	s28 =	simm.s32 $_size_execute0_lowered;
	s3 =	sadd.s32 s3, s5;
	[dreg:$0x0] =	wrdreg $0x0  }
0x26: {  	s5 =	sshll.u32 s28, $0x1;
	[dreg:$0x2] =	wrdreg s3  }
0x27: {  	[dreg:$0x3] =	wrdreg s5  }
0x28: {  	[dreg:$0x4] =	wrdreg $0xC0  }
0x29: {  	_ =	task [dreg:s7], $0x5FFFF  }
0x2a: {  	[dreg:$0x1] =	wrdreg $0xFFFFFFFF  }
0x2b: {  	[dreg:$0x0] =	wrdreg $0x60  }
0x2c: {  	[dreg:$0x2] =	wrdreg s25  }
0x2d: {  	[dreg:$0x3] =	wrdreg s17  }
0x2e: {  	[dreg:$0x4] =	wrdreg $0x9  }
0x2f: {  	_ =	task.clear_ibuf [dreg:s7], $0x5FFFF;
	_ =	strace $0x90000046  }
0x30: {  	s29 =	simm.s32 $0x9;
	_ =	strace $0x80000048  }
0x31: {  	_ =	swait.ge [sflag:s29], $0x1  }
0x32: {  	[sflag:s29] =	ssyncadd.s32 $0xFFFFFFFF  }
0x33: {  	_ =	strace $0x90000048  }
0x34: {  	_ =	sfence  }
0x35: {  	s30 =	sld [smem:$0x0];
	_ =	sdelay $0x2  }
0x36: {  	s31 =	sshll.u32 s1, $0xD;
	s1 =	sshrl.u32 s1, $0x2  }
0x37: {  	s3 =	sand.u32 $0x4000, s31;
	s1 =	sadd.s32 s1, s30  }
0x38: {  	s0 =	sor.u32 s3, s0;
	s1 =	sshll.u32 s1, $0x11  }
0x39: {  	s0 =	sor.u32 s1, s0  }
0x3a: {  	s0 =	sadd.s32 $0x8F2B, s0  }
0x3b: {  	[sflag:s0] =	ssyncadd.remote.s32 $0x1  }
0x3c: {  	_ =	sfence.sel $0xFFFF  }
0x3d: {  	[dreg:$0x0] =	wrdreg $0xFFFFFFFF;
	(pc) =	sbr.abs _section_cstart, $3  }
0x3e: {  	[dreg:$0x1] =	wrdreg $0xFFFFFFFF  }
0x3f: {  	_ =	task.clear_ibuf [dreg:s7], $0x2FFFF;
	_ =	strace $0x9FFFFFFF  }
0x40: {  	(tm) =	ssettm $0x7FFFFFFF  }
0x41: {  	_ =	shalt  }
tec
execute0_lowered:
.L_overlay_start_1:
0x0: {  	(tag) =	ssettag $0x1  }
0x1: {  	s3 =	rddreg [dreg:$0x0]  }
0x2: {  	s0 =	srdreg.scid;
	s1 =	rddreg [dreg:$0x1]  }
0x3: {  	s5 =	simm.s32 $0x1;
	s7 =	simm.s32 $0x2;
	s14 =	simm.s32 $0x0  }
0x4: {  	s9 =	simm.s32 $0x0;
	s15 =	simm.s32 $0x0;
	s16 =	simm.s32 $0x0  }
0x5: {  	s10 =	simm.s32 $0x0;
	s12 =	stileid.u32;
	s0 =	sshll.u32 s0, $0x3  }
0x6: {  	s13 =	simm.s32 $0x0;
	s2 =	sand.u32 $0x8, s0;
	s0 =	rddreg [dreg:$0x2]  }
.Ltmp0:
0x7: {  	_ =	strace $0x80000047;
	s6 =	ssub.s32 $0x80, s2;
	(pc) =	sbr.rel .LBB1_1-.Ltmp0, $4  }
0x8: {  	s4 =	sadd.s32 $0x1000, s3;
	[sflag:s5] =	ssyncpa.u1 $0x0;
	s31 =	sshrl.u32 s6, $0x3  }
0x9: {  	s11 =	smov.u32 s2;
	s6 =	sshrl.u32 s6, $0x4;
	s3 =	sand.u32 $0x1, s31  }
0xa: {  	[sflag:s7] =	ssyncpa.u1 $0x0;
	s8 =	sadd.s32 s6, s3;
	s3 =	stileid.u32  }
0xb: {  	s6 =	sshll.u32 s8, $0x1;
	s7 =	sshllo.u32 s8, $0x1;
	s8 =	simm.s32 $0x1000  }
.LBB1_7:
0xc: {  	s17 =	sadd.s32 $0x800, s10  }
0xd: {  	s14 =	sadd.s32 $0x10, s11;
	s18 =	smov.u32 s11;
	p1 =	sgt.s32 s17, $0xFFF  }
0xe: {  	s18 =	smov.u32 @p1 s14  }
0xf: {  	s20 =	smov.u32 s12;
	s14 =	sadd.s32 $0x10, s12;
	p2 =	sgt.s32 s18, $0x7F  }
0x10: {  	s20 =	smov.u32 @p2 s14  }
0x11: {  	s17 =	simm.s32 @p1 $0x0;
	p1 =	sgt.s32 s20, $0xF  }
0x12: {  	p0 =	slt.u32 s13, $0x2;
	s20 =	smov.u32 @p1 s3;
	p1 =	sne.s32 s13, s7  }
.Ltmp1:
0x13: {  	s19 =	simm.s32 @!p0 $0x2;
	(pc) =	sbr.rel @!p1 .LBB1_8-.Ltmp1, $4  }
0x14: {  	s15 =	smov.u32 s11;
	s16 =	smov.u32 s12;
	_ =	swait.ge @!p0 [sflag:s19], $0x4000  }
0x15: {  	s9 =	sadd.s32 $0x4000, s9;
	[sflag:s19] =	ssyncset.done @!p0 $0x0;
	s18 =	smov.u32 @p2 s2  }
0x16: {  	s14 =	smov.u32 s10;
	[sflag:s19] =	ssyncadd.s32 @!p0 $0xFFFFC000;
	s10 =	smov.u32 s17  }
0x17: {  	s11 =	smov.u32 s18;
	s13 =	sadd.s32 $0x1, s13;
	s12 =	smov.u32 s20  }
.LBB1_1:
0x18: {  	p0 =	sge.u32 s13, s6;
	s31 =	sadd.s32 $0xFFFFFFFF, s13  }
0x19: {  	s17 =	sxor.u32 @!p0 $0xFFFFFFFF, s13;
	s18 =	sand.u32 @!p0 $0x78, s10;
	s19 =	sshll.u32 @!p0 s11, $0xC  }
0x1a: {  	s20 =	sshll.u32 @!p0 s10, $0x3;
	s21 =	sshll.u32 @!p0 s11, $0x7;
	s19 =	sand.u32 @!p0 $0x78000, s19  }
0x1b: {  	s21 =	sand.u32 @!p0 $0x380, s21;
	s19 =	sadd.s32 @!p0 s19, s20;
	s20 =	sand.u32 @!p0 $0xC00, s20  }
0x1c: {  	s18 =	sor.u32 @!p0 s21, s18;
	s21 =	sshll.u32 @!p0 s12, $0x10;
	s19 =	sshrl.u32 @!p0 s19, $0x3  }
0x1d: {  	s18 =	sor.u32 @!p0 s20, s18;
	s20 =	sadd.s32 @!p0 s4, s21;
	s19 =	sand.u32 @!p0 $0xFE00, s19  }
0x1e: {  	s17 =	sshll.u32 @!p0 s17, $0xE;
	s18 =	sshrl.u32 @!p0 s18, $0x3;
	s19 =	sadd.s32 @!p0 s19, s20  }
0x1f: {  	s17 =	sand.u32 @!p0 $0x4000, s17;
	s18 =	sadd.s32 @!p0 s18, s19;
	s19 =	sand.u32 @!p0 $0x7, s10  }
0x20: {  	[tilespmem:s17], [sflag:$0x1] =	stream.linear.gather @!p0 [hbm4b:s18+s19], $0x4000, $0x38;
	[tilespmem:$0x10000] =	vst v63  }
0x21: {  	p0 =	sge.u32 s31, s6  }
.Ltmp2:
0x22: {  	_ = 	snop;
	(pc) =	sbr.rel @p0 .LBB1_7-.Ltmp2, $1  }
0x23: {  	_ =	sdelay $0x3  }
0x24: {  	s17 =	sand.u32 $0x4000, s9  }
0x25: {  	_ =	swait.ge [sflag:s5], $0x4000;
	s20 =	sshll.u32 s13, $0xE;
	s18 =	sor.u32 $0x8100, s17  }
0x26: {  	s19 =	sor.u32 $0x800, s17;
	[sflag:s5] =	ssyncset.done $0x0;
	s31 =	sand.u32 $0x4000, s20  }
0x27: {  	s20 =	simm.s32 $0x0;
	[sflag:s5] =	ssyncadd.s32 $0xFFFFC000;
	s17 =	sor.u32 $0x8000, s31  }
.LBB1_3:
0x28: {  	v0 =	vld [tilespmem:s19+$0x470]  }
0x29: {  	v1 =	vld [tilespmem:s19+$0xFFFFF810]  }
0x2a: {  	v2 =	vld [tilespmem:s19+$0xFFFFF820]  }
0x2b: {  	v3 =	vld [tilespmem:s19+$0xFFFFF830]  }
0x2c: {  	v4 =	vld [tilespmem:s19+$0xFFFFF840]  }
0x2d: {  	v5 =	vld [tilespmem:s19+$0xFFFFF850];
	[tilespmem:s18+$0xF0] =	vst v0  }
0x2e: {  	[tilespmem:s18+$0xFFFFFF10] =	vst v1;
	v0 =	vld [tilespmem:s19+$0xFFFFF860]  }
0x2f: {  	[tilespmem:s18+$0xFFFFFF20] =	vst v2;
	v1 =	vld [tilespmem:s19+$0xFFFFF870]  }
0x30: {  	[tilespmem:s18+$0xFFFFFF30] =	vst v3;
	v2 =	vld [tilespmem:s19+$0xFFFFFC00]  }
0x31: {  	[tilespmem:s18+$0xFFFFFF40] =	vst v4;
	v3 =	vld [tilespmem:s19+$0xFFFFFC10]  }
0x32: {  	[tilespmem:s18+$0xFFFFFF50] =	vst v5;
	v4 =	vld [tilespmem:s19+$0xFFFFFC20]  }
0x33: {  	v5 =	vld [tilespmem:s19+$0x420];
	[tilespmem:s18+$0xFFFFFF60] =	vst v0  }
0x34: {  	v0 =	vld [tilespmem:s19+$0xFFFFFC30];
	[tilespmem:s18+$0xFFFFFF70] =	vst v1  }
0x35: {  	v1 =	vld [tilespmem:s19+$0xFFFFFC40];
	[tilespmem:s18+$0xFFFFFF80] =	vst v2  }
0x36: {  	[tilespmem:s18+$0xFFFFFF90] =	vst v3;
	v3 =	vld [tilespmem:s19+$0xFFFFFC60]  }
0x37: {  	[tilespmem:s18+$0xFFFFFFA0] =	vst v4;
	v4 =	vld [tilespmem:s19+$0xFFFFFC70]  }
0x38: {  	v2 =	vld [tilespmem:s19+$0xFFFFFC50];
	[tilespmem:s18+$0xA0] =	vst v5  }
0x39: {  	[tilespmem:s18+$0xFFFFFFB0] =	vst v0;
	v0 =	vld [tilespmem:s19+$0x0]  }
0x3a: {  	[tilespmem:s18+$0xFFFFFFC0] =	vst v1;
	v1 =	vld [tilespmem:s19+$0x10]  }
0x3b: {  	[tilespmem:s18+$0xFFFFFFE0] =	vst v3;
	v3 =	vld [tilespmem:s19+$0x30]  }
0x3c: {  	[tilespmem:s18+$0xFFFFFFF0] =	vst v4;
	v4 =	vld [tilespmem:s19+$0x40]  }
0x3d: {  	[tilespmem:s18+$0xFFFFFFD0] =	vst v2;
	v2 =	vld [tilespmem:s19+$0x20]  }
0x3e: {  	[tilespmem:s18+$0x0] =	vst v0;
	v0 =	vld [tilespmem:s19+$0x50]  }
0x3f: {  	[tilespmem:s18+$0x10] =	vst v1;
	v1 =	vld [tilespmem:s19+$0x60]  }
0x40: {  	[tilespmem:s18+$0x30] =	vst v3;
	v3 =	vld [tilespmem:s19+$0x400]  }
0x41: {  	[tilespmem:s18+$0x40] =	vst v4;
	v4 =	vld [tilespmem:s19+$0x410]  }
0x42: {  	[tilespmem:s18+$0x20] =	vst v2;
	v2 =	vld [tilespmem:s19+$0x70]  }
0x43: {  	[tilespmem:s18+$0x50] =	vst v0;
	v0 =	vld [tilespmem:s19+$0x430]  }
0x44: {  	[tilespmem:s18+$0x60] =	vst v1;
	v1 =	vld [tilespmem:s19+$0x440]  }
0x45: {  	[tilespmem:s18+$0x80] =	vst v3;
	v3 =	vld [tilespmem:s19+$0x450]  }
0x46: {  	[tilespmem:s18+$0x90] =	vst v4;
	v4 =	vld [tilespmem:s19+$0x460]  }
0x47: {  	s22 =	simm.s32 $0x0;
	s23 =	sadd.s32 $0x1000, s19;
	s21 =	smov.u32 s18;
	[tilespmem:s18+$0x70] =	vst v2;
	v2 =	vld [tilespmem:s19+$0xFFFFF800]  }
.LBB1_4:
0x48: {  	v5 =	vld [tilespmem:s23+$0x470];
	s22 =	sadd.s32 $0x200, s22;
	[tilespmem:s21+$0xB0] =	vst v0  }
0x49: {  	v0 =	vld [tilespmem:s23+$0xFFFFF810];
	p0 =	slt.u32 s22, $0x600;
	[tilespmem:s21+$0xC0] =	vst v1  }
0x4a: {  	v1 =	vld [tilespmem:s23+$0xFFFFF820];
	[tilespmem:s21+$0xD0] =	vst v3  }
0x4b: {  	v3 =	vld [tilespmem:s23+$0xFFFFF830];
	[tilespmem:s21+$0xE0] =	vst v4  }
0x4c: {  	v4 =	vld [tilespmem:s23+$0xFFFFF840];
	[tilespmem:s21+$0xFFFFFF00] =	vst v2;
	s21 =	sadd.s32 $0x200, s21  }
0x4d: {  	v2 =	vld [tilespmem:s23+$0xFFFFF850];
	[tilespmem:s21+$0xF0] =	vst v5  }
0x4e: {  	[tilespmem:s21+$0xFFFFFF10] =	vst v0;
	v0 =	vld [tilespmem:s23+$0xFFFFF860]  }
0x4f: {  	[tilespmem:s21+$0xFFFFFF20] =	vst v1;
	v1 =	vld [tilespmem:s23+$0xFFFFF870]  }
0x50: {  	[tilespmem:s21+$0xFFFFFF30] =	vst v3;
	v3 =	vld [tilespmem:s23+$0xFFFFFC00]  }
0x51: {  	[tilespmem:s21+$0xFFFFFF40] =	vst v4;
	v4 =	vld [tilespmem:s23+$0xFFFFFC10]  }
0x52: {  	[tilespmem:s21+$0xFFFFFF50] =	vst v2;
	v2 =	vld [tilespmem:s23+$0xFFFFFC20]  }
0x53: {  	[tilespmem:s21+$0xFFFFFF60] =	vst v0;
	v0 =	vld [tilespmem:s23+$0xFFFFFC30]  }
0x54: {  	[tilespmem:s21+$0xFFFFFF70] =	vst v1;
	v1 =	vld [tilespmem:s23+$0xFFFFFC40]  }
0x55: {  	[tilespmem:s21+$0xFFFFFF80] =	vst v3;
	v3 =	vld [tilespmem:s23+$0xFFFFFC50]  }
0x56: {  	[tilespmem:s21+$0xFFFFFF90] =	vst v4;
	v4 =	vld [tilespmem:s23+$0xFFFFFC60]  }
0x57: {  	[tilespmem:s21+$0xFFFFFFA0] =	vst v2;
	v2 =	vld [tilespmem:s23+$0xFFFFFC70]  }
0x58: {  	[tilespmem:s21+$0xFFFFFFB0] =	vst v0;
	v0 =	vld [tilespmem:s23+$0x0]  }
0x59: {  	[tilespmem:s21+$0xFFFFFFC0] =	vst v1;
	v1 =	vld [tilespmem:s23+$0x10]  }
0x5a: {  	[tilespmem:s21+$0xFFFFFFD0] =	vst v3;
	v3 =	vld [tilespmem:s23+$0x20]  }
0x5b: {  	[tilespmem:s21+$0xFFFFFFE0] =	vst v4;
	v4 =	vld [tilespmem:s23+$0x30]  }
0x5c: {  	[tilespmem:s21+$0xFFFFFFF0] =	vst v2;
	v2 =	vld [tilespmem:s23+$0x40]  }
0x5d: {  	[tilespmem:s21+$0x0] =	vst v0;
	v0 =	vld [tilespmem:s23+$0x50]  }
0x5e: {  	[tilespmem:s21+$0x10] =	vst v1;
	v1 =	vld [tilespmem:s23+$0x60]  }
0x5f: {  	[tilespmem:s21+$0x20] =	vst v3;
	v3 =	vld [tilespmem:s23+$0x70]  }
0x60: {  	[tilespmem:s21+$0x30] =	vst v4;
	v4 =	vld [tilespmem:s23+$0x400]  }
0x61: {  	[tilespmem:s21+$0x40] =	vst v2;
	v2 =	vld [tilespmem:s23+$0x410]  }
0x62: {  	[tilespmem:s21+$0x50] =	vst v0;
	v5 =	vld [tilespmem:s23+$0x420]  }
.Ltmp3:
0x63: {  	[tilespmem:s21+$0x60] =	vst v1;
	v0 =	vld [tilespmem:s23+$0x430];
	(pc) =	sbr.rel @p0 .LBB1_4-.Ltmp3, $4  }
0x64: {  	[tilespmem:s21+$0x70] =	vst v3;
	v1 =	vld [tilespmem:s23+$0x440]  }
0x65: {  	[tilespmem:s21+$0x80] =	vst v4;
	v3 =	vld [tilespmem:s23+$0x450]  }
0x66: {  	[tilespmem:s21+$0x90] =	vst v2;
	v4 =	vld [tilespmem:s23+$0x460]  }
0x67: {  	v2 =	vld [tilespmem:s23+$0xFFFFF800];
	[tilespmem:s21+$0xA0] =	vst v5;
	s23 =	sadd.s32 $0x1000, s23  }
0x68: {  	s20 =	sadd.s32 $0x1, s20  }
0x69: {  	p0 =	sne.s32 s20, $0x8  }
.Ltmp4:
0x6a: {  	[tilespmem:s21+$0xB0] =	vst v0;
	(pc) =	sbr.rel @p0 .LBB1_3-.Ltmp4, $4  }
0x6b: {  	[tilespmem:s21+$0xC0] =	vst v1  }
0x6c: {  	[tilespmem:s21+$0xD0] =	vst v3  }
0x6d: {  	[tilespmem:s21+$0xE0] =	vst v4  }
0x6e: {  	s18 =	sadd.s32 $0x800, s18;
	s19 =	sadd.s32 $0x80, s19;
	[tilespmem:s21+$0xFFFFFF00] =	vst v2  }
.Ltmp5:
0x6f: {  	s16 =	sshll.u32 s16, $0x10;
	s15 =	sshll.u32 s15, $0x9;
	(pc) =	sbr.rel .LBB1_7-.Ltmp5, $4  }
0x70: {  	s18 =	sshrl.u32 s14, $0x3;
	s31 =	sand.u32 $0x7, s14;
	s16 =	sadd.s32 s1, s16  }
0x71: {  	s18 =	sand.u32 $0x1FF, s18;
	s14 =	sshll.u32 s31, $0x12;
	s15 =	sadd.s32 s15, s16  }
0x72: {  	s14 =	sor.u32 $0x800, s14;
	s15 =	sadd.s32 s18, s15  }
0x73: {  	[hbm4b:s15+s14] =	stream.strided.scatter [tilespmem:s17], [sflag:$0x2], $0x4000, s8, s14, $0x38;
	[tilespmem:$0x10000] =	vst v63  }
.LBB1_8:
0x74: {  	_ =	sfence.sel $0x180000  }
0x75: {  	s1 =	simm.s32 $0x1;
	[bflag:$0x0] =	sbarrier.arrive $0xFFFF  }
0x76: {  	s31 =	simm.s32 $0x2;
	[sflag:s1] =	ssyncpa.u1 $0x1  }
0x77: {  	[sflag:s31] =	ssyncpa.u1 $0x1  }
0x78: {  	p0 =	sne.s32 s3, $0x0;
	_ =	strace $0x90000047  }
0x79: {  	s0 =	sadd.s32 @!p0 $0x100000, s0;
	[bflag:$0x2] =	sbarrier.arrive $0xFFFF  }
0x7a: {  	[sflag:s0] =	ssyncadd.tile.s32 @!p0 $0x1;
	_ =	shalt  }
.Lfunc_end1:
_tile_overlayer_lowered:
.L_overlay_start_2:
0x7b: {  	(tag) =	ssettag $0x2  }
0x7c: {  	s0 =	rddreg [dreg:$0x0];
	s2 =	stileid.u32  }
0x7d: {  	s1 =	rddreg [dreg:$0x1];
	p0 =	sne.s32 s2, $0x0  }
0x7e: {  	s3 =	rddreg [dreg:$0x2];
	[bflag:$0x3] =	sbarrier.arrive $0xFFFF;
	s2 =	simm.s32 @!p0 $0x1C01  }
0x7f: {  	[timem:s3], [sflag:s2] =	dma.local @!p0 [hbm:s0], s1  }
0x80: {  	s0 =	simm.s32 @!p0 $0x1  }
0x81: {  	_ =	swait.ge @!p0 [sflag:s0], s1  }
0x82: {  	s1 =	ssub.s32 @!p0 $0x0, s1;
	[sflag:s0] =	ssyncset.done @!p0 $0x0  }
0x83: {  	[sflag:s0] =	ssyncadd.s32 @!p0 s1  }
0x84: {  	[bflag:$0x3] =	sbarrier.arrive $0xFFFF  }
0x85: {  	_ =	shalt  }

</sc_bundles>
